<compile_context>
chip_gen: v7x
topology: tpu7x:2x2x1
jax: 0.10.2.dev20260603
libtpu: 0.0.44.dev20260713+nightly
codegen_flags: <defaults>
</compile_context>

<pallas_src>
import functools

import jax
import jax.numpy as jnp
import numpy as np
from jax import lax
from jax.experimental import pallas as pl
from jax.experimental.pallas import tpu as pltpu
from jax.experimental.pallas import tpu_sc as plsc

N_FIELDS = 26
VOCAB = 3
EMB_DIM = 16
H1 = 32
NA = 64

GROUPS = [
    tuple(range(0, 4)),
    tuple(range(4, 8)),
    tuple(range(8, 12)),
    tuple(range(12, 16)),
    tuple(range(16, 20)),
    tuple(range(20, 24)),
    tuple(range(24, 26)),
]
GROUP_SIZES = [len(g) for g in GROUPS]
GROUP_ROWS = [VOCAB ** s for s in GROUP_SIZES]
GROUP_BASES = list(np.cumsum([0] + GROUP_ROWS[:-1]))
TAB_ROWS = int(sum(GROUP_ROWS))


def _build_constants():
  s1 = np.zeros((N_FIELDS * VOCAB, VOCAB), np.float32)
  for f in range(N_FIELDS):
    for v in range(VOCAB):
      s1[f * VOCAB + v, v] = 1.0
  k_sel = np.zeros((H1, N_FIELDS * H1), np.float32)
  for f in range(N_FIELDS):
    for k in range(H1):
      k_sel[k, f * H1 + k] = 1.0
  mask = np.zeros((N_FIELDS * VOCAB, N_FIELDS * H1), np.float32)
  for f in range(N_FIELDS):
    for v in range(VOCAB):
      mask[f * VOCAB + v, f * H1: (f + 1) * H1] = 1.0
  m = np.zeros((TAB_ROWS, N_FIELDS * VOCAB), np.float32)
  for g, fields in enumerate(GROUPS):
    base = GROUP_BASES[g]
    for c in range(GROUP_ROWS[g]):
      rem = c
      for j, f in enumerate(fields):
        digit = (rem // (VOCAB ** (len(fields) - 1 - j))) % VOCAB
        m[base + c, f * VOCAB + digit] = 1.0
  mb = np.zeros((TAB_ROWS, 1), np.float32)
  mb[GROUP_BASES[0]: GROUP_BASES[0] + GROUP_ROWS[0], 0] = 1.0
  return s1, k_sel, mask, m, mb


_S1, _KSEL, _MASK, _M, _MB = _build_constants()


def _table_body(emb_ref, w1_ref, b1_ref, w2_ref, b2_ref, s1_ref, k_ref,
                mask_ref, m_ref, mb_ref, g_ref):
  dot = functools.partial(jnp.dot, preferred_element_type=jnp.float32,
                          precision=jax.lax.Precision.HIGHEST)
  t = dot(emb_ref[:], w1_ref[:]) + b1_ref[:]
  t = jnp.maximum(t, 0.01 * t)
  trows = dot(s1_ref[:], t)
  tb = dot(trows, k_ref[:]) * mask_ref[:]
  call = dot(tb, w2_ref[:])
  g_ref[:] = dot(m_ref[:], call) + dot(mb_ref[:], b2_ref[:])


def _build_table(emb, W1, b1, W2, b2):
  return pl.pallas_call(
      _table_body,
      out_shape=jax.ShapeDtypeStruct((TAB_ROWS, NA), jnp.float32),
  )(emb, W1, b1.reshape(1, H1), W2, b2.reshape(1, NA),
    _S1, _KSEL, _MASK, _M, _MB)


def _make_sc_forward(batch):
  info = plsc.get_sparse_core_info()
  nw = info.num_cores * info.num_subcores
  lanes = info.num_lanes
  assert batch % (nw * lanes) == 0
  spw = batch // nw
  ngrp = spw // lanes
  tab_words = TAB_ROWS * NA

  mesh = plsc.VectorSubcoreMesh(core_axis_name="c", subcore_axis_name="s")

  ngroups = len(GROUPS)
  del tab_words

  @functools.partial(
      pl.kernel,
      out_type=jax.ShapeDtypeStruct((batch * NA,), jnp.float32),
      mesh=mesh,
      compiler_params=pltpu.CompilerParams(needs_layout_passes=False),
      scratch_types=[
          pltpu.VMEM((N_FIELDS, spw), jnp.int32),
          pltpu.VMEM((TAB_ROWS, NA), jnp.float32),
          pltpu.VMEM((2, spw * NA // 4), jnp.float32),
          pltpu.VMEM((spw * lanes,), jnp.int32),
          pltpu.SemaphoreType.DMA,
          pltpu.SemaphoreType.DMA,
          pltpu.SemaphoreType.DMA,
      ],
  )
  def sc_forward(xt_hbm, tab_hbm, out_hbm, xv, tabv, outv, offv, sem0, sem1,
                 semt):
    wid = lax.axis_index("s") * info.num_cores + lax.axis_index("c")
    base = wid * spw
    tab_copy = pltpu.async_copy(tab_hbm, tabv, semt)
    pltpu.sync_copy(xt_hbm.at[:, pl.ds(base, spw)], xv)
    lane = lax.broadcasted_iota(jnp.int32, (lanes,), 0)

    @plsc.parallel_loop(0, ngrp)
    def pack_body(i):
      xs = [xv[f, pl.ds(i * lanes, lanes)] for f in range(N_FIELDS)]
      sbase = (i * lanes + lane) * lanes
      for g, fields in enumerate(GROUPS):
        o = xs[fields[0]]
        for f in fields[1:]:
          o = o * VOCAB + xs[f]
        plsc.store_scatter(offv, [sbase + g], o + GROUP_BASES[g])

    tab_copy.wait()

    cs = spw // 4
    sems = [sem0, sem1]
    copies = [None, None]
    for c in range(4):
      buf = c % 2
      if copies[buf] is not None:
        copies[buf].wait()

      @plsc.parallel_loop(0, cs, unroll=2)
      def sample_body(s, _c=c, _buf=buf):
        ovec = offv[pl.ds((_c * cs + s) * lanes, lanes)]
        rows = [ovec[g] for g in range(ngroups)]
        srow = s * NA
        for j in range(NA // lanes):
          parts = [tabv[r, pl.ds(j * lanes, lanes)] for r in rows]
          while len(parts) > 1:
            parts = [a + b for a, b in zip(parts[::2], parts[1::2])] + (
                [parts[-1]] if len(parts) % 2 else [])
          acc = parts[0]
          acc = jnp.maximum(acc, 0.01 * acc)
          outv[_buf, pl.ds(srow + j * lanes, lanes)] = acc

      copies[buf] = pltpu.async_copy(
          outv.at[buf], out_hbm.at[pl.ds((base + c * cs) * NA, cs * NA)],
          sems[buf])
    copies[0].wait()
    copies[1].wait()

  return sc_forward


def kernel(x, emb, W1, b1, W2, b2):
  batch = x.shape[0]
  table = _build_table(emb, W1, b1, W2, b2)
  sc_forward = _make_sc_forward(batch)
  out = sc_forward(jnp.asarray(x, jnp.int32).T, table)
  return out.reshape(batch, NA)

# --- scband reference (transcript-rebuilt; emitter-appended) ---
"""Pipeline reference for scband-captials-18485539242859 (READ-ONLY COPY).

The authoritative reference and input builder live on the scoring server;
editing this copy changes nothing except your own understanding.
"""

import jax, jax.numpy as jnp
import numpy as np

B = 16384
N_FIELDS = 26
VOCAB = 3
EMB_DIM = 16
H1 = 32
NA = 64

def setup_inputs(seed: int = 0) -> dict:
    key = jax.random.key(seed)
    ks = jax.random.split(key, 6)
    x = jax.random.randint(ks[0], (B, N_FIELDS), 0, VOCAB, dtype=jnp.int64) if jax.config.read('jax_enable_x64') else jax.random.randint(ks[0], (B, N_FIELDS), 0, VOCAB, dtype=jnp.int32)
    emb = jax.random.normal(ks[1], (VOCAB, EMB_DIM), dtype=jnp.float32)
    W1 = jax.random.normal(ks[2], (EMB_DIM, H1), dtype=jnp.float32) * (1.0 / np.sqrt(EMB_DIM))
    b1 = jnp.zeros((H1,), dtype=jnp.float32)
    W2 = jax.random.normal(ks[3], (N_FIELDS * H1, NA), dtype=jnp.float32) * (1.0 / np.sqrt(N_FIELDS * H1))
    b2 = jnp.zeros((NA,), dtype=jnp.float32)
    return {"x": x, "emb": emb, "W1": W1, "b1": b1, "W2": W2, "b2": b2}

def reference(x, emb, W1, b1, W2, b2):
    Bn = x.shape[0]
    y = jnp.take(emb, x, axis=0)              # [B, 26, 16] embedding gather
    y = jax.nn.leaky_relu(y @ W1 + b1, negative_slope=0.01)  # [B, 26, 32]
    y = y.reshape(Bn, -1)                      # [B, 832]
    y = jax.nn.leaky_relu(y @ W2 + b2, negative_slope=0.01)  # [B, nA]
    return y

if __name__ == "__main__":
    import jax
    _d = setup_inputs()
    print(jax.jit(kernel)(*tuple(_d.values())))

</pallas_src>

<mosaic_0001>
#map = affine_map<(d0, d1) -> (0, 0)>
#map1 = affine_map<(d0, d1) -> (0)>
module attributes {stable_mosaic.version = 14 : i64} {
  func.func @sc_forward(%arg0: i32, %arg1: i32, %arg2: memref<26x16384xi32, #tpu.memory_space<hbm>>, %arg3: memref<495x64xf32, #tpu.memory_space<hbm>>, %arg4: memref<1048576xf32, #tpu.memory_space<hbm>>, %arg5: memref<26x512xi32, #tpu.memory_space<vmem>>, %arg6: memref<495x64xf32, #tpu.memory_space<vmem>>, %arg7: memref<2x8192xf32, #tpu.memory_space<vmem>>, %arg8: memref<8192xi32, #tpu.memory_space<vmem>>, %arg9: memref<!tpu.dma_semaphore, #tpu.memory_space<semaphore_mem>>, %arg10: memref<!tpu.dma_semaphore, #tpu.memory_space<semaphore_mem>>, %arg11: memref<!tpu.dma_semaphore, #tpu.memory_space<semaphore_mem>>) attributes {dimension_semantics = [#tpu.dimension_semantics<core_parallel>, #tpu.dimension_semantics<subcore_parallel>], iteration_bounds = array<i64: 2, 16>, scalar_prefetch = 0 : i64, scratch_operands = 7 : i64, tpu.core_type = #tpu.core_type<sc_vector_subcore>, window_params = [{transform_indices = #map}, {transform_indices = #map}, {transform_indices = #map1}]} {
    %mul3A = arith.constant 2 : i32
    %mul3A_0 = arith.muli %arg1, %mul3A : i32
    %add3A = arith.addi %mul3A_0, %arg0 : i32
    %mul3A_1 = arith.constant 512 : i32
    %mul3A_2 = arith.muli %add3A, %mul3A_1 : i32
    tpu.enqueue_dma source(%arg3 : memref<495x64xf32, #tpu.memory_space<hbm>>) target(%arg6 : memref<495x64xf32, #tpu.memory_space<vmem>>) target_semaphore(%arg11 : memref<!tpu.dma_semaphore, #tpu.memory_space<semaphore_mem>>)
    "tpu.region"() ({
      %run_scoped3A = tpu.sem_alloc : memref<!tpu.dma_semaphore, #tpu.memory_space<semaphore_mem>>
      %dma_start3A_103 = arith.constant 0 : i32
      %dma_start3A_104 = tpu.memref_slice %arg2[%dma_start3A_103, %mul3A_2] : memref<26x16384xi32, #tpu.memory_space<hbm>> -> memref<26x512xi32, #tpu.memory_space<hbm>>
      %dma_start3A_105 = arith.constant 0 : i32
      %dma_start3A_106 = tpu.memref_slice %arg2[%dma_start3A_105, %mul3A_2] : memref<26x16384xi32, #tpu.memory_space<hbm>> -> memref<26x512xi32, #tpu.memory_space<hbm>>
      tpu.enqueue_dma source(%dma_start3A_106 : memref<26x512xi32, #tpu.memory_space<hbm>>) target(%arg5 : memref<26x512xi32, #tpu.memory_space<vmem>>) target_semaphore(%run_scoped3A : memref<!tpu.dma_semaphore, #tpu.memory_space<semaphore_mem>>)
      %dma_wait3A_107 = arith.constant 0 : i32
      %dma_wait3A_108 = tpu.memref_slice %arg2[%dma_wait3A_107, %mul3A_2] : memref<26x16384xi32, #tpu.memory_space<hbm>> -> memref<26x512xi32, #tpu.memory_space<hbm>>
      %dma_wait3A_109 = arith.constant 0 : i32
      %dma_wait3A_110 = tpu.memref_slice %arg2[%dma_wait3A_109, %mul3A_2] : memref<26x16384xi32, #tpu.memory_space<hbm>> -> memref<26x512xi32, #tpu.memory_space<hbm>>
      tpu.wait_dma2 semaphore(%run_scoped3A : memref<!tpu.dma_semaphore, #tpu.memory_space<semaphore_mem>>) src(%dma_wait3A_110 : memref<26x512xi32, #tpu.memory_space<hbm>>) dst(%arg5 : memref<26x512xi32, #tpu.memory_space<vmem>>)
      tpu.yield
    }) : () -> ()
    %iota3A = tpu.iota {dimensions = array<i32: 0>} : vector<16xi32>
    %parallel_loop3A = arith.constant 0 : i32
    %parallel_loop3A_3 = arith.constant 32 : i32
    %parallel_loop3A_4 = arith.constant 1 : i32
    scf.for %parallel_loop3A_103 = %parallel_loop3A to %parallel_loop3A_3 step %parallel_loop3A_4  : i32 {
      %parallel_loop3A_104 = arith.constant 16 : i32
      %parallel_loop3A_105 = arith.muli %parallel_loop3A_103, %parallel_loop3A_104 : i32
      %parallel_loop3A_106 = arith.constant 0 : i32
      %parallel_loop3A_107 = arith.index_cast %parallel_loop3A_106 : i32 to index
      %parallel_loop3A_108 = arith.index_cast %parallel_loop3A_105 : i32 to index
      %parallel_loop3A_109 = tpu.vector_load %arg5[%parallel_loop3A_107, %parallel_loop3A_108] {strides = array<i32>} : memref<26x512xi32, #tpu.memory_space<vmem>>, vector<16xi32>,
      %parallel_loop3A_110 = arith.constant 16 : i32
      %parallel_loop3A_111 = arith.muli %parallel_loop3A_103, %parallel_loop3A_110 : i32
      %parallel_loop3A_112 = arith.constant 1 : i32
      %parallel_loop3A_113 = arith.index_cast %parallel_loop3A_112 : i32 to index
      %parallel_loop3A_114 = arith.index_cast %parallel_loop3A_111 : i32 to index
      %parallel_loop3A_115 = tpu.vector_load %arg5[%parallel_loop3A_113, %parallel_loop3A_114] {strides = array<i32>} : memref<26x512xi32, #tpu.memory_space<vmem>>, vector<16xi32>,
      %parallel_loop3A_116 = arith.constant 16 : i32
      %parallel_loop3A_117 = arith.muli %parallel_loop3A_103, %parallel_loop3A_116 : i32
      %parallel_loop3A_118 = arith.constant 2 : i32
      %parallel_loop3A_119 = arith.index_cast %parallel_loop3A_118 : i32 to index
      %parallel_loop3A_120 = arith.index_cast %parallel_loop3A_117 : i32 to index
      %parallel_loop3A_121 = tpu.vector_load %arg5[%parallel_loop3A_119, %parallel_loop3A_120] {strides = array<i32>} : memref<26x512xi32, #tpu.memory_space<vmem>>, vector<16xi32>,
      %parallel_loop3A_122 = arith.constant 16 : i32
      %parallel_loop3A_123 = arith.muli %parallel_loop3A_103, %parallel_loop3A_122 : i32
      %parallel_loop3A_124 = arith.constant 3 : i32
      %parallel_loop3A_125 = arith.index_cast %parallel_loop3A_124 : i32 to index
      %parallel_loop3A_126 = arith.index_cast %parallel_loop3A_123 : i32 to index
      %parallel_loop3A_127 = tpu.vector_load %arg5[%parallel_loop3A_125, %parallel_loop3A_126] {strides = array<i32>} : memref<26x512xi32, #tpu.memory_space<vmem>>, vector<16xi32>,
      %parallel_loop3A_128 = arith.constant 16 : i32
      %parallel_loop3A_129 = arith.muli %parallel_loop3A_103, %parallel_loop3A_128 : i32
      %parallel_loop3A_130 = arith.constant 4 : i32
      %parallel_loop3A_131 = arith.index_cast %parallel_loop3A_130 : i32 to index
      %parallel_loop3A_132 = arith.index_cast %parallel_loop3A_129 : i32 to index
      %parallel_loop3A_133 = tpu.vector_load %arg5[%parallel_loop3A_131, %parallel_loop3A_132] {strides = array<i32>} : memref<26x512xi32, #tpu.memory_space<vmem>>, vector<16xi32>,
      %parallel_loop3A_134 = arith.constant 16 : i32
      %parallel_loop3A_135 = arith.muli %parallel_loop3A_103, %parallel_loop3A_134 : i32
      %parallel_loop3A_136 = arith.constant 5 : i32
      %parallel_loop3A_137 = arith.index_cast %parallel_loop3A_136 : i32 to index
      %parallel_loop3A_138 = arith.index_cast %parallel_loop3A_135 : i32 to index
      %parallel_loop3A_139 = tpu.vector_load %arg5[%parallel_loop3A_137, %parallel_loop3A_138] {strides = array<i32>} : memref<26x512xi32, #tpu.memory_space<vmem>>, vector<16xi32>,
      %parallel_loop3A_140 = arith.constant 16 : i32
      %parallel_loop3A_141 = arith.muli %parallel_loop3A_103, %parallel_loop3A_140 : i32
      %parallel_loop3A_142 = arith.constant 6 : i32
      %parallel_loop3A_143 = arith.index_cast %parallel_loop3A_142 : i32 to index
      %parallel_loop3A_144 = arith.index_cast %parallel_loop3A_141 : i32 to index
      %parallel_loop3A_145 = tpu.vector_load %arg5[%parallel_loop3A_143, %parallel_loop3A_144] {strides = array<i32>} : memref<26x512xi32, #tpu.memory_space<vmem>>, vector<16xi32>,
      %parallel_loop3A_146 = arith.constant 16 : i32
      %parallel_loop3A_147 = arith.muli %parallel_loop3A_103, %parallel_loop3A_146 : i32
      %parallel_loop3A_148 = arith.constant 7 : i32
      %parallel_loop3A_149 = arith.index_cast %parallel_loop3A_148 : i32 to index
      %parallel_loop3A_150 = arith.index_cast %parallel_loop3A_147 : i32 to index
      %parallel_loop3A_151 = tpu.vector_load %arg5[%parallel_loop3A_149, %parallel_loop3A_150] {strides = array<i32>} : memref<26x512xi32, #tpu.memory_space<vmem>>, vector<16xi32>,
      %parallel_loop3A_152 = arith.constant 16 : i32
      %parallel_loop3A_153 = arith.muli %parallel_loop3A_103, %parallel_loop3A_152 : i32
      %parallel_loop3A_154 = arith.constant 8 : i32
      %parallel_loop3A_155 = arith.index_cast %parallel_loop3A_154 : i32 to index
      %parallel_loop3A_156 = arith.index_cast %parallel_loop3A_153 : i32 to index
      %parallel_loop3A_157 = tpu.vector_load %arg5[%parallel_loop3A_155, %parallel_loop3A_156] {strides = array<i32>} : memref<26x512xi32, #tpu.memory_space<vmem>>, vector<16xi32>,
      %parallel_loop3A_158 = arith.constant 16 : i32
      %parallel_loop3A_159 = arith.muli %parallel_loop3A_103, %parallel_loop3A_158 : i32
      %parallel_loop3A_160 = arith.constant 9 : i32
      %parallel_loop3A_161 = arith.index_cast %parallel_loop3A_160 : i32 to index
      %parallel_loop3A_162 = arith.index_cast %parallel_loop3A_159 : i32 to index
      %parallel_loop3A_163 = tpu.vector_load %arg5[%parallel_loop3A_161, %parallel_loop3A_162] {strides = array<i32>} : memref<26x512xi32, #tpu.memory_space<vmem>>, vector<16xi32>,
      %parallel_loop3A_164 = arith.constant 16 : i32
      %parallel_loop3A_165 = arith.muli %parallel_loop3A_103, %parallel_loop3A_164 : i32
      %parallel_loop3A_166 = arith.constant 10 : i32
      %parallel_loop3A_167 = arith.index_cast %parallel_loop3A_166 : i32 to index
      %parallel_loop3A_168 = arith.index_cast %parallel_loop3A_165 : i32 to index
      %parallel_loop3A_169 = tpu.vector_load %arg5[%parallel_loop3A_167, %parallel_loop3A_168] {strides = array<i32>} : memref<26x512xi32, #tpu.memory_space<vmem>>, vector<16xi32>,
      %parallel_loop3A_170 = arith.constant 16 : i32
      %parallel_loop3A_171 = arith.muli %parallel_loop3A_103, %parallel_loop3A_170 : i32
      %parallel_loop3A_172 = arith.constant 11 : i32
      %parallel_loop3A_173 = arith.index_cast %parallel_loop3A_172 : i32 to index
      %parallel_loop3A_174 = arith.index_cast %parallel_loop3A_171 : i32 to index
      %parallel_loop3A_175 = tpu.vector_load %arg5[%parallel_loop3A_173, %parallel_loop3A_174] {strides = array<i32>} : memref<26x512xi32, #tpu.memory_space<vmem>>, vector<16xi32>,
      %parallel_loop3A_176 = arith.constant 16 : i32
      %parallel_loop3A_177 = arith.muli %parallel_loop3A_103, %parallel_loop3A_176 : i32
      %parallel_loop3A_178 = arith.constant 12 : i32
      %parallel_loop3A_179 = arith.index_cast %parallel_loop3A_178 : i32 to index
      %parallel_loop3A_180 = arith.index_cast %parallel_loop3A_177 : i32 to index
      %parallel_loop3A_181 = tpu.vector_load %arg5[%parallel_loop3A_179, %parallel_loop3A_180] {strides = array<i32>} : memref<26x512xi32, #tpu.memory_space<vmem>>, vector<16xi32>,
      %parallel_loop3A_182 = arith.constant 16 : i32
      %parallel_loop3A_183 = arith.muli %parallel_loop3A_103, %parallel_loop3A_182 : i32
      %parallel_loop3A_184 = arith.constant 13 : i32
      %parallel_loop3A_185 = arith.index_cast %parallel_loop3A_184 : i32 to index
      %parallel_loop3A_186 = arith.index_cast %parallel_loop3A_183 : i32 to index
      %parallel_loop3A_187 = tpu.vector_load %arg5[%parallel_loop3A_185, %parallel_loop3A_186] {strides = array<i32>} : memref<26x512xi32, #tpu.memory_space<vmem>>, vector<16xi32>,
      %parallel_loop3A_188 = arith.constant 16 : i32
      %parallel_loop3A_189 = arith.muli %parallel_loop3A_103, %parallel_loop3A_188 : i32
      %parallel_loop3A_190 = arith.constant 14 : i32
      %parallel_loop3A_191 = arith.index_cast %parallel_loop3A_190 : i32 to index
      %parallel_loop3A_192 = arith.index_cast %parallel_loop3A_189 : i32 to index
      %parallel_loop3A_193 = tpu.vector_load %arg5[%parallel_loop3A_191, %parallel_loop3A_192] {strides = array<i32>} : memref<26x512xi32, #tpu.memory_space<vmem>>, vector<16xi32>,
      %parallel_loop3A_194 = arith.constant 16 : i32
      %parallel_loop3A_195 = arith.muli %parallel_loop3A_103, %parallel_loop3A_194 : i32
      %parallel_loop3A_196 = arith.constant 15 : i32
      %parallel_loop3A_197 = arith.index_cast %parallel_loop3A_196 : i32 to index
      %parallel_loop3A_198 = arith.index_cast %parallel_loop3A_195 : i32 to index
      %parallel_loop3A_199 = tpu.vector_load %arg5[%parallel_loop3A_197, %parallel_loop3A_198] {strides = array<i32>} : memref<26x512xi32, #tpu.memory_space<vmem>>, vector<16xi32>,
      %parallel_loop3A_200 = arith.constant 16 : i32
      %parallel_loop3A_201 = arith.muli %parallel_loop3A_103, %parallel_loop3A_200 : i32
      %parallel_loop3A_202 = arith.constant 16 : i32
      %parallel_loop3A_203 = arith.index_cast %parallel_loop3A_202 : i32 to index
      %parallel_loop3A_204 = arith.index_cast %parallel_loop3A_201 : i32 to index
      %parallel_loop3A_205 = tpu.vector_load %arg5[%parallel_loop3A_203, %parallel_loop3A_204] {strides = array<i32>} : memref<26x512xi32, #tpu.memory_space<vmem>>, vector<16xi32>,
      %parallel_loop3A_206 = arith.constant 16 : i32
      %parallel_loop3A_207 = arith.muli %parallel_loop3A_103, %parallel_loop3A_206 : i32
      %parallel_loop3A_208 = arith.constant 17 : i32
      %parallel_loop3A_209 = arith.index_cast %parallel_loop3A_208 : i32 to index
      %parallel_loop3A_210 = arith.index_cast %parallel_loop3A_207 : i32 to index
      %parallel_loop3A_211 = tpu.vector_load %arg5[%parallel_loop3A_209, %parallel_loop3A_210] {strides = array<i32>} : memref<26x512xi32, #tpu.memory_space<vmem>>, vector<16xi32>,
      %parallel_loop3A_212 = arith.constant 16 : i32
      %parallel_loop3A_213 = arith.muli %parallel_loop3A_103, %parallel_loop3A_212 : i32
      %parallel_loop3A_214 = arith.constant 18 : i32
      %parallel_loop3A_215 = arith.index_cast %parallel_loop3A_214 : i32 to index
      %parallel_loop3A_216 = arith.index_cast %parallel_loop3A_213 : i32 to index
      %parallel_loop3A_217 = tpu.vector_load %arg5[%parallel_loop3A_215, %parallel_loop3A_216] {strides = array<i32>} : memref<26x512xi32, #tpu.memory_space<vmem>>, vector<16xi32>,
      %parallel_loop3A_218 = arith.constant 16 : i32
      %parallel_loop3A_219 = arith.muli %parallel_loop3A_103, %parallel_loop3A_218 : i32
      %parallel_loop3A_220 = arith.constant 19 : i32
      %parallel_loop3A_221 = arith.index_cast %parallel_loop3A_220 : i32 to index
      %parallel_loop3A_222 = arith.index_cast %parallel_loop3A_219 : i32 to index
      %parallel_loop3A_223 = tpu.vector_load %arg5[%parallel_loop3A_221, %parallel_loop3A_222] {strides = array<i32>} : memref<26x512xi32, #tpu.memory_space<vmem>>, vector<16xi32>,
      %parallel_loop3A_224 = arith.constant 16 : i32
      %parallel_loop3A_225 = arith.muli %parallel_loop3A_103, %parallel_loop3A_224 : i32
      %parallel_loop3A_226 = arith.constant 20 : i32
      %parallel_loop3A_227 = arith.index_cast %parallel_loop3A_226 : i32 to index
      %parallel_loop3A_228 = arith.index_cast %parallel_loop3A_225 : i32 to index
      %parallel_loop3A_229 = tpu.vector_load %arg5[%parallel_loop3A_227, %parallel_loop3A_228] {strides = array<i32>} : memref<26x512xi32, #tpu.memory_space<vmem>>, vector<16xi32>,
      %parallel_loop3A_230 = arith.constant 16 : i32
      %parallel_loop3A_231 = arith.muli %parallel_loop3A_103, %parallel_loop3A_230 : i32
      %parallel_loop3A_232 = arith.constant 21 : i32
      %parallel_loop3A_233 = arith.index_cast %parallel_loop3A_232 : i32 to index
      %parallel_loop3A_234 = arith.index_cast %parallel_loop3A_231 : i32 to index
      %parallel_loop3A_235 = tpu.vector_load %arg5[%parallel_loop3A_233, %parallel_loop3A_234] {strides = array<i32>} : memref<26x512xi32, #tpu.memory_space<vmem>>, vector<16xi32>,
      %parallel_loop3A_236 = arith.constant 16 : i32
      %parallel_loop3A_237 = arith.muli %parallel_loop3A_103, %parallel_loop3A_236 : i32
      %parallel_loop3A_238 = arith.constant 22 : i32
      %parallel_loop3A_239 = arith.index_cast %parallel_loop3A_238 : i32 to index
      %parallel_loop3A_240 = arith.index_cast %parallel_loop3A_237 : i32 to index
      %parallel_loop3A_241 = tpu.vector_load %arg5[%parallel_loop3A_239, %parallel_loop3A_240] {strides = array<i32>} : memref<26x512xi32, #tpu.memory_space<vmem>>, vector<16xi32>,
      %parallel_loop3A_242 = arith.constant 16 : i32
      %parallel_loop3A_243 = arith.muli %parallel_loop3A_103, %parallel_loop3A_242 : i32
      %parallel_loop3A_244 = arith.constant 23 : i32
      %parallel_loop3A_245 = arith.index_cast %parallel_loop3A_244 : i32 to index
      %parallel_loop3A_246 = arith.index_cast %parallel_loop3A_243 : i32 to index
      %parallel_loop3A_247 = tpu.vector_load %arg5[%parallel_loop3A_245, %parallel_loop3A_246] {strides = array<i32>} : memref<26x512xi32, #tpu.memory_space<vmem>>, vector<16xi32>,
      %parallel_loop3A_248 = arith.constant 16 : i32
      %parallel_loop3A_249 = arith.muli %parallel_loop3A_103, %parallel_loop3A_248 : i32
      %parallel_loop3A_250 = arith.constant 24 : i32
      %parallel_loop3A_251 = arith.index_cast %parallel_loop3A_250 : i32 to index
      %parallel_loop3A_252 = arith.index_cast %parallel_loop3A_249 : i32 to index
      %parallel_loop3A_253 = tpu.vector_load %arg5[%parallel_loop3A_251, %parallel_loop3A_252] {strides = array<i32>} : memref<26x512xi32, #tpu.memory_space<vmem>>, vector<16xi32>,
      %parallel_loop3A_254 = arith.constant 16 : i32
      %parallel_loop3A_255 = arith.muli %parallel_loop3A_103, %parallel_loop3A_254 : i32
      %parallel_loop3A_256 = arith.constant 25 : i32
      %parallel_loop3A_257 = arith.index_cast %parallel_loop3A_256 : i32 to index
      %parallel_loop3A_258 = arith.index_cast %parallel_loop3A_255 : i32 to index
      %parallel_loop3A_259 = tpu.vector_load %arg5[%parallel_loop3A_257, %parallel_loop3A_258] {strides = array<i32>} : memref<26x512xi32, #tpu.memory_space<vmem>>, vector<16xi32>,
      %parallel_loop3A_260 = arith.constant 16 : i32
      %parallel_loop3A_261 = arith.muli %parallel_loop3A_103, %parallel_loop3A_260 : i32
      %parallel_loop3A_262 = vector.broadcast %parallel_loop3A_261 : i32 to vector<16xi32>
      %parallel_loop3A_263 = arith.addi %parallel_loop3A_262, %iota3A : vector<16xi32>
      %parallel_loop3A_264 = arith.constant 16 : i32
      %parallel_loop3A_265 = vector.broadcast %parallel_loop3A_264 : i32 to vector<16xi32>
      %parallel_loop3A_266 = arith.muli %parallel_loop3A_263, %parallel_loop3A_265 : vector<16xi32>
      %parallel_loop3A_267 = arith.constant 3 : i32
      %parallel_loop3A_268 = vector.broadcast %parallel_loop3A_267 : i32 to vector<16xi32>
      %parallel_loop3A_269 = arith.muli %parallel_loop3A_109, %parallel_loop3A_268 : vector<16xi32>
      %parallel_loop3A_270 = arith.addi %parallel_loop3A_269, %parallel_loop3A_115 : vector<16xi32>
      %parallel_loop3A_271 = arith.constant 3 : i32
      %parallel_loop3A_272 = vector.broadcast %parallel_loop3A_271 : i32 to vector<16xi32>
      %parallel_loop3A_273 = arith.muli %parallel_loop3A_270, %parallel_loop3A_272 : vector<16xi32>
      %parallel_loop3A_274 = arith.addi %parallel_loop3A_273, %parallel_loop3A_121 : vector<16xi32>
      %parallel_loop3A_275 = arith.constant 3 : i32
      %parallel_loop3A_276 = vector.broadcast %parallel_loop3A_275 : i32 to vector<16xi32>
      %parallel_loop3A_277 = arith.muli %parallel_loop3A_274, %parallel_loop3A_276 : vector<16xi32>
      %parallel_loop3A_278 = arith.addi %parallel_loop3A_277, %parallel_loop3A_127 : vector<16xi32>
      %parallel_loop3A_279 = arith.constant 0 : i32
      %parallel_loop3A_280 = vector.broadcast %parallel_loop3A_279 : i32 to vector<16xi32>
      %parallel_loop3A_281 = arith.addi %parallel_loop3A_266, %parallel_loop3A_280 : vector<16xi32>
      %parallel_loop3A_282 = arith.constant 0 : i32
      %parallel_loop3A_283 = vector.broadcast %parallel_loop3A_282 : i32 to vector<16xi32>
      %parallel_loop3A_284 = arith.addi %parallel_loop3A_278, %parallel_loop3A_283 : vector<16xi32>
      tpu.vector_store_idx %arg8[%parallel_loop3A_281], %parallel_loop3A_284 : memref<8192xi32, #tpu.memory_space<vmem>>[vector<16xi32>], vector<16xi32>,
      %parallel_loop3A_285 = arith.constant 3 : i32
      %parallel_loop3A_286 = vector.broadcast %parallel_loop3A_285 : i32 to vector<16xi32>
      %parallel_loop3A_287 = arith.muli %parallel_loop3A_133, %parallel_loop3A_286 : vector<16xi32>
      %parallel_loop3A_288 = arith.addi %parallel_loop3A_287, %parallel_loop3A_139 : vector<16xi32>
      %parallel_loop3A_289 = arith.constant 3 : i32
      %parallel_loop3A_290 = vector.broadcast %parallel_loop3A_289 : i32 to vector<16xi32>
      %parallel_loop3A_291 = arith.muli %parallel_loop3A_288, %parallel_loop3A_290 : vector<16xi32>
      %parallel_loop3A_292 = arith.addi %parallel_loop3A_291, %parallel_loop3A_145 : vector<16xi32>
      %parallel_loop3A_293 = arith.constant 3 : i32
      %parallel_loop3A_294 = vector.broadcast %parallel_loop3A_293 : i32 to vector<16xi32>
      %parallel_loop3A_295 = arith.muli %parallel_loop3A_292, %parallel_loop3A_294 : vector<16xi32>
      %parallel_loop3A_296 = arith.addi %parallel_loop3A_295, %parallel_loop3A_151 : vector<16xi32>
      %parallel_loop3A_297 = arith.constant 1 : i32
      %parallel_loop3A_298 = vector.broadcast %parallel_loop3A_297 : i32 to vector<16xi32>
      %parallel_loop3A_299 = arith.addi %parallel_loop3A_266, %parallel_loop3A_298 : vector<16xi32>
      %parallel_loop3A_300 = arith.constant 81 : i32
      %parallel_loop3A_301 = vector.broadcast %parallel_loop3A_300 : i32 to vector<16xi32>
      %parallel_loop3A_302 = arith.addi %parallel_loop3A_296, %parallel_loop3A_301 : vector<16xi32>
      tpu.vector_store_idx %arg8[%parallel_loop3A_299], %parallel_loop3A_302 : memref<8192xi32, #tpu.memory_space<vmem>>[vector<16xi32>], vector<16xi32>,
      %parallel_loop3A_303 = arith.constant 3 : i32
      %parallel_loop3A_304 = vector.broadcast %parallel_loop3A_303 : i32 to vector<16xi32>
      %parallel_loop3A_305 = arith.muli %parallel_loop3A_157, %parallel_loop3A_304 : vector<16xi32>
      %parallel_loop3A_306 = arith.addi %parallel_loop3A_305, %parallel_loop3A_163 : vector<16xi32>
      %parallel_loop3A_307 = arith.constant 3 : i32
      %parallel_loop3A_308 = vector.broadcast %parallel_loop3A_307 : i32 to vector<16xi32>
      %parallel_loop3A_309 = arith.muli %parallel_loop3A_306, %parallel_loop3A_308 : vector<16xi32>
      %parallel_loop3A_310 = arith.addi %parallel_loop3A_309, %parallel_loop3A_169 : vector<16xi32>
      %parallel_loop3A_311 = arith.constant 3 : i32
      %parallel_loop3A_312 = vector.broadcast %parallel_loop3A_311 : i32 to vector<16xi32>
      %parallel_loop3A_313 = arith.muli %parallel_loop3A_310, %parallel_loop3A_312 : vector<16xi32>
      %parallel_loop3A_314 = arith.addi %parallel_loop3A_313, %parallel_loop3A_175 : vector<16xi32>
      %parallel_loop3A_315 = arith.constant 2 : i32
      %parallel_loop3A_316 = vector.broadcast %parallel_loop3A_315 : i32 to vector<16xi32>
      %parallel_loop3A_317 = arith.addi %parallel_loop3A_266, %parallel_loop3A_316 : vector<16xi32>
      %parallel_loop3A_318 = arith.constant 162 : i32
      %parallel_loop3A_319 = vector.broadcast %parallel_loop3A_318 : i32 to vector<16xi32>
      %parallel_loop3A_320 = arith.addi %parallel_loop3A_314, %parallel_loop3A_319 : vector<16xi32>
      tpu.vector_store_idx %arg8[%parallel_loop3A_317], %parallel_loop3A_320 : memref<8192xi32, #tpu.memory_space<vmem>>[vector<16xi32>], vector<16xi32>,
      %parallel_loop3A_321 = arith.constant 3 : i32
      %parallel_loop3A_322 = vector.broadcast %parallel_loop3A_321 : i32 to vector<16xi32>
      %parallel_loop3A_323 = arith.muli %parallel_loop3A_181, %parallel_loop3A_322 : vector<16xi32>
      %parallel_loop3A_324 = arith.addi %parallel_loop3A_323, %parallel_loop3A_187 : vector<16xi32>
      %parallel_loop3A_325 = arith.constant 3 : i32
      %parallel_loop3A_326 = vector.broadcast %parallel_loop3A_325 : i32 to vector<16xi32>
      %parallel_loop3A_327 = arith.muli %parallel_loop3A_324, %parallel_loop3A_326 : vector<16xi32>
      %parallel_loop3A_328 = arith.addi %parallel_loop3A_327, %parallel_loop3A_193 : vector<16xi32>
      %parallel_loop3A_329 = arith.constant 3 : i32
      %parallel_loop3A_330 = vector.broadcast %parallel_loop3A_329 : i32 to vector<16xi32>
      %parallel_loop3A_331 = arith.muli %parallel_loop3A_328, %parallel_loop3A_330 : vector<16xi32>
      %parallel_loop3A_332 = arith.addi %parallel_loop3A_331, %parallel_loop3A_199 : vector<16xi32>
      %parallel_loop3A_333 = arith.constant 3 : i32
      %parallel_loop3A_334 = vector.broadcast %parallel_loop3A_333 : i32 to vector<16xi32>
      %parallel_loop3A_335 = arith.addi %parallel_loop3A_266, %parallel_loop3A_334 : vector<16xi32>
      %parallel_loop3A_336 = arith.constant 243 : i32
      %parallel_loop3A_337 = vector.broadcast %parallel_loop3A_336 : i32 to vector<16xi32>
      %parallel_loop3A_338 = arith.addi %parallel_loop3A_332, %parallel_loop3A_337 : vector<16xi32>
      tpu.vector_store_idx %arg8[%parallel_loop3A_335], %parallel_loop3A_338 : memref<8192xi32, #tpu.memory_space<vmem>>[vector<16xi32>], vector<16xi32>,
      %parallel_loop3A_339 = arith.constant 3 : i32
      %parallel_loop3A_340 = vector.broadcast %parallel_loop3A_339 : i32 to vector<16xi32>
      %parallel_loop3A_341 = arith.muli %parallel_loop3A_205, %parallel_loop3A_340 : vector<16xi32>
      %parallel_loop3A_342 = arith.addi %parallel_loop3A_341, %parallel_loop3A_211 : vector<16xi32>
      %parallel_loop3A_343 = arith.constant 3 : i32
      %parallel_loop3A_344 = vector.broadcast %parallel_loop3A_343 : i32 to vector<16xi32>
      %parallel_loop3A_345 = arith.muli %parallel_loop3A_342, %parallel_loop3A_344 : vector<16xi32>
      %parallel_loop3A_346 = arith.addi %parallel_loop3A_345, %parallel_loop3A_217 : vector<16xi32>
      %parallel_loop3A_347 = arith.constant 3 : i32
      %parallel_loop3A_348 = vector.broadcast %parallel_loop3A_347 : i32 to vector<16xi32>
      %parallel_loop3A_349 = arith.muli %parallel_loop3A_346, %parallel_loop3A_348 : vector<16xi32>
      %parallel_loop3A_350 = arith.addi %parallel_loop3A_349, %parallel_loop3A_223 : vector<16xi32>
      %parallel_loop3A_351 = arith.constant 4 : i32
      %parallel_loop3A_352 = vector.broadcast %parallel_loop3A_351 : i32 to vector<16xi32>
      %parallel_loop3A_353 = arith.addi %parallel_loop3A_266, %parallel_loop3A_352 : vector<16xi32>
      %parallel_loop3A_354 = arith.constant 324 : i32
      %parallel_loop3A_355 = vector.broadcast %parallel_loop3A_354 : i32 to vector<16xi32>
      %parallel_loop3A_356 = arith.addi %parallel_loop3A_350, %parallel_loop3A_355 : vector<16xi32>
      tpu.vector_store_idx %arg8[%parallel_loop3A_353], %parallel_loop3A_356 : memref<8192xi32, #tpu.memory_space<vmem>>[vector<16xi32>], vector<16xi32>,
      %parallel_loop3A_357 = arith.constant 3 : i32
      %parallel_loop3A_358 = vector.broadcast %parallel_loop3A_357 : i32 to vector<16xi32>
      %parallel_loop3A_359 = arith.muli %parallel_loop3A_229, %parallel_loop3A_358 : vector<16xi32>
      %parallel_loop3A_360 = arith.addi %parallel_loop3A_359, %parallel_loop3A_235 : vector<16xi32>
      %parallel_loop3A_361 = arith.constant 3 : i32
      %parallel_loop3A_362 = vector.broadcast %parallel_loop3A_361 : i32 to vector<16xi32>
      %parallel_loop3A_363 = arith.muli %parallel_loop3A_360, %parallel_loop3A_362 : vector<16xi32>
      %parallel_loop3A_364 = arith.addi %parallel_loop3A_363, %parallel_loop3A_241 : vector<16xi32>
      %parallel_loop3A_365 = arith.constant 3 : i32
      %parallel_loop3A_366 = vector.broadcast %parallel_loop3A_365 : i32 to vector<16xi32>
      %parallel_loop3A_367 = arith.muli %parallel_loop3A_364, %parallel_loop3A_366 : vector<16xi32>
      %parallel_loop3A_368 = arith.addi %parallel_loop3A_367, %parallel_loop3A_247 : vector<16xi32>
      %parallel_loop3A_369 = arith.constant 5 : i32
      %parallel_loop3A_370 = vector.broadcast %parallel_loop3A_369 : i32 to vector<16xi32>
      %parallel_loop3A_371 = arith.addi %parallel_loop3A_266, %parallel_loop3A_370 : vector<16xi32>
      %parallel_loop3A_372 = arith.constant 405 : i32
      %parallel_loop3A_373 = vector.broadcast %parallel_loop3A_372 : i32 to vector<16xi32>
      %parallel_loop3A_374 = arith.addi %parallel_loop3A_368, %parallel_loop3A_373 : vector<16xi32>
      tpu.vector_store_idx %arg8[%parallel_loop3A_371], %parallel_loop3A_374 : memref<8192xi32, #tpu.memory_space<vmem>>[vector<16xi32>], vector<16xi32>,
      %parallel_loop3A_375 = arith.constant 3 : i32
      %parallel_loop3A_376 = vector.broadcast %parallel_loop3A_375 : i32 to vector<16xi32>
      %parallel_loop3A_377 = arith.muli %parallel_loop3A_253, %parallel_loop3A_376 : vector<16xi32>
      %parallel_loop3A_378 = arith.addi %parallel_loop3A_377, %parallel_loop3A_259 : vector<16xi32>
      %parallel_loop3A_379 = arith.constant 6 : i32
      %parallel_loop3A_380 = vector.broadcast %parallel_loop3A_379 : i32 to vector<16xi32>
      %parallel_loop3A_381 = arith.addi %parallel_loop3A_266, %parallel_loop3A_380 : vector<16xi32>
      %parallel_loop3A_382 = arith.constant 486 : i32
      %parallel_loop3A_383 = vector.broadcast %parallel_loop3A_382 : i32 to vector<16xi32>
      %parallel_loop3A_384 = arith.addi %parallel_loop3A_378, %parallel_loop3A_383 : vector<16xi32>
      tpu.vector_store_idx %arg8[%parallel_loop3A_381], %parallel_loop3A_384 : memref<8192xi32, #tpu.memory_space<vmem>>[vector<16xi32>], vector<16xi32>,
    } {sc.loop_unroll_factor = 1 : i64, sc.parallel_access}
    tpu.wait_dma2 semaphore(%arg11 : memref<!tpu.dma_semaphore, #tpu.memory_space<semaphore_mem>>) src(%arg3 : memref<495x64xf32, #tpu.memory_space<hbm>>) dst(%arg6 : memref<495x64xf32, #tpu.memory_space<vmem>>)
    %parallel_loop3A_5 = arith.constant 0 : i32
    %parallel_loop3A_6 = arith.constant 128 : i32
    %parallel_loop3A_7 = arith.constant 1 : i32
    scf.for %parallel_loop3A_103 = %parallel_loop3A_5 to %parallel_loop3A_6 step %parallel_loop3A_7  : i32 {
      %parallel_loop3A_104 = arith.constant 0 : i32
      %parallel_loop3A_105 = arith.addi %parallel_loop3A_104, %parallel_loop3A_103 : i32
      %parallel_loop3A_106 = arith.constant 16 : i32
      %parallel_loop3A_107 = arith.muli %parallel_loop3A_105, %parallel_loop3A_106 : i32
      %parallel_loop3A_108 = arith.index_cast %parallel_loop3A_107 : i32 to index
      %parallel_loop3A_109 = tpu.vector_load %arg8[%parallel_loop3A_108] {strides = array<i32>} : memref<8192xi32, #tpu.memory_space<vmem>>, vector<16xi32>,
      %parallel_loop3A_110 = vector.extract_strided_slice %parallel_loop3A_109 {offsets = [0], sizes = [1], strides = [1]} : vector<16xi32> to vector<1xi32>
      %parallel_loop3A_111 = vector.extract %parallel_loop3A_110[0] : i32 from vector<1xi32>
      %parallel_loop3A_112 = vector.extract_strided_slice %parallel_loop3A_109 {offsets = [1], sizes = [1], strides = [1]} : vector<16xi32> to vector<1xi32>
      %parallel_loop3A_113 = vector.extract %parallel_loop3A_112[0] : i32 from vector<1xi32>
      %parallel_loop3A_114 = vector.extract_strided_slice %parallel_loop3A_109 {offsets = [2], sizes = [1], strides = [1]} : vector<16xi32> to vector<1xi32>
      %parallel_loop3A_115 = vector.extract %parallel_loop3A_114[0] : i32 from vector<1xi32>
      %parallel_loop3A_116 = vector.extract_strided_slice %parallel_loop3A_109 {offsets = [3], sizes = [1], strides = [1]} : vector<16xi32> to vector<1xi32>
      %parallel_loop3A_117 = vector.extract %parallel_loop3A_116[0] : i32 from vector<1xi32>
      %parallel_loop3A_118 = vector.extract_strided_slice %parallel_loop3A_109 {offsets = [4], sizes = [1], strides = [1]} : vector<16xi32> to vector<1xi32>
      %parallel_loop3A_119 = vector.extract %parallel_loop3A_118[0] : i32 from vector<1xi32>
      %parallel_loop3A_120 = vector.extract_strided_slice %parallel_loop3A_109 {offsets = [5], sizes = [1], strides = [1]} : vector<16xi32> to vector<1xi32>
      %parallel_loop3A_121 = vector.extract %parallel_loop3A_120[0] : i32 from vector<1xi32>
      %parallel_loop3A_122 = vector.extract_strided_slice %parallel_loop3A_109 {offsets = [6], sizes = [1], strides = [1]} : vector<16xi32> to vector<1xi32>
      %parallel_loop3A_123 = vector.extract %parallel_loop3A_122[0] : i32 from vector<1xi32>
      %parallel_loop3A_124 = arith.constant 64 : i32
      %parallel_loop3A_125 = arith.muli %parallel_loop3A_103, %parallel_loop3A_124 : i32
      %parallel_loop3A_126 = arith.index_cast %parallel_loop3A_111 : i32 to index
      %parallel_loop3A_127 = arith.constant 0 : index
      %parallel_loop3A_128 = tpu.vector_load %arg6[%parallel_loop3A_126, %parallel_loop3A_127] {strides = array<i32>} : memref<495x64xf32, #tpu.memory_space<vmem>>, vector<16xf32>,
      %parallel_loop3A_129 = arith.index_cast %parallel_loop3A_113 : i32 to index
      %parallel_loop3A_130 = arith.constant 0 : index
      %parallel_loop3A_131 = tpu.vector_load %arg6[%parallel_loop3A_129, %parallel_loop3A_130] {strides = array<i32>} : memref<495x64xf32, #tpu.memory_space<vmem>>, vector<16xf32>,
      %parallel_loop3A_132 = arith.index_cast %parallel_loop3A_115 : i32 to index
      %parallel_loop3A_133 = arith.constant 0 : index
      %parallel_loop3A_134 = tpu.vector_load %arg6[%parallel_loop3A_132, %parallel_loop3A_133] {strides = array<i32>} : memref<495x64xf32, #tpu.memory_space<vmem>>, vector<16xf32>,
      %parallel_loop3A_135 = arith.index_cast %parallel_loop3A_117 : i32 to index
      %parallel_loop3A_136 = arith.constant 0 : index
      %parallel_loop3A_137 = tpu.vector_load %arg6[%parallel_loop3A_135, %parallel_loop3A_136] {strides = array<i32>} : memref<495x64xf32, #tpu.memory_space<vmem>>, vector<16xf32>,
      %parallel_loop3A_138 = arith.index_cast %parallel_loop3A_119 : i32 to index
      %parallel_loop3A_139 = arith.constant 0 : index
      %parallel_loop3A_140 = tpu.vector_load %arg6[%parallel_loop3A_138, %parallel_loop3A_139] {strides = array<i32>} : memref<495x64xf32, #tpu.memory_space<vmem>>, vector<16xf32>,
      %parallel_loop3A_141 = arith.index_cast %parallel_loop3A_121 : i32 to index
      %parallel_loop3A_142 = arith.constant 0 : index
      %parallel_loop3A_143 = tpu.vector_load %arg6[%parallel_loop3A_141, %parallel_loop3A_142] {strides = array<i32>} : memref<495x64xf32, #tpu.memory_space<vmem>>, vector<16xf32>,
      %parallel_loop3A_144 = arith.index_cast %parallel_loop3A_123 : i32 to index
      %parallel_loop3A_145 = arith.constant 0 : index
      %parallel_loop3A_146 = tpu.vector_load %arg6[%parallel_loop3A_144, %parallel_loop3A_145] {strides = array<i32>} : memref<495x64xf32, #tpu.memory_space<vmem>>, vector<16xf32>,
      %parallel_loop3A_147 = arith.addf %parallel_loop3A_128, %parallel_loop3A_131 : vector<16xf32>
      %parallel_loop3A_148 = arith.addf %parallel_loop3A_134, %parallel_loop3A_137 : vector<16xf32>
      %parallel_loop3A_149 = arith.addf %parallel_loop3A_140, %parallel_loop3A_143 : vector<16xf32>
      %parallel_loop3A_150 = arith.addf %parallel_loop3A_147, %parallel_loop3A_148 : vector<16xf32>
      %parallel_loop3A_151 = arith.addf %parallel_loop3A_149, %parallel_loop3A_146 : vector<16xf32>
      %parallel_loop3A_152 = arith.addf %parallel_loop3A_150, %parallel_loop3A_151 : vector<16xf32>
      %parallel_loop3A_153 = arith.constant 0.00999999977 : f32
      %parallel_loop3A_154 = vector.broadcast %parallel_loop3A_153 : f32 to vector<16xf32>
      %parallel_loop3A_155 = arith.mulf %parallel_loop3A_154, %parallel_loop3A_152 : vector<16xf32>
      %parallel_loop3A_156 = arith.maximumf %parallel_loop3A_152, %parallel_loop3A_155 : vector<16xf32>
      %parallel_loop3A_157 = arith.constant 0 : i32
      %parallel_loop3A_158 = arith.addi %parallel_loop3A_125, %parallel_loop3A_157 : i32
      %parallel_loop3A_159 = arith.constant 0 : i32
      %parallel_loop3A_160 = arith.index_cast %parallel_loop3A_159 : i32 to index
      %parallel_loop3A_161 = arith.index_cast %parallel_loop3A_158 : i32 to index
      %parallel_loop3A_162 = tpu.vector_load %arg7[%parallel_loop3A_160, %parallel_loop3A_161] {strides = array<i32>} : memref<2x8192xf32, #tpu.memory_space<vmem>>, vector<16xf32>,
      tpu.vector_store %arg7[%parallel_loop3A_160, %parallel_loop3A_161], %parallel_loop3A_156 {strides = array<i32>} : memref<2x8192xf32, #tpu.memory_space<vmem>>, vector<16xf32>,
      %parallel_loop3A_163 = arith.index_cast %parallel_loop3A_111 : i32 to index
      %parallel_loop3A_164 = arith.constant 16 : index
      %parallel_loop3A_165 = tpu.vector_load %arg6[%parallel_loop3A_163, %parallel_loop3A_164] {strides = array<i32>} : memref<495x64xf32, #tpu.memory_space<vmem>>, vector<16xf32>,
      %parallel_loop3A_166 = arith.index_cast %parallel_loop3A_113 : i32 to index
      %parallel_loop3A_167 = arith.constant 16 : index
      %parallel_loop3A_168 = tpu.vector_load %arg6[%parallel_loop3A_166, %parallel_loop3A_167] {strides = array<i32>} : memref<495x64xf32, #tpu.memory_space<vmem>>, vector<16xf32>,
      %parallel_loop3A_169 = arith.index_cast %parallel_loop3A_115 : i32 to index
      %parallel_loop3A_170 = arith.constant 16 : index
      %parallel_loop3A_171 = tpu.vector_load %arg6[%parallel_loop3A_169, %parallel_loop3A_170] {strides = array<i32>} : memref<495x64xf32, #tpu.memory_space<vmem>>, vector<16xf32>,
      %parallel_loop3A_172 = arith.index_cast %parallel_loop3A_117 : i32 to index
      %parallel_loop3A_173 = arith.constant 16 : index
      %parallel_loop3A_174 = tpu.vector_load %arg6[%parallel_loop3A_172, %parallel_loop3A_173] {strides = array<i32>} : memref<495x64xf32, #tpu.memory_space<vmem>>, vector<16xf32>,
      %parallel_loop3A_175 = arith.index_cast %parallel_loop3A_119 : i32 to index
      %parallel_loop3A_176 = arith.constant 16 : index
      %parallel_loop3A_177 = tpu.vector_load %arg6[%parallel_loop3A_175, %parallel_loop3A_176] {strides = array<i32>} : memref<495x64xf32, #tpu.memory_space<vmem>>, vector<16xf32>,
      %parallel_loop3A_178 = arith.index_cast %parallel_loop3A_121 : i32 to index
      %parallel_loop3A_179 = arith.constant 16 : index
      %parallel_loop3A_180 = tpu.vector_load %arg6[%parallel_loop3A_178, %parallel_loop3A_179] {strides = array<i32>} : memref<495x64xf32, #tpu.memory_space<vmem>>, vector<16xf32>,
      %parallel_loop3A_181 = arith.index_cast %parallel_loop3A_123 : i32 to index
      %parallel_loop3A_182 = arith.constant 16 : index
      %parallel_loop3A_183 = tpu.vector_load %arg6[%parallel_loop3A_181, %parallel_loop3A_182] {strides = array<i32>} : memref<495x64xf32, #tpu.memory_space<vmem>>, vector<16xf32>,
      %parallel_loop3A_184 = arith.addf %parallel_loop3A_165, %parallel_loop3A_168 : vector<16xf32>
      %parallel_loop3A_185 = arith.addf %parallel_loop3A_171, %parallel_loop3A_174 : vector<16xf32>
      %parallel_loop3A_186 = arith.addf %parallel_loop3A_177, %parallel_loop3A_180 : vector<16xf32>
      %parallel_loop3A_187 = arith.addf %parallel_loop3A_184, %parallel_loop3A_185 : vector<16xf32>
      %parallel_loop3A_188 = arith.addf %parallel_loop3A_186, %parallel_loop3A_183 : vector<16xf32>
      %parallel_loop3A_189 = arith.addf %parallel_loop3A_187, %parallel_loop3A_188 : vector<16xf32>
      %parallel_loop3A_190 = arith.constant 0.00999999977 : f32
      %parallel_loop3A_191 = vector.broadcast %parallel_loop3A_190 : f32 to vector<16xf32>
      %parallel_loop3A_192 = arith.mulf %parallel_loop3A_191, %parallel_loop3A_189 : vector<16xf32>
      %parallel_loop3A_193 = arith.maximumf %parallel_loop3A_189, %parallel_loop3A_192 : vector<16xf32>
      %parallel_loop3A_194 = arith.constant 16 : i32
      %parallel_loop3A_195 = arith.addi %parallel_loop3A_125, %parallel_loop3A_194 : i32
      %parallel_loop3A_196 = arith.constant 0 : i32
      %parallel_loop3A_197 = arith.index_cast %parallel_loop3A_196 : i32 to index
      %parallel_loop3A_198 = arith.index_cast %parallel_loop3A_195 : i32 to index
      %parallel_loop3A_199 = tpu.vector_load %arg7[%parallel_loop3A_197, %parallel_loop3A_198] {strides = array<i32>} : memref<2x8192xf32, #tpu.memory_space<vmem>>, vector<16xf32>,
      tpu.vector_store %arg7[%parallel_loop3A_197, %parallel_loop3A_198], %parallel_loop3A_193 {strides = array<i32>} : memref<2x8192xf32, #tpu.memory_space<vmem>>, vector<16xf32>,
      %parallel_loop3A_200 = arith.index_cast %parallel_loop3A_111 : i32 to index
      %parallel_loop3A_201 = arith.constant 32 : index
      %parallel_loop3A_202 = tpu.vector_load %arg6[%parallel_loop3A_200, %parallel_loop3A_201] {strides = array<i32>} : memref<495x64xf32, #tpu.memory_space<vmem>>, vector<16xf32>,
      %parallel_loop3A_203 = arith.index_cast %parallel_loop3A_113 : i32 to index
      %parallel_loop3A_204 = arith.constant 32 : index
      %parallel_loop3A_205 = tpu.vector_load %arg6[%parallel_loop3A_203, %parallel_loop3A_204] {strides = array<i32>} : memref<495x64xf32, #tpu.memory_space<vmem>>, vector<16xf32>,
      %parallel_loop3A_206 = arith.index_cast %parallel_loop3A_115 : i32 to index
      %parallel_loop3A_207 = arith.constant 32 : index
      %parallel_loop3A_208 = tpu.vector_load %arg6[%parallel_loop3A_206, %parallel_loop3A_207] {strides = array<i32>} : memref<495x64xf32, #tpu.memory_space<vmem>>, vector<16xf32>,
      %parallel_loop3A_209 = arith.index_cast %parallel_loop3A_117 : i32 to index
      %parallel_loop3A_210 = arith.constant 32 : index
      %parallel_loop3A_211 = tpu.vector_load %arg6[%parallel_loop3A_209, %parallel_loop3A_210] {strides = array<i32>} : memref<495x64xf32, #tpu.memory_space<vmem>>, vector<16xf32>,
      %parallel_loop3A_212 = arith.index_cast %parallel_loop3A_119 : i32 to index
      %parallel_loop3A_213 = arith.constant 32 : index
      %parallel_loop3A_214 = tpu.vector_load %arg6[%parallel_loop3A_212, %parallel_loop3A_213] {strides = array<i32>} : memref<495x64xf32, #tpu.memory_space<vmem>>, vector<16xf32>,
      %parallel_loop3A_215 = arith.index_cast %parallel_loop3A_121 : i32 to index
      %parallel_loop3A_216 = arith.constant 32 : index
      %parallel_loop3A_217 = tpu.vector_load %arg6[%parallel_loop3A_215, %parallel_loop3A_216] {strides = array<i32>} : memref<495x64xf32, #tpu.memory_space<vmem>>, vector<16xf32>,
      %parallel_loop3A_218 = arith.index_cast %parallel_loop3A_123 : i32 to index
      %parallel_loop3A_219 = arith.constant 32 : index
      %parallel_loop3A_220 = tpu.vector_load %arg6[%parallel_loop3A_218, %parallel_loop3A_219] {strides = array<i32>} : memref<495x64xf32, #tpu.memory_space<vmem>>, vector<16xf32>,
      %parallel_loop3A_221 = arith.addf %parallel_loop3A_202, %parallel_loop3A_205 : vector<16xf32>
      %parallel_loop3A_222 = arith.addf %parallel_loop3A_208, %parallel_loop3A_211 : vector<16xf32>
      %parallel_loop3A_223 = arith.addf %parallel_loop3A_214, %parallel_loop3A_217 : vector<16xf32>
      %parallel_loop3A_224 = arith.addf %parallel_loop3A_221, %parallel_loop3A_222 : vector<16xf32>
      %parallel_loop3A_225 = arith.addf %parallel_loop3A_223, %parallel_loop3A_220 : vector<16xf32>
      %parallel_loop3A_226 = arith.addf %parallel_loop3A_224, %parallel_loop3A_225 : vector<16xf32>
      %parallel_loop3A_227 = arith.constant 0.00999999977 : f32
      %parallel_loop3A_228 = vector.broadcast %parallel_loop3A_227 : f32 to vector<16xf32>
      %parallel_loop3A_229 = arith.mulf %parallel_loop3A_228, %parallel_loop3A_226 : vector<16xf32>
      %parallel_loop3A_230 = arith.maximumf %parallel_loop3A_226, %parallel_loop3A_229 : vector<16xf32>
      %parallel_loop3A_231 = arith.constant 32 : i32
      %parallel_loop3A_232 = arith.addi %parallel_loop3A_125, %parallel_loop3A_231 : i32
      %parallel_loop3A_233 = arith.constant 0 : i32
      %parallel_loop3A_234 = arith.index_cast %parallel_loop3A_233 : i32 to index
      %parallel_loop3A_235 = arith.index_cast %parallel_loop3A_232 : i32 to index
      %parallel_loop3A_236 = tpu.vector_load %arg7[%parallel_loop3A_234, %parallel_loop3A_235] {strides = array<i32>} : memref<2x8192xf32, #tpu.memory_space<vmem>>, vector<16xf32>,
      tpu.vector_store %arg7[%parallel_loop3A_234, %parallel_loop3A_235], %parallel_loop3A_230 {strides = array<i32>} : memref<2x8192xf32, #tpu.memory_space<vmem>>, vector<16xf32>,
      %parallel_loop3A_237 = arith.index_cast %parallel_loop3A_111 : i32 to index
      %parallel_loop3A_238 = arith.constant 48 : index
      %parallel_loop3A_239 = tpu.vector_load %arg6[%parallel_loop3A_237, %parallel_loop3A_238] {strides = array<i32>} : memref<495x64xf32, #tpu.memory_space<vmem>>, vector<16xf32>,
      %parallel_loop3A_240 = arith.index_cast %parallel_loop3A_113 : i32 to index
      %parallel_loop3A_241 = arith.constant 48 : index
      %parallel_loop3A_242 = tpu.vector_load %arg6[%parallel_loop3A_240, %parallel_loop3A_241] {strides = array<i32>} : memref<495x64xf32, #tpu.memory_space<vmem>>, vector<16xf32>,
      %parallel_loop3A_243 = arith.index_cast %parallel_loop3A_115 : i32 to index
      %parallel_loop3A_244 = arith.constant 48 : index
      %parallel_loop3A_245 = tpu.vector_load %arg6[%parallel_loop3A_243, %parallel_loop3A_244] {strides = array<i32>} : memref<495x64xf32, #tpu.memory_space<vmem>>, vector<16xf32>,
      %parallel_loop3A_246 = arith.index_cast %parallel_loop3A_117 : i32 to index
      %parallel_loop3A_247 = arith.constant 48 : index
      %parallel_loop3A_248 = tpu.vector_load %arg6[%parallel_loop3A_246, %parallel_loop3A_247] {strides = array<i32>} : memref<495x64xf32, #tpu.memory_space<vmem>>, vector<16xf32>,
      %parallel_loop3A_249 = arith.index_cast %parallel_loop3A_119 : i32 to index
      %parallel_loop3A_250 = arith.constant 48 : index
      %parallel_loop3A_251 = tpu.vector_load %arg6[%parallel_loop3A_249, %parallel_loop3A_250] {strides = array<i32>} : memref<495x64xf32, #tpu.memory_space<vmem>>, vector<16xf32>,
      %parallel_loop3A_252 = arith.index_cast %parallel_loop3A_121 : i32 to index
      %parallel_loop3A_253 = arith.constant 48 : index
      %parallel_loop3A_254 = tpu.vector_load %arg6[%parallel_loop3A_252, %parallel_loop3A_253] {strides = array<i32>} : memref<495x64xf32, #tpu.memory_space<vmem>>, vector<16xf32>,
      %parallel_loop3A_255 = arith.index_cast %parallel_loop3A_123 : i32 to index
      %parallel_loop3A_256 = arith.constant 48 : index
      %parallel_loop3A_257 = tpu.vector_load %arg6[%parallel_loop3A_255, %parallel_loop3A_256] {strides = array<i32>} : memref<495x64xf32, #tpu.memory_space<vmem>>, vector<16xf32>,
      %parallel_loop3A_258 = arith.addf %parallel_loop3A_239, %parallel_loop3A_242 : vector<16xf32>
      %parallel_loop3A_259 = arith.addf %parallel_loop3A_245, %parallel_loop3A_248 : vector<16xf32>
      %parallel_loop3A_260 = arith.addf %parallel_loop3A_251, %parallel_loop3A_254 : vector<16xf32>
      %parallel_loop3A_261 = arith.addf %parallel_loop3A_258, %parallel_loop3A_259 : vector<16xf32>
      %parallel_loop3A_262 = arith.addf %parallel_loop3A_260, %parallel_loop3A_257 : vector<16xf32>
      %parallel_loop3A_263 = arith.addf %parallel_loop3A_261, %parallel_loop3A_262 : vector<16xf32>
      %parallel_loop3A_264 = arith.constant 0.00999999977 : f32
      %parallel_loop3A_265 = vector.broadcast %parallel_loop3A_264 : f32 to vector<16xf32>
      %parallel_loop3A_266 = arith.mulf %parallel_loop3A_265, %parallel_loop3A_263 : vector<16xf32>
      %parallel_loop3A_267 = arith.maximumf %parallel_loop3A_263, %parallel_loop3A_266 : vector<16xf32>
      %parallel_loop3A_268 = arith.constant 48 : i32
      %parallel_loop3A_269 = arith.addi %parallel_loop3A_125, %parallel_loop3A_268 : i32
      %parallel_loop3A_270 = arith.constant 0 : i32
      %parallel_loop3A_271 = arith.index_cast %parallel_loop3A_270 : i32 to index
      %parallel_loop3A_272 = arith.index_cast %parallel_loop3A_269 : i32 to index
      %parallel_loop3A_273 = tpu.vector_load %arg7[%parallel_loop3A_271, %parallel_loop3A_272] {strides = array<i32>} : memref<2x8192xf32, #tpu.memory_space<vmem>>, vector<16xf32>,
      tpu.vector_store %arg7[%parallel_loop3A_271, %parallel_loop3A_272], %parallel_loop3A_267 {strides = array<i32>} : memref<2x8192xf32, #tpu.memory_space<vmem>>, vector<16xf32>,
    } {sc.loop_unroll_factor = 2 : i64, sc.parallel_access}
    %add3A_8 = arith.constant 0 : i32
    %add3A_9 = arith.addi %mul3A_2, %add3A_8 : i32
    %mul3A_10 = arith.constant 64 : i32
    %mul3A_11 = arith.muli %add3A_9, %mul3A_10 : i32
    %dma_start3A = arith.constant 0 : i32
    %dma_start3A_12 = arith.constant 0 : i32
    %dma_start3A_13 = tpu.memref_slice %arg7[%dma_start3A, %dma_start3A_12] : memref<2x8192xf32, #tpu.memory_space<vmem>> -> memref<1x8192xf32, #tpu.memory_space<vmem>>
    %dma_start3A_14 = tpu.memref_squeeze %dma_start3A_13 : memref<1x8192xf32, #tpu.memory_space<vmem>> -> memref<8192xf32, #tpu.memory_space<vmem>>
    %dma_start3A_15 = tpu.memref_slice %arg4[%mul3A_11] : memref<1048576xf32, #tpu.memory_space<hbm>> -> memref<8192xf32, #tpu.memory_space<hbm>>
    %dma_start3A_16 = tpu.memref_slice %arg4[%mul3A_11] : memref<1048576xf32, #tpu.memory_space<hbm>> -> memref<8192xf32, #tpu.memory_space<hbm>>
    %dma_start3A_17 = arith.constant 0 : i32
    %dma_start3A_18 = tpu.memref_slice %arg7[%dma_start3A, %dma_start3A_17] : memref<2x8192xf32, #tpu.memory_space<vmem>> -> memref<1x8192xf32, #tpu.memory_space<vmem>>
    %dma_start3A_19 = tpu.memref_squeeze %dma_start3A_18 : memref<1x8192xf32, #tpu.memory_space<vmem>> -> memref<8192xf32, #tpu.memory_space<vmem>>
    tpu.enqueue_dma source(%dma_start3A_19 : memref<8192xf32, #tpu.memory_space<vmem>>) target(%dma_start3A_16 : memref<8192xf32, #tpu.memory_space<hbm>>) target_semaphore(%arg9 : memref<!tpu.dma_semaphore, #tpu.memory_space<semaphore_mem>>)
    %parallel_loop3A_20 = arith.constant 0 : i32
    %parallel_loop3A_21 = arith.constant 128 : i32
    %parallel_loop3A_22 = arith.constant 1 : i32
    scf.for %parallel_loop3A_103 = %parallel_loop3A_20 to %parallel_loop3A_21 step %parallel_loop3A_22  : i32 {
      %parallel_loop3A_104 = arith.constant 128 : i32
      %parallel_loop3A_105 = arith.addi %parallel_loop3A_104, %parallel_loop3A_103 : i32
      %parallel_loop3A_106 = arith.constant 16 : i32
      %parallel_loop3A_107 = arith.muli %parallel_loop3A_105, %parallel_loop3A_106 : i32
      %parallel_loop3A_108 = arith.index_cast %parallel_loop3A_107 : i32 to index
      %parallel_loop3A_109 = tpu.vector_load %arg8[%parallel_loop3A_108] {strides = array<i32>} : memref<8192xi32, #tpu.memory_space<vmem>>, vector<16xi32>,
      %parallel_loop3A_110 = vector.extract_strided_slice %parallel_loop3A_109 {offsets = [0], sizes = [1], strides = [1]} : vector<16xi32> to vector<1xi32>
      %parallel_loop3A_111 = vector.extract %parallel_loop3A_110[0] : i32 from vector<1xi32>
      %parallel_loop3A_112 = vector.extract_strided_slice %parallel_loop3A_109 {offsets = [1], sizes = [1], strides = [1]} : vector<16xi32> to vector<1xi32>
      %parallel_loop3A_113 = vector.extract %parallel_loop3A_112[0] : i32 from vector<1xi32>
      %parallel_loop3A_114 = vector.extract_strided_slice %parallel_loop3A_109 {offsets = [2], sizes = [1], strides = [1]} : vector<16xi32> to vector<1xi32>
      %parallel_loop3A_115 = vector.extract %parallel_loop3A_114[0] : i32 from vector<1xi32>
      %parallel_loop3A_116 = vector.extract_strided_slice %parallel_loop3A_109 {offsets = [3], sizes = [1], strides = [1]} : vector<16xi32> to vector<1xi32>
      %parallel_loop3A_117 = vector.extract %parallel_loop3A_116[0] : i32 from vector<1xi32>
      %parallel_loop3A_118 = vector.extract_strided_slice %parallel_loop3A_109 {offsets = [4], sizes = [1], strides = [1]} : vector<16xi32> to vector<1xi32>
      %parallel_loop3A_119 = vector.extract %parallel_loop3A_118[0] : i32 from vector<1xi32>
      %parallel_loop3A_120 = vector.extract_strided_slice %parallel_loop3A_109 {offsets = [5], sizes = [1], strides = [1]} : vector<16xi32> to vector<1xi32>
      %parallel_loop3A_121 = vector.extract %parallel_loop3A_120[0] : i32 from vector<1xi32>
      %parallel_loop3A_122 = vector.extract_strided_slice %parallel_loop3A_109 {offsets = [6], sizes = [1], strides = [1]} : vector<16xi32> to vector<1xi32>
      %parallel_loop3A_123 = vector.extract %parallel_loop3A_122[0] : i32 from vector<1xi32>
      %parallel_loop3A_124 = arith.constant 64 : i32
      %parallel_loop3A_125 = arith.muli %parallel_loop3A_103, %parallel_loop3A_124 : i32
      %parallel_loop3A_126 = arith.index_cast %parallel_loop3A_111 : i32 to index
      %parallel_loop3A_127 = arith.constant 0 : index
      %parallel_loop3A_128 = tpu.vector_load %arg6[%parallel_loop3A_126, %parallel_loop3A_127] {strides = array<i32>} : memref<495x64xf32, #tpu.memory_space<vmem>>, vector<16xf32>,
      %parallel_loop3A_129 = arith.index_cast %parallel_loop3A_113 : i32 to index
      %parallel_loop3A_130 = arith.constant 0 : index
      %parallel_loop3A_131 = tpu.vector_load %arg6[%parallel_loop3A_129, %parallel_loop3A_130] {strides = array<i32>} : memref<495x64xf32, #tpu.memory_space<vmem>>, vector<16xf32>,
      %parallel_loop3A_132 = arith.index_cast %parallel_loop3A_115 : i32 to index
      %parallel_loop3A_133 = arith.constant 0 : index
      %parallel_loop3A_134 = tpu.vector_load %arg6[%parallel_loop3A_132, %parallel_loop3A_133] {strides = array<i32>} : memref<495x64xf32, #tpu.memory_space<vmem>>, vector<16xf32>,
      %parallel_loop3A_135 = arith.index_cast %parallel_loop3A_117 : i32 to index
      %parallel_loop3A_136 = arith.constant 0 : index
      %parallel_loop3A_137 = tpu.vector_load %arg6[%parallel_loop3A_135, %parallel_loop3A_136] {strides = array<i32>} : memref<495x64xf32, #tpu.memory_space<vmem>>, vector<16xf32>,
      %parallel_loop3A_138 = arith.index_cast %parallel_loop3A_119 : i32 to index
      %parallel_loop3A_139 = arith.constant 0 : index
      %parallel_loop3A_140 = tpu.vector_load %arg6[%parallel_loop3A_138, %parallel_loop3A_139] {strides = array<i32>} : memref<495x64xf32, #tpu.memory_space<vmem>>, vector<16xf32>,
      %parallel_loop3A_141 = arith.index_cast %parallel_loop3A_121 : i32 to index
      %parallel_loop3A_142 = arith.constant 0 : index
      %parallel_loop3A_143 = tpu.vector_load %arg6[%parallel_loop3A_141, %parallel_loop3A_142] {strides = array<i32>} : memref<495x64xf32, #tpu.memory_space<vmem>>, vector<16xf32>,
      %parallel_loop3A_144 = arith.index_cast %parallel_loop3A_123 : i32 to index
      %parallel_loop3A_145 = arith.constant 0 : index
      %parallel_loop3A_146 = tpu.vector_load %arg6[%parallel_loop3A_144, %parallel_loop3A_145] {strides = array<i32>} : memref<495x64xf32, #tpu.memory_space<vmem>>, vector<16xf32>,
      %parallel_loop3A_147 = arith.addf %parallel_loop3A_128, %parallel_loop3A_131 : vector<16xf32>
      %parallel_loop3A_148 = arith.addf %parallel_loop3A_134, %parallel_loop3A_137 : vector<16xf32>
      %parallel_loop3A_149 = arith.addf %parallel_loop3A_140, %parallel_loop3A_143 : vector<16xf32>
      %parallel_loop3A_150 = arith.addf %parallel_loop3A_147, %parallel_loop3A_148 : vector<16xf32>
      %parallel_loop3A_151 = arith.addf %parallel_loop3A_149, %parallel_loop3A_146 : vector<16xf32>
      %parallel_loop3A_152 = arith.addf %parallel_loop3A_150, %parallel_loop3A_151 : vector<16xf32>
      %parallel_loop3A_153 = arith.constant 0.00999999977 : f32
      %parallel_loop3A_154 = vector.broadcast %parallel_loop3A_153 : f32 to vector<16xf32>
      %parallel_loop3A_155 = arith.mulf %parallel_loop3A_154, %parallel_loop3A_152 : vector<16xf32>
      %parallel_loop3A_156 = arith.maximumf %parallel_loop3A_152, %parallel_loop3A_155 : vector<16xf32>
      %parallel_loop3A_157 = arith.constant 0 : i32
      %parallel_loop3A_158 = arith.addi %parallel_loop3A_125, %parallel_loop3A_157 : i32
      %parallel_loop3A_159 = arith.constant 1 : i32
      %parallel_loop3A_160 = arith.index_cast %parallel_loop3A_159 : i32 to index
      %parallel_loop3A_161 = arith.index_cast %parallel_loop3A_158 : i32 to index
      %parallel_loop3A_162 = tpu.vector_load %arg7[%parallel_loop3A_160, %parallel_loop3A_161] {strides = array<i32>} : memref<2x8192xf32, #tpu.memory_space<vmem>>, vector<16xf32>,
      tpu.vector_store %arg7[%parallel_loop3A_160, %parallel_loop3A_161], %parallel_loop3A_156 {strides = array<i32>} : memref<2x8192xf32, #tpu.memory_space<vmem>>, vector<16xf32>,
      %parallel_loop3A_163 = arith.index_cast %parallel_loop3A_111 : i32 to index
      %parallel_loop3A_164 = arith.constant 16 : index
      %parallel_loop3A_165 = tpu.vector_load %arg6[%parallel_loop3A_163, %parallel_loop3A_164] {strides = array<i32>} : memref<495x64xf32, #tpu.memory_space<vmem>>, vector<16xf32>,
      %parallel_loop3A_166 = arith.index_cast %parallel_loop3A_113 : i32 to index
      %parallel_loop3A_167 = arith.constant 16 : index
      %parallel_loop3A_168 = tpu.vector_load %arg6[%parallel_loop3A_166, %parallel_loop3A_167] {strides = array<i32>} : memref<495x64xf32, #tpu.memory_space<vmem>>, vector<16xf32>,
      %parallel_loop3A_169 = arith.index_cast %parallel_loop3A_115 : i32 to index
      %parallel_loop3A_170 = arith.constant 16 : index
      %parallel_loop3A_171 = tpu.vector_load %arg6[%parallel_loop3A_169, %parallel_loop3A_170] {strides = array<i32>} : memref<495x64xf32, #tpu.memory_space<vmem>>, vector<16xf32>,
      %parallel_loop3A_172 = arith.index_cast %parallel_loop3A_117 : i32 to index
      %parallel_loop3A_173 = arith.constant 16 : index
      %parallel_loop3A_174 = tpu.vector_load %arg6[%parallel_loop3A_172, %parallel_loop3A_173] {strides = array<i32>} : memref<495x64xf32, #tpu.memory_space<vmem>>, vector<16xf32>,
      %parallel_loop3A_175 = arith.index_cast %parallel_loop3A_119 : i32 to index
      %parallel_loop3A_176 = arith.constant 16 : index
      %parallel_loop3A_177 = tpu.vector_load %arg6[%parallel_loop3A_175, %parallel_loop3A_176] {strides = array<i32>} : memref<495x64xf32, #tpu.memory_space<vmem>>, vector<16xf32>,
      %parallel_loop3A_178 = arith.index_cast %parallel_loop3A_121 : i32 to index
      %parallel_loop3A_179 = arith.constant 16 : index
      %parallel_loop3A_180 = tpu.vector_load %arg6[%parallel_loop3A_178, %parallel_loop3A_179] {strides = array<i32>} : memref<495x64xf32, #tpu.memory_space<vmem>>, vector<16xf32>,
      %parallel_loop3A_181 = arith.index_cast %parallel_loop3A_123 : i32 to index
      %parallel_loop3A_182 = arith.constant 16 : index
      %parallel_loop3A_183 = tpu.vector_load %arg6[%parallel_loop3A_181, %parallel_loop3A_182] {strides = array<i32>} : memref<495x64xf32, #tpu.memory_space<vmem>>, vector<16xf32>,
      %parallel_loop3A_184 = arith.addf %parallel_loop3A_165, %parallel_loop3A_168 : vector<16xf32>
      %parallel_loop3A_185 = arith.addf %parallel_loop3A_171, %parallel_loop3A_174 : vector<16xf32>
      %parallel_loop3A_186 = arith.addf %parallel_loop3A_177, %parallel_loop3A_180 : vector<16xf32>
      %parallel_loop3A_187 = arith.addf %parallel_loop3A_184, %parallel_loop3A_185 : vector<16xf32>
      %parallel_loop3A_188 = arith.addf %parallel_loop3A_186, %parallel_loop3A_183 : vector<16xf32>
      %parallel_loop3A_189 = arith.addf %parallel_loop3A_187, %parallel_loop3A_188 : vector<16xf32>
      %parallel_loop3A_190 = arith.constant 0.00999999977 : f32
      %parallel_loop3A_191 = vector.broadcast %parallel_loop3A_190 : f32 to vector<16xf32>
      %parallel_loop3A_192 = arith.mulf %parallel_loop3A_191, %parallel_loop3A_189 : vector<16xf32>
      %parallel_loop3A_193 = arith.maximumf %parallel_loop3A_189, %parallel_loop3A_192 : vector<16xf32>
      %parallel_loop3A_194 = arith.constant 16 : i32
      %parallel_loop3A_195 = arith.addi %parallel_loop3A_125, %parallel_loop3A_194 : i32
      %parallel_loop3A_196 = arith.constant 1 : i32
      %parallel_loop3A_197 = arith.index_cast %parallel_loop3A_196 : i32 to index
      %parallel_loop3A_198 = arith.index_cast %parallel_loop3A_195 : i32 to index
      %parallel_loop3A_199 = tpu.vector_load %arg7[%parallel_loop3A_197, %parallel_loop3A_198] {strides = array<i32>} : memref<2x8192xf32, #tpu.memory_space<vmem>>, vector<16xf32>,
      tpu.vector_store %arg7[%parallel_loop3A_197, %parallel_loop3A_198], %parallel_loop3A_193 {strides = array<i32>} : memref<2x8192xf32, #tpu.memory_space<vmem>>, vector<16xf32>,
      %parallel_loop3A_200 = arith.index_cast %parallel_loop3A_111 : i32 to index
      %parallel_loop3A_201 = arith.constant 32 : index
      %parallel_loop3A_202 = tpu.vector_load %arg6[%parallel_loop3A_200, %parallel_loop3A_201] {strides = array<i32>} : memref<495x64xf32, #tpu.memory_space<vmem>>, vector<16xf32>,
      %parallel_loop3A_203 = arith.index_cast %parallel_loop3A_113 : i32 to index
      %parallel_loop3A_204 = arith.constant 32 : index
      %parallel_loop3A_205 = tpu.vector_load %arg6[%parallel_loop3A_203, %parallel_loop3A_204] {strides = array<i32>} : memref<495x64xf32, #tpu.memory_space<vmem>>, vector<16xf32>,
      %parallel_loop3A_206 = arith.index_cast %parallel_loop3A_115 : i32 to index
      %parallel_loop3A_207 = arith.constant 32 : index
      %parallel_loop3A_208 = tpu.vector_load %arg6[%parallel_loop3A_206, %parallel_loop3A_207] {strides = array<i32>} : memref<495x64xf32, #tpu.memory_space<vmem>>, vector<16xf32>,
      %parallel_loop3A_209 = arith.index_cast %parallel_loop3A_117 : i32 to index
      %parallel_loop3A_210 = arith.constant 32 : index
      %parallel_loop3A_211 = tpu.vector_load %arg6[%parallel_loop3A_209, %parallel_loop3A_210] {strides = array<i32>} : memref<495x64xf32, #tpu.memory_space<vmem>>, vector<16xf32>,
      %parallel_loop3A_212 = arith.index_cast %parallel_loop3A_119 : i32 to index
      %parallel_loop3A_213 = arith.constant 32 : index
      %parallel_loop3A_214 = tpu.vector_load %arg6[%parallel_loop3A_212, %parallel_loop3A_213] {strides = array<i32>} : memref<495x64xf32, #tpu.memory_space<vmem>>, vector<16xf32>,
      %parallel_loop3A_215 = arith.index_cast %parallel_loop3A_121 : i32 to index
      %parallel_loop3A_216 = arith.constant 32 : index
      %parallel_loop3A_217 = tpu.vector_load %arg6[%parallel_loop3A_215, %parallel_loop3A_216] {strides = array<i32>} : memref<495x64xf32, #tpu.memory_space<vmem>>, vector<16xf32>,
      %parallel_loop3A_218 = arith.index_cast %parallel_loop3A_123 : i32 to index
      %parallel_loop3A_219 = arith.constant 32 : index
      %parallel_loop3A_220 = tpu.vector_load %arg6[%parallel_loop3A_218, %parallel_loop3A_219] {strides = array<i32>} : memref<495x64xf32, #tpu.memory_space<vmem>>, vector<16xf32>,
      %parallel_loop3A_221 = arith.addf %parallel_loop3A_202, %parallel_loop3A_205 : vector<16xf32>
      %parallel_loop3A_222 = arith.addf %parallel_loop3A_208, %parallel_loop3A_211 : vector<16xf32>
      %parallel_loop3A_223 = arith.addf %parallel_loop3A_214, %parallel_loop3A_217 : vector<16xf32>
      %parallel_loop3A_224 = arith.addf %parallel_loop3A_221, %parallel_loop3A_222 : vector<16xf32>
      %parallel_loop3A_225 = arith.addf %parallel_loop3A_223, %parallel_loop3A_220 : vector<16xf32>
      %parallel_loop3A_226 = arith.addf %parallel_loop3A_224, %parallel_loop3A_225 : vector<16xf32>
      %parallel_loop3A_227 = arith.constant 0.00999999977 : f32
      %parallel_loop3A_228 = vector.broadcast %parallel_loop3A_227 : f32 to vector<16xf32>
      %parallel_loop3A_229 = arith.mulf %parallel_loop3A_228, %parallel_loop3A_226 : vector<16xf32>
      %parallel_loop3A_230 = arith.maximumf %parallel_loop3A_226, %parallel_loop3A_229 : vector<16xf32>
      %parallel_loop3A_231 = arith.constant 32 : i32
      %parallel_loop3A_232 = arith.addi %parallel_loop3A_125, %parallel_loop3A_231 : i32
      %parallel_loop3A_233 = arith.constant 1 : i32
      %parallel_loop3A_234 = arith.index_cast %parallel_loop3A_233 : i32 to index
      %parallel_loop3A_235 = arith.index_cast %parallel_loop3A_232 : i32 to index
      %parallel_loop3A_236 = tpu.vector_load %arg7[%parallel_loop3A_234, %parallel_loop3A_235] {strides = array<i32>} : memref<2x8192xf32, #tpu.memory_space<vmem>>, vector<16xf32>,
      tpu.vector_store %arg7[%parallel_loop3A_234, %parallel_loop3A_235], %parallel_loop3A_230 {strides = array<i32>} : memref<2x8192xf32, #tpu.memory_space<vmem>>, vector<16xf32>,
      %parallel_loop3A_237 = arith.index_cast %parallel_loop3A_111 : i32 to index
      %parallel_loop3A_238 = arith.constant 48 : index
      %parallel_loop3A_239 = tpu.vector_load %arg6[%parallel_loop3A_237, %parallel_loop3A_238] {strides = array<i32>} : memref<495x64xf32, #tpu.memory_space<vmem>>, vector<16xf32>,
      %parallel_loop3A_240 = arith.index_cast %parallel_loop3A_113 : i32 to index
      %parallel_loop3A_241 = arith.constant 48 : index
      %parallel_loop3A_242 = tpu.vector_load %arg6[%parallel_loop3A_240, %parallel_loop3A_241] {strides = array<i32>} : memref<495x64xf32, #tpu.memory_space<vmem>>, vector<16xf32>,
      %parallel_loop3A_243 = arith.index_cast %parallel_loop3A_115 : i32 to index
      %parallel_loop3A_244 = arith.constant 48 : index
      %parallel_loop3A_245 = tpu.vector_load %arg6[%parallel_loop3A_243, %parallel_loop3A_244] {strides = array<i32>} : memref<495x64xf32, #tpu.memory_space<vmem>>, vector<16xf32>,
      %parallel_loop3A_246 = arith.index_cast %parallel_loop3A_117 : i32 to index
      %parallel_loop3A_247 = arith.constant 48 : index
      %parallel_loop3A_248 = tpu.vector_load %arg6[%parallel_loop3A_246, %parallel_loop3A_247] {strides = array<i32>} : memref<495x64xf32, #tpu.memory_space<vmem>>, vector<16xf32>,
      %parallel_loop3A_249 = arith.index_cast %parallel_loop3A_119 : i32 to index
      %parallel_loop3A_250 = arith.constant 48 : index
      %parallel_loop3A_251 = tpu.vector_load %arg6[%parallel_loop3A_249, %parallel_loop3A_250] {strides = array<i32>} : memref<495x64xf32, #tpu.memory_space<vmem>>, vector<16xf32>,
      %parallel_loop3A_252 = arith.index_cast %parallel_loop3A_121 : i32 to index
      %parallel_loop3A_253 = arith.constant 48 : index
      %parallel_loop3A_254 = tpu.vector_load %arg6[%parallel_loop3A_252, %parallel_loop3A_253] {strides = array<i32>} : memref<495x64xf32, #tpu.memory_space<vmem>>, vector<16xf32>,
      %parallel_loop3A_255 = arith.index_cast %parallel_loop3A_123 : i32 to index
      %parallel_loop3A_256 = arith.constant 48 : index
      %parallel_loop3A_257 = tpu.vector_load %arg6[%parallel_loop3A_255, %parallel_loop3A_256] {strides = array<i32>} : memref<495x64xf32, #tpu.memory_space<vmem>>, vector<16xf32>,
      %parallel_loop3A_258 = arith.addf %parallel_loop3A_239, %parallel_loop3A_242 : vector<16xf32>
      %parallel_loop3A_259 = arith.addf %parallel_loop3A_245, %parallel_loop3A_248 : vector<16xf32>
      %parallel_loop3A_260 = arith.addf %parallel_loop3A_251, %parallel_loop3A_254 : vector<16xf32>
      %parallel_loop3A_261 = arith.addf %parallel_loop3A_258, %parallel_loop3A_259 : vector<16xf32>
      %parallel_loop3A_262 = arith.addf %parallel_loop3A_260, %parallel_loop3A_257 : vector<16xf32>
      %parallel_loop3A_263 = arith.addf %parallel_loop3A_261, %parallel_loop3A_262 : vector<16xf32>
      %parallel_loop3A_264 = arith.constant 0.00999999977 : f32
      %parallel_loop3A_265 = vector.broadcast %parallel_loop3A_264 : f32 to vector<16xf32>
      %parallel_loop3A_266 = arith.mulf %parallel_loop3A_265, %parallel_loop3A_263 : vector<16xf32>
      %parallel_loop3A_267 = arith.maximumf %parallel_loop3A_263, %parallel_loop3A_266 : vector<16xf32>
      %parallel_loop3A_268 = arith.constant 48 : i32
      %parallel_loop3A_269 = arith.addi %parallel_loop3A_125, %parallel_loop3A_268 : i32
      %parallel_loop3A_270 = arith.constant 1 : i32
      %parallel_loop3A_271 = arith.index_cast %parallel_loop3A_270 : i32 to index
      %parallel_loop3A_272 = arith.index_cast %parallel_loop3A_269 : i32 to index
      %parallel_loop3A_273 = tpu.vector_load %arg7[%parallel_loop3A_271, %parallel_loop3A_272] {strides = array<i32>} : memref<2x8192xf32, #tpu.memory_space<vmem>>, vector<16xf32>,
      tpu.vector_store %arg7[%parallel_loop3A_271, %parallel_loop3A_272], %parallel_loop3A_267 {strides = array<i32>} : memref<2x8192xf32, #tpu.memory_space<vmem>>, vector<16xf32>,
    } {sc.loop_unroll_factor = 2 : i64, sc.parallel_access}
    %add3A_23 = arith.constant 128 : i32
    %add3A_24 = arith.addi %mul3A_2, %add3A_23 : i32
    %mul3A_25 = arith.constant 64 : i32
    %mul3A_26 = arith.muli %add3A_24, %mul3A_25 : i32
    %dma_start3A_27 = arith.constant 1 : i32
    %dma_start3A_28 = arith.constant 0 : i32
    %dma_start3A_29 = tpu.memref_slice %arg7[%dma_start3A_27, %dma_start3A_28] : memref<2x8192xf32, #tpu.memory_space<vmem>> -> memref<1x8192xf32, #tpu.memory_space<vmem>>
    %dma_start3A_30 = tpu.memref_squeeze %dma_start3A_29 : memref<1x8192xf32, #tpu.memory_space<vmem>> -> memref<8192xf32, #tpu.memory_space<vmem>>
    %dma_start3A_31 = tpu.memref_slice %arg4[%mul3A_26] : memref<1048576xf32, #tpu.memory_space<hbm>> -> memref<8192xf32, #tpu.memory_space<hbm>>
    %dma_start3A_32 = tpu.memref_slice %arg4[%mul3A_26] : memref<1048576xf32, #tpu.memory_space<hbm>> -> memref<8192xf32, #tpu.memory_space<hbm>>
    %dma_start3A_33 = arith.constant 0 : i32
    %dma_start3A_34 = tpu.memref_slice %arg7[%dma_start3A_27, %dma_start3A_33] : memref<2x8192xf32, #tpu.memory_space<vmem>> -> memref<1x8192xf32, #tpu.memory_space<vmem>>
    %dma_start3A_35 = tpu.memref_squeeze %dma_start3A_34 : memref<1x8192xf32, #tpu.memory_space<vmem>> -> memref<8192xf32, #tpu.memory_space<vmem>>
    tpu.enqueue_dma source(%dma_start3A_35 : memref<8192xf32, #tpu.memory_space<vmem>>) target(%dma_start3A_32 : memref<8192xf32, #tpu.memory_space<hbm>>) target_semaphore(%arg10 : memref<!tpu.dma_semaphore, #tpu.memory_space<semaphore_mem>>)
    %dma_wait3A = arith.constant 0 : i32
    %dma_wait3A_36 = arith.constant 0 : i32
    %dma_wait3A_37 = tpu.memref_slice %arg7[%dma_wait3A, %dma_wait3A_36] : memref<2x8192xf32, #tpu.memory_space<vmem>> -> memref<1x8192xf32, #tpu.memory_space<vmem>>
    %dma_wait3A_38 = tpu.memref_squeeze %dma_wait3A_37 : memref<1x8192xf32, #tpu.memory_space<vmem>> -> memref<8192xf32, #tpu.memory_space<vmem>>
    %dma_wait3A_39 = tpu.memref_slice %arg4[%mul3A_11] : memref<1048576xf32, #tpu.memory_space<hbm>> -> memref<8192xf32, #tpu.memory_space<hbm>>
    %dma_wait3A_40 = tpu.memref_slice %arg4[%mul3A_11] : memref<1048576xf32, #tpu.memory_space<hbm>> -> memref<8192xf32, #tpu.memory_space<hbm>>
    %dma_wait3A_41 = arith.constant 0 : i32
    %dma_wait3A_42 = tpu.memref_slice %arg7[%dma_wait3A, %dma_wait3A_41] : memref<2x8192xf32, #tpu.memory_space<vmem>> -> memref<1x8192xf32, #tpu.memory_space<vmem>>
    %dma_wait3A_43 = tpu.memref_squeeze %dma_wait3A_42 : memref<1x8192xf32, #tpu.memory_space<vmem>> -> memref<8192xf32, #tpu.memory_space<vmem>>
    tpu.wait_dma2 semaphore(%arg9 : memref<!tpu.dma_semaphore, #tpu.memory_space<semaphore_mem>>) src(%dma_wait3A_43 : memref<8192xf32, #tpu.memory_space<vmem>>) dst(%dma_wait3A_40 : memref<8192xf32, #tpu.memory_space<hbm>>)
    %parallel_loop3A_44 = arith.constant 0 : i32
    %parallel_loop3A_45 = arith.constant 128 : i32
    %parallel_loop3A_46 = arith.constant 1 : i32
    scf.for %parallel_loop3A_103 = %parallel_loop3A_44 to %parallel_loop3A_45 step %parallel_loop3A_46  : i32 {
      %parallel_loop3A_104 = arith.constant 256 : i32
      %parallel_loop3A_105 = arith.addi %parallel_loop3A_104, %parallel_loop3A_103 : i32
      %parallel_loop3A_106 = arith.constant 16 : i32
      %parallel_loop3A_107 = arith.muli %parallel_loop3A_105, %parallel_loop3A_106 : i32
      %parallel_loop3A_108 = arith.index_cast %parallel_loop3A_107 : i32 to index
      %parallel_loop3A_109 = tpu.vector_load %arg8[%parallel_loop3A_108] {strides = array<i32>} : memref<8192xi32, #tpu.memory_space<vmem>>, vector<16xi32>,
      %parallel_loop3A_110 = vector.extract_strided_slice %parallel_loop3A_109 {offsets = [0], sizes = [1], strides = [1]} : vector<16xi32> to vector<1xi32>
      %parallel_loop3A_111 = vector.extract %parallel_loop3A_110[0] : i32 from vector<1xi32>
      %parallel_loop3A_112 = vector.extract_strided_slice %parallel_loop3A_109 {offsets = [1], sizes = [1], strides = [1]} : vector<16xi32> to vector<1xi32>
      %parallel_loop3A_113 = vector.extract %parallel_loop3A_112[0] : i32 from vector<1xi32>
      %parallel_loop3A_114 = vector.extract_strided_slice %parallel_loop3A_109 {offsets = [2], sizes = [1], strides = [1]} : vector<16xi32> to vector<1xi32>
      %parallel_loop3A_115 = vector.extract %parallel_loop3A_114[0] : i32 from vector<1xi32>
      %parallel_loop3A_116 = vector.extract_strided_slice %parallel_loop3A_109 {offsets = [3], sizes = [1], strides = [1]} : vector<16xi32> to vector<1xi32>
      %parallel_loop3A_117 = vector.extract %parallel_loop3A_116[0] : i32 from vector<1xi32>
      %parallel_loop3A_118 = vector.extract_strided_slice %parallel_loop3A_109 {offsets = [4], sizes = [1], strides = [1]} : vector<16xi32> to vector<1xi32>
      %parallel_loop3A_119 = vector.extract %parallel_loop3A_118[0] : i32 from vector<1xi32>
      %parallel_loop3A_120 = vector.extract_strided_slice %parallel_loop3A_109 {offsets = [5], sizes = [1], strides = [1]} : vector<16xi32> to vector<1xi32>
      %parallel_loop3A_121 = vector.extract %parallel_loop3A_120[0] : i32 from vector<1xi32>
      %parallel_loop3A_122 = vector.extract_strided_slice %parallel_loop3A_109 {offsets = [6], sizes = [1], strides = [1]} : vector<16xi32> to vector<1xi32>
      %parallel_loop3A_123 = vector.extract %parallel_loop3A_122[0] : i32 from vector<1xi32>
      %parallel_loop3A_124 = arith.constant 64 : i32
      %parallel_loop3A_125 = arith.muli %parallel_loop3A_103, %parallel_loop3A_124 : i32
      %parallel_loop3A_126 = arith.index_cast %parallel_loop3A_111 : i32 to index
      %parallel_loop3A_127 = arith.constant 0 : index
      %parallel_loop3A_128 = tpu.vector_load %arg6[%parallel_loop3A_126, %parallel_loop3A_127] {strides = array<i32>} : memref<495x64xf32, #tpu.memory_space<vmem>>, vector<16xf32>,
      %parallel_loop3A_129 = arith.index_cast %parallel_loop3A_113 : i32 to index
      %parallel_loop3A_130 = arith.constant 0 : index
      %parallel_loop3A_131 = tpu.vector_load %arg6[%parallel_loop3A_129, %parallel_loop3A_130] {strides = array<i32>} : memref<495x64xf32, #tpu.memory_space<vmem>>, vector<16xf32>,
      %parallel_loop3A_132 = arith.index_cast %parallel_loop3A_115 : i32 to index
      %parallel_loop3A_133 = arith.constant 0 : index
      %parallel_loop3A_134 = tpu.vector_load %arg6[%parallel_loop3A_132, %parallel_loop3A_133] {strides = array<i32>} : memref<495x64xf32, #tpu.memory_space<vmem>>, vector<16xf32>,
      %parallel_loop3A_135 = arith.index_cast %parallel_loop3A_117 : i32 to index
      %parallel_loop3A_136 = arith.constant 0 : index
      %parallel_loop3A_137 = tpu.vector_load %arg6[%parallel_loop3A_135, %parallel_loop3A_136] {strides = array<i32>} : memref<495x64xf32, #tpu.memory_space<vmem>>, vector<16xf32>,
      %parallel_loop3A_138 = arith.index_cast %parallel_loop3A_119 : i32 to index
      %parallel_loop3A_139 = arith.constant 0 : index
      %parallel_loop3A_140 = tpu.vector_load %arg6[%parallel_loop3A_138, %parallel_loop3A_139] {strides = array<i32>} : memref<495x64xf32, #tpu.memory_space<vmem>>, vector<16xf32>,
      %parallel_loop3A_141 = arith.index_cast %parallel_loop3A_121 : i32 to index
      %parallel_loop3A_142 = arith.constant 0 : index
      %parallel_loop3A_143 = tpu.vector_load %arg6[%parallel_loop3A_141, %parallel_loop3A_142] {strides = array<i32>} : memref<495x64xf32, #tpu.memory_space<vmem>>, vector<16xf32>,
      %parallel_loop3A_144 = arith.index_cast %parallel_loop3A_123 : i32 to index
      %parallel_loop3A_145 = arith.constant 0 : index
      %parallel_loop3A_146 = tpu.vector_load %arg6[%parallel_loop3A_144, %parallel_loop3A_145] {strides = array<i32>} : memref<495x64xf32, #tpu.memory_space<vmem>>, vector<16xf32>,
      %parallel_loop3A_147 = arith.addf %parallel_loop3A_128, %parallel_loop3A_131 : vector<16xf32>
      %parallel_loop3A_148 = arith.addf %parallel_loop3A_134, %parallel_loop3A_137 : vector<16xf32>
      %parallel_loop3A_149 = arith.addf %parallel_loop3A_140, %parallel_loop3A_143 : vector<16xf32>
      %parallel_loop3A_150 = arith.addf %parallel_loop3A_147, %parallel_loop3A_148 : vector<16xf32>
      %parallel_loop3A_151 = arith.addf %parallel_loop3A_149, %parallel_loop3A_146 : vector<16xf32>
      %parallel_loop3A_152 = arith.addf %parallel_loop3A_150, %parallel_loop3A_151 : vector<16xf32>
      %parallel_loop3A_153 = arith.constant 0.00999999977 : f32
      %parallel_loop3A_154 = vector.broadcast %parallel_loop3A_153 : f32 to vector<16xf32>
      %parallel_loop3A_155 = arith.mulf %parallel_loop3A_154, %parallel_loop3A_152 : vector<16xf32>
      %parallel_loop3A_156 = arith.maximumf %parallel_loop3A_152, %parallel_loop3A_155 : vector<16xf32>
      %parallel_loop3A_157 = arith.constant 0 : i32
      %parallel_loop3A_158 = arith.addi %parallel_loop3A_125, %parallel_loop3A_157 : i32
      %parallel_loop3A_159 = arith.constant 0 : i32
      %parallel_loop3A_160 = arith.index_cast %parallel_loop3A_159 : i32 to index
      %parallel_loop3A_161 = arith.index_cast %parallel_loop3A_158 : i32 to index
      %parallel_loop3A_162 = tpu.vector_load %arg7[%parallel_loop3A_160, %parallel_loop3A_161] {strides = array<i32>} : memref<2x8192xf32, #tpu.memory_space<vmem>>, vector<16xf32>,
      tpu.vector_store %arg7[%parallel_loop3A_160, %parallel_loop3A_161], %parallel_loop3A_156 {strides = array<i32>} : memref<2x8192xf32, #tpu.memory_space<vmem>>, vector<16xf32>,
      %parallel_loop3A_163 = arith.index_cast %parallel_loop3A_111 : i32 to index
      %parallel_loop3A_164 = arith.constant 16 : index
      %parallel_loop3A_165 = tpu.vector_load %arg6[%parallel_loop3A_163, %parallel_loop3A_164] {strides = array<i32>} : memref<495x64xf32, #tpu.memory_space<vmem>>, vector<16xf32>,
      %parallel_loop3A_166 = arith.index_cast %parallel_loop3A_113 : i32 to index
      %parallel_loop3A_167 = arith.constant 16 : index
      %parallel_loop3A_168 = tpu.vector_load %arg6[%parallel_loop3A_166, %parallel_loop3A_167] {strides = array<i32>} : memref<495x64xf32, #tpu.memory_space<vmem>>, vector<16xf32>,
      %parallel_loop3A_169 = arith.index_cast %parallel_loop3A_115 : i32 to index
      %parallel_loop3A_170 = arith.constant 16 : index
      %parallel_loop3A_171 = tpu.vector_load %arg6[%parallel_loop3A_169, %parallel_loop3A_170] {strides = array<i32>} : memref<495x64xf32, #tpu.memory_space<vmem>>, vector<16xf32>,
      %parallel_loop3A_172 = arith.index_cast %parallel_loop3A_117 : i32 to index
      %parallel_loop3A_173 = arith.constant 16 : index
      %parallel_loop3A_174 = tpu.vector_load %arg6[%parallel_loop3A_172, %parallel_loop3A_173] {strides = array<i32>} : memref<495x64xf32, #tpu.memory_space<vmem>>, vector<16xf32>,
      %parallel_loop3A_175 = arith.index_cast %parallel_loop3A_119 : i32 to index
      %parallel_loop3A_176 = arith.constant 16 : index
      %parallel_loop3A_177 = tpu.vector_load %arg6[%parallel_loop3A_175, %parallel_loop3A_176] {strides = array<i32>} : memref<495x64xf32, #tpu.memory_space<vmem>>, vector<16xf32>,
      %parallel_loop3A_178 = arith.index_cast %parallel_loop3A_121 : i32 to index
      %parallel_loop3A_179 = arith.constant 16 : index
      %parallel_loop3A_180 = tpu.vector_load %arg6[%parallel_loop3A_178, %parallel_loop3A_179] {strides = array<i32>} : memref<495x64xf32, #tpu.memory_space<vmem>>, vector<16xf32>,
      %parallel_loop3A_181 = arith.index_cast %parallel_loop3A_123 : i32 to index
      %parallel_loop3A_182 = arith.constant 16 : index
      %parallel_loop3A_183 = tpu.vector_load %arg6[%parallel_loop3A_181, %parallel_loop3A_182] {strides = array<i32>} : memref<495x64xf32, #tpu.memory_space<vmem>>, vector<16xf32>,
      %parallel_loop3A_184 = arith.addf %parallel_loop3A_165, %parallel_loop3A_168 : vector<16xf32>
      %parallel_loop3A_185 = arith.addf %parallel_loop3A_171, %parallel_loop3A_174 : vector<16xf32>
      %parallel_loop3A_186 = arith.addf %parallel_loop3A_177, %parallel_loop3A_180 : vector<16xf32>
      %parallel_loop3A_187 = arith.addf %parallel_loop3A_184, %parallel_loop3A_185 : vector<16xf32>
      %parallel_loop3A_188 = arith.addf %parallel_loop3A_186, %parallel_loop3A_183 : vector<16xf32>
      %parallel_loop3A_189 = arith.addf %parallel_loop3A_187, %parallel_loop3A_188 : vector<16xf32>
      %parallel_loop3A_190 = arith.constant 0.00999999977 : f32
      %parallel_loop3A_191 = vector.broadcast %parallel_loop3A_190 : f32 to vector<16xf32>
      %parallel_loop3A_192 = arith.mulf %parallel_loop3A_191, %parallel_loop3A_189 : vector<16xf32>
      %parallel_loop3A_193 = arith.maximumf %parallel_loop3A_189, %parallel_loop3A_192 : vector<16xf32>
      %parallel_loop3A_194 = arith.constant 16 : i32
      %parallel_loop3A_195 = arith.addi %parallel_loop3A_125, %parallel_loop3A_194 : i32
      %parallel_loop3A_196 = arith.constant 0 : i32
      %parallel_loop3A_197 = arith.index_cast %parallel_loop3A_196 : i32 to index
      %parallel_loop3A_198 = arith.index_cast %parallel_loop3A_195 : i32 to index
      %parallel_loop3A_199 = tpu.vector_load %arg7[%parallel_loop3A_197, %parallel_loop3A_198] {strides = array<i32>} : memref<2x8192xf32, #tpu.memory_space<vmem>>, vector<16xf32>,
      tpu.vector_store %arg7[%parallel_loop3A_197, %parallel_loop3A_198], %parallel_loop3A_193 {strides = array<i32>} : memref<2x8192xf32, #tpu.memory_space<vmem>>, vector<16xf32>,
      %parallel_loop3A_200 = arith.index_cast %parallel_loop3A_111 : i32 to index
      %parallel_loop3A_201 = arith.constant 32 : index
      %parallel_loop3A_202 = tpu.vector_load %arg6[%parallel_loop3A_200, %parallel_loop3A_201] {strides = array<i32>} : memref<495x64xf32, #tpu.memory_space<vmem>>, vector<16xf32>,
      %parallel_loop3A_203 = arith.index_cast %parallel_loop3A_113 : i32 to index
      %parallel_loop3A_204 = arith.constant 32 : index
      %parallel_loop3A_205 = tpu.vector_load %arg6[%parallel_loop3A_203, %parallel_loop3A_204] {strides = array<i32>} : memref<495x64xf32, #tpu.memory_space<vmem>>, vector<16xf32>,
      %parallel_loop3A_206 = arith.index_cast %parallel_loop3A_115 : i32 to index
      %parallel_loop3A_207 = arith.constant 32 : index
      %parallel_loop3A_208 = tpu.vector_load %arg6[%parallel_loop3A_206, %parallel_loop3A_207] {strides = array<i32>} : memref<495x64xf32, #tpu.memory_space<vmem>>, vector<16xf32>,
      %parallel_loop3A_209 = arith.index_cast %parallel_loop3A_117 : i32 to index
      %parallel_loop3A_210 = arith.constant 32 : index
      %parallel_loop3A_211 = tpu.vector_load %arg6[%parallel_loop3A_209, %parallel_loop3A_210] {strides = array<i32>} : memref<495x64xf32, #tpu.memory_space<vmem>>, vector<16xf32>,
      %parallel_loop3A_212 = arith.index_cast %parallel_loop3A_119 : i32 to index
      %parallel_loop3A_213 = arith.constant 32 : index
      %parallel_loop3A_214 = tpu.vector_load %arg6[%parallel_loop3A_212, %parallel_loop3A_213] {strides = array<i32>} : memref<495x64xf32, #tpu.memory_space<vmem>>, vector<16xf32>,
      %parallel_loop3A_215 = arith.index_cast %parallel_loop3A_121 : i32 to index
      %parallel_loop3A_216 = arith.constant 32 : index
      %parallel_loop3A_217 = tpu.vector_load %arg6[%parallel_loop3A_215, %parallel_loop3A_216] {strides = array<i32>} : memref<495x64xf32, #tpu.memory_space<vmem>>, vector<16xf32>,
      %parallel_loop3A_218 = arith.index_cast %parallel_loop3A_123 : i32 to index
      %parallel_loop3A_219 = arith.constant 32 : index
      %parallel_loop3A_220 = tpu.vector_load %arg6[%parallel_loop3A_218, %parallel_loop3A_219] {strides = array<i32>} : memref<495x64xf32, #tpu.memory_space<vmem>>, vector<16xf32>,
      %parallel_loop3A_221 = arith.addf %parallel_loop3A_202, %parallel_loop3A_205 : vector<16xf32>
      %parallel_loop3A_222 = arith.addf %parallel_loop3A_208, %parallel_loop3A_211 : vector<16xf32>
      %parallel_loop3A_223 = arith.addf %parallel_loop3A_214, %parallel_loop3A_217 : vector<16xf32>
      %parallel_loop3A_224 = arith.addf %parallel_loop3A_221, %parallel_loop3A_222 : vector<16xf32>
      %parallel_loop3A_225 = arith.addf %parallel_loop3A_223, %parallel_loop3A_220 : vector<16xf32>
      %parallel_loop3A_226 = arith.addf %parallel_loop3A_224, %parallel_loop3A_225 : vector<16xf32>
      %parallel_loop3A_227 = arith.constant 0.00999999977 : f32
      %parallel_loop3A_228 = vector.broadcast %parallel_loop3A_227 : f32 to vector<16xf32>
      %parallel_loop3A_229 = arith.mulf %parallel_loop3A_228, %parallel_loop3A_226 : vector<16xf32>
      %parallel_loop3A_230 = arith.maximumf %parallel_loop3A_226, %parallel_loop3A_229 : vector<16xf32>
      %parallel_loop3A_231 = arith.constant 32 : i32
      %parallel_loop3A_232 = arith.addi %parallel_loop3A_125, %parallel_loop3A_231 : i32
      %parallel_loop3A_233 = arith.constant 0 : i32
      %parallel_loop3A_234 = arith.index_cast %parallel_loop3A_233 : i32 to index
      %parallel_loop3A_235 = arith.index_cast %parallel_loop3A_232 : i32 to index
      %parallel_loop3A_236 = tpu.vector_load %arg7[%parallel_loop3A_234, %parallel_loop3A_235] {strides = array<i32>} : memref<2x8192xf32, #tpu.memory_space<vmem>>, vector<16xf32>,
      tpu.vector_store %arg7[%parallel_loop3A_234, %parallel_loop3A_235], %parallel_loop3A_230 {strides = array<i32>} : memref<2x8192xf32, #tpu.memory_space<vmem>>, vector<16xf32>,
      %parallel_loop3A_237 = arith.index_cast %parallel_loop3A_111 : i32 to index
      %parallel_loop3A_238 = arith.constant 48 : index
      %parallel_loop3A_239 = tpu.vector_load %arg6[%parallel_loop3A_237, %parallel_loop3A_238] {strides = array<i32>} : memref<495x64xf32, #tpu.memory_space<vmem>>, vector<16xf32>,
      %parallel_loop3A_240 = arith.index_cast %parallel_loop3A_113 : i32 to index
      %parallel_loop3A_241 = arith.constant 48 : index
      %parallel_loop3A_242 = tpu.vector_load %arg6[%parallel_loop3A_240, %parallel_loop3A_241] {strides = array<i32>} : memref<495x64xf32, #tpu.memory_space<vmem>>, vector<16xf32>,
      %parallel_loop3A_243 = arith.index_cast %parallel_loop3A_115 : i32 to index
      %parallel_loop3A_244 = arith.constant 48 : index
      %parallel_loop3A_245 = tpu.vector_load %arg6[%parallel_loop3A_243, %parallel_loop3A_244] {strides = array<i32>} : memref<495x64xf32, #tpu.memory_space<vmem>>, vector<16xf32>,
      %parallel_loop3A_246 = arith.index_cast %parallel_loop3A_117 : i32 to index
      %parallel_loop3A_247 = arith.constant 48 : index
      %parallel_loop3A_248 = tpu.vector_load %arg6[%parallel_loop3A_246, %parallel_loop3A_247] {strides = array<i32>} : memref<495x64xf32, #tpu.memory_space<vmem>>, vector<16xf32>,
      %parallel_loop3A_249 = arith.index_cast %parallel_loop3A_119 : i32 to index
      %parallel_loop3A_250 = arith.constant 48 : index
      %parallel_loop3A_251 = tpu.vector_load %arg6[%parallel_loop3A_249, %parallel_loop3A_250] {strides = array<i32>} : memref<495x64xf32, #tpu.memory_space<vmem>>, vector<16xf32>,
      %parallel_loop3A_252 = arith.index_cast %parallel_loop3A_121 : i32 to index
      %parallel_loop3A_253 = arith.constant 48 : index
      %parallel_loop3A_254 = tpu.vector_load %arg6[%parallel_loop3A_252, %parallel_loop3A_253] {strides = array<i32>} : memref<495x64xf32, #tpu.memory_space<vmem>>, vector<16xf32>,
      %parallel_loop3A_255 = arith.index_cast %parallel_loop3A_123 : i32 to index
      %parallel_loop3A_256 = arith.constant 48 : index
      %parallel_loop3A_257 = tpu.vector_load %arg6[%parallel_loop3A_255, %parallel_loop3A_256] {strides = array<i32>} : memref<495x64xf32, #tpu.memory_space<vmem>>, vector<16xf32>,
      %parallel_loop3A_258 = arith.addf %parallel_loop3A_239, %parallel_loop3A_242 : vector<16xf32>
      %parallel_loop3A_259 = arith.addf %parallel_loop3A_245, %parallel_loop3A_248 : vector<16xf32>
      %parallel_loop3A_260 = arith.addf %parallel_loop3A_251, %parallel_loop3A_254 : vector<16xf32>
      %parallel_loop3A_261 = arith.addf %parallel_loop3A_258, %parallel_loop3A_259 : vector<16xf32>
      %parallel_loop3A_262 = arith.addf %parallel_loop3A_260, %parallel_loop3A_257 : vector<16xf32>
      %parallel_loop3A_263 = arith.addf %parallel_loop3A_261, %parallel_loop3A_262 : vector<16xf32>
      %parallel_loop3A_264 = arith.constant 0.00999999977 : f32
      %parallel_loop3A_265 = vector.broadcast %parallel_loop3A_264 : f32 to vector<16xf32>
      %parallel_loop3A_266 = arith.mulf %parallel_loop3A_265, %parallel_loop3A_263 : vector<16xf32>
      %parallel_loop3A_267 = arith.maximumf %parallel_loop3A_263, %parallel_loop3A_266 : vector<16xf32>
      %parallel_loop3A_268 = arith.constant 48 : i32
      %parallel_loop3A_269 = arith.addi %parallel_loop3A_125, %parallel_loop3A_268 : i32
      %parallel_loop3A_270 = arith.constant 0 : i32
      %parallel_loop3A_271 = arith.index_cast %parallel_loop3A_270 : i32 to index
      %parallel_loop3A_272 = arith.index_cast %parallel_loop3A_269 : i32 to index
      %parallel_loop3A_273 = tpu.vector_load %arg7[%parallel_loop3A_271, %parallel_loop3A_272] {strides = array<i32>} : memref<2x8192xf32, #tpu.memory_space<vmem>>, vector<16xf32>,
      tpu.vector_store %arg7[%parallel_loop3A_271, %parallel_loop3A_272], %parallel_loop3A_267 {strides = array<i32>} : memref<2x8192xf32, #tpu.memory_space<vmem>>, vector<16xf32>,
    } {sc.loop_unroll_factor = 2 : i64, sc.parallel_access}
    %add3A_47 = arith.constant 256 : i32
    %add3A_48 = arith.addi %mul3A_2, %add3A_47 : i32
    %mul3A_49 = arith.constant 64 : i32
    %mul3A_50 = arith.muli %add3A_48, %mul3A_49 : i32
    %dma_start3A_51 = arith.constant 0 : i32
    %dma_start3A_52 = arith.constant 0 : i32
    %dma_start3A_53 = tpu.memref_slice %arg7[%dma_start3A_51, %dma_start3A_52] : memref<2x8192xf32, #tpu.memory_space<vmem>> -> memref<1x8192xf32, #tpu.memory_space<vmem>>
    %dma_start3A_54 = tpu.memref_squeeze %dma_start3A_53 : memref<1x8192xf32, #tpu.memory_space<vmem>> -> memref<8192xf32, #tpu.memory_space<vmem>>
    %dma_start3A_55 = tpu.memref_slice %arg4[%mul3A_50] : memref<1048576xf32, #tpu.memory_space<hbm>> -> memref<8192xf32, #tpu.memory_space<hbm>>
    %dma_start3A_56 = tpu.memref_slice %arg4[%mul3A_50] : memref<1048576xf32, #tpu.memory_space<hbm>> -> memref<8192xf32, #tpu.memory_space<hbm>>
    %dma_start3A_57 = arith.constant 0 : i32
    %dma_start3A_58 = tpu.memref_slice %arg7[%dma_start3A_51, %dma_start3A_57] : memref<2x8192xf32, #tpu.memory_space<vmem>> -> memref<1x8192xf32, #tpu.memory_space<vmem>>
    %dma_start3A_59 = tpu.memref_squeeze %dma_start3A_58 : memref<1x8192xf32, #tpu.memory_space<vmem>> -> memref<8192xf32, #tpu.memory_space<vmem>>
    tpu.enqueue_dma source(%dma_start3A_59 : memref<8192xf32, #tpu.memory_space<vmem>>) target(%dma_start3A_56 : memref<8192xf32, #tpu.memory_space<hbm>>) target_semaphore(%arg9 : memref<!tpu.dma_semaphore, #tpu.memory_space<semaphore_mem>>)
    %dma_wait3A_60 = arith.constant 1 : i32
    %dma_wait3A_61 = arith.constant 0 : i32
    %dma_wait3A_62 = tpu.memref_slice %arg7[%dma_wait3A_60, %dma_wait3A_61] : memref<2x8192xf32, #tpu.memory_space<vmem>> -> memref<1x8192xf32, #tpu.memory_space<vmem>>
    %dma_wait3A_63 = tpu.memref_squeeze %dma_wait3A_62 : memref<1x8192xf32, #tpu.memory_space<vmem>> -> memref<8192xf32, #tpu.memory_space<vmem>>
    %dma_wait3A_64 = tpu.memref_slice %arg4[%mul3A_26] : memref<1048576xf32, #tpu.memory_space<hbm>> -> memref<8192xf32, #tpu.memory_space<hbm>>
    %dma_wait3A_65 = tpu.memref_slice %arg4[%mul3A_26] : memref<1048576xf32, #tpu.memory_space<hbm>> -> memref<8192xf32, #tpu.memory_space<hbm>>
    %dma_wait3A_66 = arith.constant 0 : i32
    %dma_wait3A_67 = tpu.memref_slice %arg7[%dma_wait3A_60, %dma_wait3A_66] : memref<2x8192xf32, #tpu.memory_space<vmem>> -> memref<1x8192xf32, #tpu.memory_space<vmem>>
    %dma_wait3A_68 = tpu.memref_squeeze %dma_wait3A_67 : memref<1x8192xf32, #tpu.memory_space<vmem>> -> memref<8192xf32, #tpu.memory_space<vmem>>
    tpu.wait_dma2 semaphore(%arg10 : memref<!tpu.dma_semaphore, #tpu.memory_space<semaphore_mem>>) src(%dma_wait3A_68 : memref<8192xf32, #tpu.memory_space<vmem>>) dst(%dma_wait3A_65 : memref<8192xf32, #tpu.memory_space<hbm>>)
    %parallel_loop3A_69 = arith.constant 0 : i32
    %parallel_loop3A_70 = arith.constant 128 : i32
    %parallel_loop3A_71 = arith.constant 1 : i32
    scf.for %parallel_loop3A_103 = %parallel_loop3A_69 to %parallel_loop3A_70 step %parallel_loop3A_71  : i32 {
      %parallel_loop3A_104 = arith.constant 384 : i32
      %parallel_loop3A_105 = arith.addi %parallel_loop3A_104, %parallel_loop3A_103 : i32
      %parallel_loop3A_106 = arith.constant 16 : i32
      %parallel_loop3A_107 = arith.muli %parallel_loop3A_105, %parallel_loop3A_106 : i32
      %parallel_loop3A_108 = arith.index_cast %parallel_loop3A_107 : i32 to index
      %parallel_loop3A_109 = tpu.vector_load %arg8[%parallel_loop3A_108] {strides = array<i32>} : memref<8192xi32, #tpu.memory_space<vmem>>, vector<16xi32>,
      %parallel_loop3A_110 = vector.extract_strided_slice %parallel_loop3A_109 {offsets = [0], sizes = [1], strides = [1]} : vector<16xi32> to vector<1xi32>
      %parallel_loop3A_111 = vector.extract %parallel_loop3A_110[0] : i32 from vector<1xi32>
      %parallel_loop3A_112 = vector.extract_strided_slice %parallel_loop3A_109 {offsets = [1], sizes = [1], strides = [1]} : vector<16xi32> to vector<1xi32>
      %parallel_loop3A_113 = vector.extract %parallel_loop3A_112[0] : i32 from vector<1xi32>
      %parallel_loop3A_114 = vector.extract_strided_slice %parallel_loop3A_109 {offsets = [2], sizes = [1], strides = [1]} : vector<16xi32> to vector<1xi32>
      %parallel_loop3A_115 = vector.extract %parallel_loop3A_114[0] : i32 from vector<1xi32>
      %parallel_loop3A_116 = vector.extract_strided_slice %parallel_loop3A_109 {offsets = [3], sizes = [1], strides = [1]} : vector<16xi32> to vector<1xi32>
      %parallel_loop3A_117 = vector.extract %parallel_loop3A_116[0] : i32 from vector<1xi32>
      %parallel_loop3A_118 = vector.extract_strided_slice %parallel_loop3A_109 {offsets = [4], sizes = [1], strides = [1]} : vector<16xi32> to vector<1xi32>
      %parallel_loop3A_119 = vector.extract %parallel_loop3A_118[0] : i32 from vector<1xi32>
      %parallel_loop3A_120 = vector.extract_strided_slice %parallel_loop3A_109 {offsets = [5], sizes = [1], strides = [1]} : vector<16xi32> to vector<1xi32>
      %parallel_loop3A_121 = vector.extract %parallel_loop3A_120[0] : i32 from vector<1xi32>
      %parallel_loop3A_122 = vector.extract_strided_slice %parallel_loop3A_109 {offsets = [6], sizes = [1], strides = [1]} : vector<16xi32> to vector<1xi32>
      %parallel_loop3A_123 = vector.extract %parallel_loop3A_122[0] : i32 from vector<1xi32>
      %parallel_loop3A_124 = arith.constant 64 : i32
      %parallel_loop3A_125 = arith.muli %parallel_loop3A_103, %parallel_loop3A_124 : i32
      %parallel_loop3A_126 = arith.index_cast %parallel_loop3A_111 : i32 to index
      %parallel_loop3A_127 = arith.constant 0 : index
      %parallel_loop3A_128 = tpu.vector_load %arg6[%parallel_loop3A_126, %parallel_loop3A_127] {strides = array<i32>} : memref<495x64xf32, #tpu.memory_space<vmem>>, vector<16xf32>,
      %parallel_loop3A_129 = arith.index_cast %parallel_loop3A_113 : i32 to index
      %parallel_loop3A_130 = arith.constant 0 : index
      %parallel_loop3A_131 = tpu.vector_load %arg6[%parallel_loop3A_129, %parallel_loop3A_130] {strides = array<i32>} : memref<495x64xf32, #tpu.memory_space<vmem>>, vector<16xf32>,
      %parallel_loop3A_132 = arith.index_cast %parallel_loop3A_115 : i32 to index
      %parallel_loop3A_133 = arith.constant 0 : index
      %parallel_loop3A_134 = tpu.vector_load %arg6[%parallel_loop3A_132, %parallel_loop3A_133] {strides = array<i32>} : memref<495x64xf32, #tpu.memory_space<vmem>>, vector<16xf32>,
      %parallel_loop3A_135 = arith.index_cast %parallel_loop3A_117 : i32 to index
      %parallel_loop3A_136 = arith.constant 0 : index
      %parallel_loop3A_137 = tpu.vector_load %arg6[%parallel_loop3A_135, %parallel_loop3A_136] {strides = array<i32>} : memref<495x64xf32, #tpu.memory_space<vmem>>, vector<16xf32>,
      %parallel_loop3A_138 = arith.index_cast %parallel_loop3A_119 : i32 to index
      %parallel_loop3A_139 = arith.constant 0 : index
      %parallel_loop3A_140 = tpu.vector_load %arg6[%parallel_loop3A_138, %parallel_loop3A_139] {strides = array<i32>} : memref<495x64xf32, #tpu.memory_space<vmem>>, vector<16xf32>,
      %parallel_loop3A_141 = arith.index_cast %parallel_loop3A_121 : i32 to index
      %parallel_loop3A_142 = arith.constant 0 : index
      %parallel_loop3A_143 = tpu.vector_load %arg6[%parallel_loop3A_141, %parallel_loop3A_142] {strides = array<i32>} : memref<495x64xf32, #tpu.memory_space<vmem>>, vector<16xf32>,
      %parallel_loop3A_144 = arith.index_cast %parallel_loop3A_123 : i32 to index
      %parallel_loop3A_145 = arith.constant 0 : index
      %parallel_loop3A_146 = tpu.vector_load %arg6[%parallel_loop3A_144, %parallel_loop3A_145] {strides = array<i32>} : memref<495x64xf32, #tpu.memory_space<vmem>>, vector<16xf32>,
      %parallel_loop3A_147 = arith.addf %parallel_loop3A_128, %parallel_loop3A_131 : vector<16xf32>
      %parallel_loop3A_148 = arith.addf %parallel_loop3A_134, %parallel_loop3A_137 : vector<16xf32>
      %parallel_loop3A_149 = arith.addf %parallel_loop3A_140, %parallel_loop3A_143 : vector<16xf32>
      %parallel_loop3A_150 = arith.addf %parallel_loop3A_147, %parallel_loop3A_148 : vector<16xf32>
      %parallel_loop3A_151 = arith.addf %parallel_loop3A_149, %parallel_loop3A_146 : vector<16xf32>
      %parallel_loop3A_152 = arith.addf %parallel_loop3A_150, %parallel_loop3A_151 : vector<16xf32>
      %parallel_loop3A_153 = arith.constant 0.00999999977 : f32
      %parallel_loop3A_154 = vector.broadcast %parallel_loop3A_153 : f32 to vector<16xf32>
      %parallel_loop3A_155 = arith.mulf %parallel_loop3A_154, %parallel_loop3A_152 : vector<16xf32>
      %parallel_loop3A_156 = arith.maximumf %parallel_loop3A_152, %parallel_loop3A_155 : vector<16xf32>
      %parallel_loop3A_157 = arith.constant 0 : i32
      %parallel_loop3A_158 = arith.addi %parallel_loop3A_125, %parallel_loop3A_157 : i32
      %parallel_loop3A_159 = arith.constant 1 : i32
      %parallel_loop3A_160 = arith.index_cast %parallel_loop3A_159 : i32 to index
      %parallel_loop3A_161 = arith.index_cast %parallel_loop3A_158 : i32 to index
      %parallel_loop3A_162 = tpu.vector_load %arg7[%parallel_loop3A_160, %parallel_loop3A_161] {strides = array<i32>} : memref<2x8192xf32, #tpu.memory_space<vmem>>, vector<16xf32>,
      tpu.vector_store %arg7[%parallel_loop3A_160, %parallel_loop3A_161], %parallel_loop3A_156 {strides = array<i32>} : memref<2x8192xf32, #tpu.memory_space<vmem>>, vector<16xf32>,
      %parallel_loop3A_163 = arith.index_cast %parallel_loop3A_111 : i32 to index
      %parallel_loop3A_164 = arith.constant 16 : index
      %parallel_loop3A_165 = tpu.vector_load %arg6[%parallel_loop3A_163, %parallel_loop3A_164] {strides = array<i32>} : memref<495x64xf32, #tpu.memory_space<vmem>>, vector<16xf32>,
      %parallel_loop3A_166 = arith.index_cast %parallel_loop3A_113 : i32 to index
      %parallel_loop3A_167 = arith.constant 16 : index
      %parallel_loop3A_168 = tpu.vector_load %arg6[%parallel_loop3A_166, %parallel_loop3A_167] {strides = array<i32>} : memref<495x64xf32, #tpu.memory_space<vmem>>, vector<16xf32>,
      %parallel_loop3A_169 = arith.index_cast %parallel_loop3A_115 : i32 to index
      %parallel_loop3A_170 = arith.constant 16 : index
      %parallel_loop3A_171 = tpu.vector_load %arg6[%parallel_loop3A_169, %parallel_loop3A_170] {strides = array<i32>} : memref<495x64xf32, #tpu.memory_space<vmem>>, vector<16xf32>,
      %parallel_loop3A_172 = arith.index_cast %parallel_loop3A_117 : i32 to index
      %parallel_loop3A_173 = arith.constant 16 : index
      %parallel_loop3A_174 = tpu.vector_load %arg6[%parallel_loop3A_172, %parallel_loop3A_173] {strides = array<i32>} : memref<495x64xf32, #tpu.memory_space<vmem>>, vector<16xf32>,
      %parallel_loop3A_175 = arith.index_cast %parallel_loop3A_119 : i32 to index
      %parallel_loop3A_176 = arith.constant 16 : index
      %parallel_loop3A_177 = tpu.vector_load %arg6[%parallel_loop3A_175, %parallel_loop3A_176] {strides = array<i32>} : memref<495x64xf32, #tpu.memory_space<vmem>>, vector<16xf32>,
      %parallel_loop3A_178 = arith.index_cast %parallel_loop3A_121 : i32 to index
      %parallel_loop3A_179 = arith.constant 16 : index
      %parallel_loop3A_180 = tpu.vector_load %arg6[%parallel_loop3A_178, %parallel_loop3A_179] {strides = array<i32>} : memref<495x64xf32, #tpu.memory_space<vmem>>, vector<16xf32>,
      %parallel_loop3A_181 = arith.index_cast %parallel_loop3A_123 : i32 to index
      %parallel_loop3A_182 = arith.constant 16 : index
      %parallel_loop3A_183 = tpu.vector_load %arg6[%parallel_loop3A_181, %parallel_loop3A_182] {strides = array<i32>} : memref<495x64xf32, #tpu.memory_space<vmem>>, vector<16xf32>,
      %parallel_loop3A_184 = arith.addf %parallel_loop3A_165, %parallel_loop3A_168 : vector<16xf32>
      %parallel_loop3A_185 = arith.addf %parallel_loop3A_171, %parallel_loop3A_174 : vector<16xf32>
      %parallel_loop3A_186 = arith.addf %parallel_loop3A_177, %parallel_loop3A_180 : vector<16xf32>
      %parallel_loop3A_187 = arith.addf %parallel_loop3A_184, %parallel_loop3A_185 : vector<16xf32>
      %parallel_loop3A_188 = arith.addf %parallel_loop3A_186, %parallel_loop3A_183 : vector<16xf32>
      %parallel_loop3A_189 = arith.addf %parallel_loop3A_187, %parallel_loop3A_188 : vector<16xf32>
      %parallel_loop3A_190 = arith.constant 0.00999999977 : f32
      %parallel_loop3A_191 = vector.broadcast %parallel_loop3A_190 : f32 to vector<16xf32>
      %parallel_loop3A_192 = arith.mulf %parallel_loop3A_191, %parallel_loop3A_189 : vector<16xf32>
      %parallel_loop3A_193 = arith.maximumf %parallel_loop3A_189, %parallel_loop3A_192 : vector<16xf32>
      %parallel_loop3A_194 = arith.constant 16 : i32
      %parallel_loop3A_195 = arith.addi %parallel_loop3A_125, %parallel_loop3A_194 : i32
      %parallel_loop3A_196 = arith.constant 1 : i32
      %parallel_loop3A_197 = arith.index_cast %parallel_loop3A_196 : i32 to index
      %parallel_loop3A_198 = arith.index_cast %parallel_loop3A_195 : i32 to index
      %parallel_loop3A_199 = tpu.vector_load %arg7[%parallel_loop3A_197, %parallel_loop3A_198] {strides = array<i32>} : memref<2x8192xf32, #tpu.memory_space<vmem>>, vector<16xf32>,
      tpu.vector_store %arg7[%parallel_loop3A_197, %parallel_loop3A_198], %parallel_loop3A_193 {strides = array<i32>} : memref<2x8192xf32, #tpu.memory_space<vmem>>, vector<16xf32>,
      %parallel_loop3A_200 = arith.index_cast %parallel_loop3A_111 : i32 to index
      %parallel_loop3A_201 = arith.constant 32 : index
      %parallel_loop3A_202 = tpu.vector_load %arg6[%parallel_loop3A_200, %parallel_loop3A_201] {strides = array<i32>} : memref<495x64xf32, #tpu.memory_space<vmem>>, vector<16xf32>,
      %parallel_loop3A_203 = arith.index_cast %parallel_loop3A_113 : i32 to index
      %parallel_loop3A_204 = arith.constant 32 : index
      %parallel_loop3A_205 = tpu.vector_load %arg6[%parallel_loop3A_203, %parallel_loop3A_204] {strides = array<i32>} : memref<495x64xf32, #tpu.memory_space<vmem>>, vector<16xf32>,
      %parallel_loop3A_206 = arith.index_cast %parallel_loop3A_115 : i32 to index
      %parallel_loop3A_207 = arith.constant 32 : index
      %parallel_loop3A_208 = tpu.vector_load %arg6[%parallel_loop3A_206, %parallel_loop3A_207] {strides = array<i32>} : memref<495x64xf32, #tpu.memory_space<vmem>>, vector<16xf32>,
      %parallel_loop3A_209 = arith.index_cast %parallel_loop3A_117 : i32 to index
      %parallel_loop3A_210 = arith.constant 32 : index
      %parallel_loop3A_211 = tpu.vector_load %arg6[%parallel_loop3A_209, %parallel_loop3A_210] {strides = array<i32>} : memref<495x64xf32, #tpu.memory_space<vmem>>, vector<16xf32>,
      %parallel_loop3A_212 = arith.index_cast %parallel_loop3A_119 : i32 to index
      %parallel_loop3A_213 = arith.constant 32 : index
      %parallel_loop3A_214 = tpu.vector_load %arg6[%parallel_loop3A_212, %parallel_loop3A_213] {strides = array<i32>} : memref<495x64xf32, #tpu.memory_space<vmem>>, vector<16xf32>,
      %parallel_loop3A_215 = arith.index_cast %parallel_loop3A_121 : i32 to index
      %parallel_loop3A_216 = arith.constant 32 : index
      %parallel_loop3A_217 = tpu.vector_load %arg6[%parallel_loop3A_215, %parallel_loop3A_216] {strides = array<i32>} : memref<495x64xf32, #tpu.memory_space<vmem>>, vector<16xf32>,
      %parallel_loop3A_218 = arith.index_cast %parallel_loop3A_123 : i32 to index
      %parallel_loop3A_219 = arith.constant 32 : index
      %parallel_loop3A_220 = tpu.vector_load %arg6[%parallel_loop3A_218, %parallel_loop3A_219] {strides = array<i32>} : memref<495x64xf32, #tpu.memory_space<vmem>>, vector<16xf32>,
      %parallel_loop3A_221 = arith.addf %parallel_loop3A_202, %parallel_loop3A_205 : vector<16xf32>
      %parallel_loop3A_222 = arith.addf %parallel_loop3A_208, %parallel_loop3A_211 : vector<16xf32>
      %parallel_loop3A_223 = arith.addf %parallel_loop3A_214, %parallel_loop3A_217 : vector<16xf32>
      %parallel_loop3A_224 = arith.addf %parallel_loop3A_221, %parallel_loop3A_222 : vector<16xf32>
      %parallel_loop3A_225 = arith.addf %parallel_loop3A_223, %parallel_loop3A_220 : vector<16xf32>
      %parallel_loop3A_226 = arith.addf %parallel_loop3A_224, %parallel_loop3A_225 : vector<16xf32>
      %parallel_loop3A_227 = arith.constant 0.00999999977 : f32
      %parallel_loop3A_228 = vector.broadcast %parallel_loop3A_227 : f32 to vector<16xf32>
      %parallel_loop3A_229 = arith.mulf %parallel_loop3A_228, %parallel_loop3A_226 : vector<16xf32>
      %parallel_loop3A_230 = arith.maximumf %parallel_loop3A_226, %parallel_loop3A_229 : vector<16xf32>
      %parallel_loop3A_231 = arith.constant 32 : i32
      %parallel_loop3A_232 = arith.addi %parallel_loop3A_125, %parallel_loop3A_231 : i32
      %parallel_loop3A_233 = arith.constant 1 : i32
      %parallel_loop3A_234 = arith.index_cast %parallel_loop3A_233 : i32 to index
      %parallel_loop3A_235 = arith.index_cast %parallel_loop3A_232 : i32 to index
      %parallel_loop3A_236 = tpu.vector_load %arg7[%parallel_loop3A_234, %parallel_loop3A_235] {strides = array<i32>} : memref<2x8192xf32, #tpu.memory_space<vmem>>, vector<16xf32>,
      tpu.vector_store %arg7[%parallel_loop3A_234, %parallel_loop3A_235], %parallel_loop3A_230 {strides = array<i32>} : memref<2x8192xf32, #tpu.memory_space<vmem>>, vector<16xf32>,
      %parallel_loop3A_237 = arith.index_cast %parallel_loop3A_111 : i32 to index
      %parallel_loop3A_238 = arith.constant 48 : index
      %parallel_loop3A_239 = tpu.vector_load %arg6[%parallel_loop3A_237, %parallel_loop3A_238] {strides = array<i32>} : memref<495x64xf32, #tpu.memory_space<vmem>>, vector<16xf32>,
      %parallel_loop3A_240 = arith.index_cast %parallel_loop3A_113 : i32 to index
      %parallel_loop3A_241 = arith.constant 48 : index
      %parallel_loop3A_242 = tpu.vector_load %arg6[%parallel_loop3A_240, %parallel_loop3A_241] {strides = array<i32>} : memref<495x64xf32, #tpu.memory_space<vmem>>, vector<16xf32>,
      %parallel_loop3A_243 = arith.index_cast %parallel_loop3A_115 : i32 to index
      %parallel_loop3A_244 = arith.constant 48 : index
      %parallel_loop3A_245 = tpu.vector_load %arg6[%parallel_loop3A_243, %parallel_loop3A_244] {strides = array<i32>} : memref<495x64xf32, #tpu.memory_space<vmem>>, vector<16xf32>,
      %parallel_loop3A_246 = arith.index_cast %parallel_loop3A_117 : i32 to index
      %parallel_loop3A_247 = arith.constant 48 : index
      %parallel_loop3A_248 = tpu.vector_load %arg6[%parallel_loop3A_246, %parallel_loop3A_247] {strides = array<i32>} : memref<495x64xf32, #tpu.memory_space<vmem>>, vector<16xf32>,
      %parallel_loop3A_249 = arith.index_cast %parallel_loop3A_119 : i32 to index
      %parallel_loop3A_250 = arith.constant 48 : index
      %parallel_loop3A_251 = tpu.vector_load %arg6[%parallel_loop3A_249, %parallel_loop3A_250] {strides = array<i32>} : memref<495x64xf32, #tpu.memory_space<vmem>>, vector<16xf32>,
      %parallel_loop3A_252 = arith.index_cast %parallel_loop3A_121 : i32 to index
      %parallel_loop3A_253 = arith.constant 48 : index
      %parallel_loop3A_254 = tpu.vector_load %arg6[%parallel_loop3A_252, %parallel_loop3A_253] {strides = array<i32>} : memref<495x64xf32, #tpu.memory_space<vmem>>, vector<16xf32>,
      %parallel_loop3A_255 = arith.index_cast %parallel_loop3A_123 : i32 to index
      %parallel_loop3A_256 = arith.constant 48 : index
      %parallel_loop3A_257 = tpu.vector_load %arg6[%parallel_loop3A_255, %parallel_loop3A_256] {strides = array<i32>} : memref<495x64xf32, #tpu.memory_space<vmem>>, vector<16xf32>,
      %parallel_loop3A_258 = arith.addf %parallel_loop3A_239, %parallel_loop3A_242 : vector<16xf32>
      %parallel_loop3A_259 = arith.addf %parallel_loop3A_245, %parallel_loop3A_248 : vector<16xf32>
      %parallel_loop3A_260 = arith.addf %parallel_loop3A_251, %parallel_loop3A_254 : vector<16xf32>
      %parallel_loop3A_261 = arith.addf %parallel_loop3A_258, %parallel_loop3A_259 : vector<16xf32>
      %parallel_loop3A_262 = arith.addf %parallel_loop3A_260, %parallel_loop3A_257 : vector<16xf32>
      %parallel_loop3A_263 = arith.addf %parallel_loop3A_261, %parallel_loop3A_262 : vector<16xf32>
      %parallel_loop3A_264 = arith.constant 0.00999999977 : f32
      %parallel_loop3A_265 = vector.broadcast %parallel_loop3A_264 : f32 to vector<16xf32>
      %parallel_loop3A_266 = arith.mulf %parallel_loop3A_265, %parallel_loop3A_263 : vector<16xf32>
      %parallel_loop3A_267 = arith.maximumf %parallel_loop3A_263, %parallel_loop3A_266 : vector<16xf32>
      %parallel_loop3A_268 = arith.constant 48 : i32
      %parallel_loop3A_269 = arith.addi %parallel_loop3A_125, %parallel_loop3A_268 : i32
      %parallel_loop3A_270 = arith.constant 1 : i32
      %parallel_loop3A_271 = arith.index_cast %parallel_loop3A_270 : i32 to index
      %parallel_loop3A_272 = arith.index_cast %parallel_loop3A_269 : i32 to index
      %parallel_loop3A_273 = tpu.vector_load %arg7[%parallel_loop3A_271, %parallel_loop3A_272] {strides = array<i32>} : memref<2x8192xf32, #tpu.memory_space<vmem>>, vector<16xf32>,
      tpu.vector_store %arg7[%parallel_loop3A_271, %parallel_loop3A_272], %parallel_loop3A_267 {strides = array<i32>} : memref<2x8192xf32, #tpu.memory_space<vmem>>, vector<16xf32>,
    } {sc.loop_unroll_factor = 2 : i64, sc.parallel_access}
    %add3A_72 = arith.constant 384 : i32
    %add3A_73 = arith.addi %mul3A_2, %add3A_72 : i32
    %mul3A_74 = arith.constant 64 : i32
    %mul3A_75 = arith.muli %add3A_73, %mul3A_74 : i32
    %dma_start3A_76 = arith.constant 1 : i32
    %dma_start3A_77 = arith.constant 0 : i32
    %dma_start3A_78 = tpu.memref_slice %arg7[%dma_start3A_76, %dma_start3A_77] : memref<2x8192xf32, #tpu.memory_space<vmem>> -> memref<1x8192xf32, #tpu.memory_space<vmem>>
    %dma_start3A_79 = tpu.memref_squeeze %dma_start3A_78 : memref<1x8192xf32, #tpu.memory_space<vmem>> -> memref<8192xf32, #tpu.memory_space<vmem>>
    %dma_start3A_80 = tpu.memref_slice %arg4[%mul3A_75] : memref<1048576xf32, #tpu.memory_space<hbm>> -> memref<8192xf32, #tpu.memory_space<hbm>>
    %dma_start3A_81 = tpu.memref_slice %arg4[%mul3A_75] : memref<1048576xf32, #tpu.memory_space<hbm>> -> memref<8192xf32, #tpu.memory_space<hbm>>
    %dma_start3A_82 = arith.constant 0 : i32
    %dma_start3A_83 = tpu.memref_slice %arg7[%dma_start3A_76, %dma_start3A_82] : memref<2x8192xf32, #tpu.memory_space<vmem>> -> memref<1x8192xf32, #tpu.memory_space<vmem>>
    %dma_start3A_84 = tpu.memref_squeeze %dma_start3A_83 : memref<1x8192xf32, #tpu.memory_space<vmem>> -> memref<8192xf32, #tpu.memory_space<vmem>>
    tpu.enqueue_dma source(%dma_start3A_84 : memref<8192xf32, #tpu.memory_space<vmem>>) target(%dma_start3A_81 : memref<8192xf32, #tpu.memory_space<hbm>>) target_semaphore(%arg10 : memref<!tpu.dma_semaphore, #tpu.memory_space<semaphore_mem>>)
    %dma_wait3A_85 = arith.constant 0 : i32
    %dma_wait3A_86 = arith.constant 0 : i32
    %dma_wait3A_87 = tpu.memref_slice %arg7[%dma_wait3A_85, %dma_wait3A_86] : memref<2x8192xf32, #tpu.memory_space<vmem>> -> memref<1x8192xf32, #tpu.memory_space<vmem>>
    %dma_wait3A_88 = tpu.memref_squeeze %dma_wait3A_87 : memref<1x8192xf32, #tpu.memory_space<vmem>> -> memref<8192xf32, #tpu.memory_space<vmem>>
    %dma_wait3A_89 = tpu.memref_slice %arg4[%mul3A_50] : memref<1048576xf32, #tpu.memory_space<hbm>> -> memref<8192xf32, #tpu.memory_space<hbm>>
    %dma_wait3A_90 = tpu.memref_slice %arg4[%mul3A_50] : memref<1048576xf32, #tpu.memory_space<hbm>> -> memref<8192xf32, #tpu.memory_space<hbm>>
    %dma_wait3A_91 = arith.constant 0 : i32
    %dma_wait3A_92 = tpu.memref_slice %arg7[%dma_wait3A_85, %dma_wait3A_91] : memref<2x8192xf32, #tpu.memory_space<vmem>> -> memref<1x8192xf32, #tpu.memory_space<vmem>>
    %dma_wait3A_93 = tpu.memref_squeeze %dma_wait3A_92 : memref<1x8192xf32, #tpu.memory_space<vmem>> -> memref<8192xf32, #tpu.memory_space<vmem>>
    tpu.wait_dma2 semaphore(%arg9 : memref<!tpu.dma_semaphore, #tpu.memory_space<semaphore_mem>>) src(%dma_wait3A_93 : memref<8192xf32, #tpu.memory_space<vmem>>) dst(%dma_wait3A_90 : memref<8192xf32, #tpu.memory_space<hbm>>)
    %dma_wait3A_94 = arith.constant 1 : i32
    %dma_wait3A_95 = arith.constant 0 : i32
    %dma_wait3A_96 = tpu.memref_slice %arg7[%dma_wait3A_94, %dma_wait3A_95] : memref<2x8192xf32, #tpu.memory_space<vmem>> -> memref<1x8192xf32, #tpu.memory_space<vmem>>
    %dma_wait3A_97 = tpu.memref_squeeze %dma_wait3A_96 : memref<1x8192xf32, #tpu.memory_space<vmem>> -> memref<8192xf32, #tpu.memory_space<vmem>>
    %dma_wait3A_98 = tpu.memref_slice %arg4[%mul3A_75] : memref<1048576xf32, #tpu.memory_space<hbm>> -> memref<8192xf32, #tpu.memory_space<hbm>>
    %dma_wait3A_99 = tpu.memref_slice %arg4[%mul3A_75] : memref<1048576xf32, #tpu.memory_space<hbm>> -> memref<8192xf32, #tpu.memory_space<hbm>>
    %dma_wait3A_100 = arith.constant 0 : i32
    %dma_wait3A_101 = tpu.memref_slice %arg7[%dma_wait3A_94, %dma_wait3A_100] : memref<2x8192xf32, #tpu.memory_space<vmem>> -> memref<1x8192xf32, #tpu.memory_space<vmem>>
    %dma_wait3A_102 = tpu.memref_squeeze %dma_wait3A_101 : memref<1x8192xf32, #tpu.memory_space<vmem>> -> memref<8192xf32, #tpu.memory_space<vmem>>
    tpu.wait_dma2 semaphore(%arg10 : memref<!tpu.dma_semaphore, #tpu.memory_space<semaphore_mem>>) src(%dma_wait3A_102 : memref<8192xf32, #tpu.memory_space<vmem>>) dst(%dma_wait3A_99 : memref<8192xf32, #tpu.memory_space<hbm>>)
    return
  }
}

module attributes {stable_mosaic.version = 14 : i64} {
  func.func @_table_body(%arg0: memref<3x16xf32, #tpu.memory_space<vmem>>, %arg1: memref<16x32xf32, #tpu.memory_space<vmem>>, %arg2: memref<1x32xf32, #tpu.memory_space<vmem>>, %arg3: memref<832x64xf32, #tpu.memory_space<vmem>>, %arg4: memref<1x64xf32, #tpu.memory_space<vmem>>, %arg5: memref<78x3xf32, #tpu.memory_space<vmem>>, %arg6: memref<32x832xf32, #tpu.memory_space<vmem>>, %arg7: memref<78x832xf32, #tpu.memory_space<vmem>>, %arg8: memref<495x78xf32, #tpu.memory_space<vmem>>, %arg9: memref<495x1xf32, #tpu.memory_space<vmem>>, %arg10: memref<495x64xf32, #tpu.memory_space<vmem>>) attributes {dimension_semantics = [], scalar_prefetch = 0 : i64, scratch_operands = 0 : i64, tpu.core_type = #tpu.core_type<tc>} {
    %get3A = arith.constant 0 : index
    %get3A_0 = arith.constant 0 : index
    %get3A_1 = vector.load %arg0[%get3A, %get3A_0] : memref<3x16xf32, #tpu.memory_space<vmem>>, vector<3x16xf32>
    %get3A_2 = arith.constant 0 : index
    %get3A_3 = arith.constant 0 : index
    %get3A_4 = vector.load %arg1[%get3A_2, %get3A_3] : memref<16x32xf32, #tpu.memory_space<vmem>>, vector<16x32xf32>
    %dot_general3A = arith.constant dense<0.000000e+00> : vector<3x32xf32>
    %dot_general3A_5 = tpu.matmul %get3A_1, %get3A_4, %dot_general3A {dimension_numbers = #tpu.dot_dimension_numbers<[1], [0], [0], [1], [0, 0, 1, 1], [], []>, precision = #tpu.contract_precision<fp32>, transpose_lhs_hint = false} : vector<3x16xf32>, vector<16x32xf32>, vector<3x32xf32> -> vector<3x32xf32>
    %get3A_6 = arith.constant 0 : index
    %get3A_7 = arith.constant 0 : index
    %get3A_8 = vector.load %arg2[%get3A_6, %get3A_7] : memref<1x32xf32, #tpu.memory_space<vmem>>, vector<1x32xf32>
    %add3A = vector.broadcast %get3A_8 : vector<1x32xf32> to vector<3x32xf32>
    %add3A_9 = arith.addf %dot_general3A_5, %add3A : vector<3x32xf32>
    %mul3A = arith.constant 0.00999999977 : f32
    %mul3A_10 = vector.broadcast %mul3A : f32 to vector<3x32xf32>
    %mul3A_11 = arith.mulf %mul3A_10, %add3A_9 : vector<3x32xf32>
    %max3A = arith.maximumf %add3A_9, %mul3A_11 : vector<3x32xf32>
    %get3A_12 = arith.constant 0 : index
    %get3A_13 = arith.constant 0 : index
    %get3A_14 = vector.load %arg5[%get3A_12, %get3A_13] : memref<78x3xf32, #tpu.memory_space<vmem>>, vector<78x3xf32>
    %dot_general3A_15 = arith.constant dense<0.000000e+00> : vector<78x32xf32>
    %dot_general3A_16 = tpu.matmul %get3A_14, %max3A, %dot_general3A_15 {dimension_numbers = #tpu.dot_dimension_numbers<[1], [0], [0], [1], [0, 0, 1, 1], [], []>, precision = #tpu.contract_precision<fp32>, transpose_lhs_hint = false} : vector<78x3xf32>, vector<3x32xf32>, vector<78x32xf32> -> vector<78x32xf32>
    %get3A_17 = arith.constant 0 : index
    %get3A_18 = arith.constant 0 : index
    %get3A_19 = vector.load %arg6[%get3A_17, %get3A_18] : memref<32x832xf32, #tpu.memory_space<vmem>>, vector<32x832xf32>
    %dot_general3A_20 = arith.constant dense<0.000000e+00> : vector<78x832xf32>
    %dot_general3A_21 = tpu.matmul %dot_general3A_16, %get3A_19, %dot_general3A_20 {dimension_numbers = #tpu.dot_dimension_numbers<[1], [0], [0], [1], [0, 0, 1, 1], [], []>, precision = #tpu.contract_precision<fp32>, transpose_lhs_hint = false} : vector<78x32xf32>, vector<32x832xf32>, vector<78x832xf32> -> vector<78x832xf32>
    %get3A_22 = arith.constant 0 : index
    %get3A_23 = arith.constant 0 : index
    %get3A_24 = vector.load %arg7[%get3A_22, %get3A_23] : memref<78x832xf32, #tpu.memory_space<vmem>>, vector<78x832xf32>
    %mul3A_25 = arith.mulf %dot_general3A_21, %get3A_24 : vector<78x832xf32>
    %get3A_26 = arith.constant 0 : index
    %get3A_27 = arith.constant 0 : index
    %get3A_28 = vector.load %arg3[%get3A_26, %get3A_27] : memref<832x64xf32, #tpu.memory_space<vmem>>, vector<832x64xf32>
    %dot_general3A_29 = arith.constant dense<0.000000e+00> : vector<78x64xf32>
    %dot_general3A_30 = tpu.matmul %mul3A_25, %get3A_28, %dot_general3A_29 {dimension_numbers = #tpu.dot_dimension_numbers<[1], [0], [0], [1], [0, 0, 1, 1], [], []>, precision = #tpu.contract_precision<fp32>, transpose_lhs_hint = false} : vector<78x832xf32>, vector<832x64xf32>, vector<78x64xf32> -> vector<78x64xf32>
    %get3A_31 = arith.constant 0 : index
    %get3A_32 = arith.constant 0 : index
    %get3A_33 = vector.load %arg8[%get3A_31, %get3A_32] : memref<495x78xf32, #tpu.memory_space<vmem>>, vector<495x78xf32>
    %dot_general3A_34 = arith.constant dense<0.000000e+00> : vector<495x64xf32>
    %dot_general3A_35 = tpu.matmul %get3A_33, %dot_general3A_30, %dot_general3A_34 {dimension_numbers = #tpu.dot_dimension_numbers<[1], [0], [0], [1], [0, 0, 1, 1], [], []>, precision = #tpu.contract_precision<fp32>, transpose_lhs_hint = false} : vector<495x78xf32>, vector<78x64xf32>, vector<495x64xf32> -> vector<495x64xf32>
    %get3A_36 = arith.constant 0 : index
    %get3A_37 = arith.constant 0 : index
    %get3A_38 = vector.load %arg9[%get3A_36, %get3A_37] : memref<495x1xf32, #tpu.memory_space<vmem>>, vector<495x1xf32>
    %get3A_39 = arith.constant 0 : index
    %get3A_40 = arith.constant 0 : index
    %get3A_41 = vector.load %arg4[%get3A_39, %get3A_40] : memref<1x64xf32, #tpu.memory_space<vmem>>, vector<1x64xf32>
    %dot_general3A_42 = arith.constant dense<0.000000e+00> : vector<495x64xf32>
    %dot_general3A_43 = tpu.matmul %get3A_38, %get3A_41, %dot_general3A_42 {dimension_numbers = #tpu.dot_dimension_numbers<[1], [0], [0], [1], [0, 0, 1, 1], [], []>, precision = #tpu.contract_precision<fp32>, transpose_lhs_hint = false} : vector<495x1xf32>, vector<1x64xf32>, vector<495x64xf32> -> vector<495x64xf32>
    %add3A_44 = arith.addf %dot_general3A_35, %dot_general3A_43 : vector<495x64xf32>
    %swap3A = arith.constant 0 : index
    %swap3A_45 = arith.constant 0 : index
    %swap3A_46 = vector.load %arg10[%swap3A, %swap3A_45] : memref<495x64xf32, #tpu.memory_space<vmem>>, vector<495x64xf32>
    tpu.vector_store %arg10[%swap3A, %swap3A_45], %add3A_44 {strides = array<i32>} : memref<495x64xf32, #tpu.memory_space<vmem>>, vector<495x64xf32>,
    return
  }
}

</mosaic_0001>

<sc_bundles>
// kernel: kernel.4.cloned.1.call-start
scs
__scs_entry_jumppad:
0x0: {  	(pc) =	sbr.rel $0x88, $3  }
0x1: {  	(tag) =	ssettag $0x0;
	lr =	simm.s32 $0x1  }
0x2: {  	[smem:$0x3F9B] =	sst lr;
	_ =	strace $0xD0000000  }
0x3: {  	_ = 	snop  }
0x4: {  	_ = 	snop  }
0x5: {  	_ = 	snop  }
0x6: {  	_ = 	snop  }
0x7: {  	_ = 	snop  }
__scs_overlays_trampoline_lowered:
0x8: {  	[smem:$0x3FAA] =	sst s0  }
0x9: {  	[smem:$0x3FAB] =	sst s1  }
0xa: {  	[smem:$0x3FAC] =	sst s2  }
0xb: {  	[smem:$0x3FAD] =	sst s3  }
0xc: {  	[smem:$0x3FAE] =	sst s4  }
0xd: {  	[smem:$0x3FAF] =	sst s5  }
0xe: {  	[smem:$0x3FB0] =	sst s6  }
0xf: {  	[smem:$0x3FB1] =	sst s7  }
0x10: {  	[smem:$0x3FB2] =	sst s8  }
0x11: {  	[smem:$0x3FB3] =	sst s9;
	s0 =	simm.s32 @!p0 $0x0  }
0x12: {  	s1 =	sld [smem:$0x3F99];
	s0 =	simm.s32 @p0 $0x1  }
0x13: {  	[smem:$0x3FB4] =	sst s0;
	s0 =	simm.s32 @!p1 $0x0  }
0x14: {  	s2 =	sld [smem:$0x3F98];
	s0 =	simm.s32 @p1 $0x1  }
0x15: {  	[smem:$0x3FB5] =	sst s0;
	s0 =	simm.s32 @!p2 $0x0  }
0x16: {  	s3 =	sld [smem:$0x3FDB];
	s0 =	simm.s32 @p2 $0x1  }
0x17: {  	s4 =	simm.s32 $0x1BF5;
	[smem:$0x3FB7] =	sst s0  }
0x18: {  	s0 =	sld [smem:$0x3F9A];
	_ =	swait.ge [sflag:s4], $0x0  }
0x19: {  	s7 =	sld [smem:$0x3F9B]  }
0x1a: {  	s8 =	sadd.s32 $0xFFFFE003, lr  }
0x1b: {  	s9 =	sadd.s32 $0xFFFFFEF7, lr;
	s5 =	simm.s32 $0xFFFFFFFF;
	p2 =	slt.u32 s8, $0xFFFFF086  }
0x1c: {  	p1 =	slt.u32 s9, $0xF7A;
	s5 =	simm.s32 @!p2 $0x0  }
0x1d: {  	s5 =	simm.s32 @p1 $0x1;
	p0 =	seq.s32 s7, s2  }
0x1e: {  	s7 =	smul.u32 @!p0 $0xF7A, s2;
	p2 =	seq.s32 @!p0 s5, $0x0  }
0x1f: {  	s9 =	smul.u32 $0xF7A, s1;
	s8 =	simm.s32 @!p0 $0x1BF5;
	p2 =	por !p2, p0  }
0x20: {  	[sflag:s8] =	ssyncset.s32 @!p0 $0xFFFFF086;
	s6 =	sadd.s32 @!p0 s3, s7;
	s7 =	simm.s32 @!p0 $0x108  }
0x21: {  	s3 =	sadd.s32 s3, s9;
	s6 =	sadd.s32 @!p0 $0x88, s6;
	s7 =	simm.s32 @p2 $0x1082  }
0x22: {  	[simem:s7], [sflag:s8] =	dma.local @!p0 [hbm:s6], $0xF7A  }
0x23: {  	s9 =	sor.u32 $0xD0000000, s2;
	s6 =	simm.s32 $0x108;
	_ =	swait.ge @!p0 [sflag:s8], $0x0  }
0x24: {  	s3 =	sadd.s32 $0x88, s3;
	s6 =	simm.s32 @!p1 $0x1082;
	[sflag:s4] =	ssyncset.s32 $0xFFFFF086  }
0x25: {  	[simem:s6], [sflag:s4] =	dma.local [hbm:s3], $0xF7A  }
0x26: {  	[smem:$0x3F9B] =	sst s1;
	(tag) =	ssettag s2;
	_ =	strace s9  }
0x27: {  	s1 =	sld [smem:$0x3FAB]  }
0x28: {  	s2 =	sld [smem:$0x3FAC]  }
0x29: {  	s4 =	sld [smem:$0x3FAE]  }
0x2a: {  	p0 =	seq.s32 s5, $0x0;
	s5 =	sld [smem:$0x3FAF]  }
0x2b: {  	s6 =	sld [smem:$0x3FB0]  }
0x2c: {  	s7 =	sld [smem:$0x3FB1]  }
0x2d: {  	s3 =	simm.s32 $0x108;
	s8 =	sld [smem:$0x3FB2]  }
0x2e: {  	s3 =	simm.s32 @!p0 $0x1082;
	s9 =	sld [smem:$0x3FB3]  }
0x2f: {  	lr =	sadd.s32 s0, s3;
	s0 =	sld [smem:$0x3FAA]  }
0x30: {  	s3 =	sld [smem:$0x3FAD]  }
0x31: {  	[smem:$0x3FB6] =	sst s10  }
0x32: {  	s10 =	sld [smem:$0x3FB4];
	_ =	sdelay $0x3  }
0x33: {  	p0 =	seq.s32 s10, $0x1;
	s10 =	sld [smem:$0x3FB6];
	_ =	sdelay $0x3  }
0x34: {  	[smem:$0x3FB6] =	sst s10  }
0x35: {  	s10 =	sld [smem:$0x3FB5];
	_ =	sdelay $0x3  }
0x36: {  	p1 =	seq.s32 s10, $0x1;
	s10 =	sld [smem:$0x3FB6];
	_ =	sdelay $0x3  }
0x37: {  	[smem:$0x3FB6] =	sst s10  }
0x38: {  	s10 =	sld [smem:$0x3FB7]  }
0x39: {  	_ = 	snop;
	(pc) =	sbr.ind lr, $3  }
0x3a: {  	_ = 	snop  }
0x3b: {  	_ = 	snop  }
0x3c: {  	p2 =	seq.s32 s10, $0x1;
	s10 =	sld [smem:$0x3FB6]  }
0x3d: {  	_ =	shalt  }
0x3e: {  	_ =	shalt  }
0x3f: {  	_ =	shalt  }
0x40: {  	_ =	shalt  }
0x41: {  	_ =	shalt  }
0x42: {  	_ =	shalt  }
0x43: {  	_ =	shalt  }
0x44: {  	_ =	shalt  }
0x45: {  	_ =	shalt  }
0x46: {  	_ =	shalt  }
0x47: {  	_ =	shalt  }
0x48: {  	_ =	shalt  }
0x49: {  	_ =	shalt  }
0x4a: {  	_ =	shalt  }
0x4b: {  	_ =	shalt  }
0x4c: {  	_ =	shalt  }
0x4d: {  	_ =	shalt  }
0x4e: {  	_ =	shalt  }
0x4f: {  	_ =	shalt  }
0x50: {  	_ =	shalt  }
0x51: {  	_ =	shalt  }
0x52: {  	_ =	shalt  }
0x53: {  	_ =	shalt  }
0x54: {  	_ =	shalt  }
0x55: {  	_ =	shalt  }
0x56: {  	_ =	shalt  }
0x57: {  	_ =	shalt  }
0x58: {  	_ =	shalt  }
0x59: {  	_ =	shalt  }
0x5a: {  	_ =	shalt  }
0x5b: {  	_ =	shalt  }
0x5c: {  	_ =	shalt  }
0x5d: {  	_ =	shalt  }
0x5e: {  	_ =	shalt  }
0x5f: {  	_ =	shalt  }
0x60: {  	_ =	shalt  }
0x61: {  	_ =	shalt  }
0x62: {  	_ =	shalt  }
0x63: {  	_ =	shalt  }
0x64: {  	_ =	shalt  }
0x65: {  	_ =	shalt  }
0x66: {  	_ =	shalt  }
0x67: {  	_ =	shalt  }
0x68: {  	_ =	shalt  }
0x69: {  	_ =	shalt  }
0x6a: {  	_ =	shalt  }
0x6b: {  	_ =	shalt  }
0x6c: {  	_ =	shalt  }
0x6d: {  	_ =	shalt  }
0x6e: {  	_ =	shalt  }
0x6f: {  	_ =	shalt  }
0x70: {  	_ =	shalt  }
0x71: {  	_ =	shalt  }
0x72: {  	_ =	shalt  }
0x73: {  	_ =	shalt  }
0x74: {  	_ =	shalt  }
0x75: {  	_ =	shalt  }
0x76: {  	_ =	shalt  }
0x77: {  	_ =	shalt  }
0x78: {  	_ =	shalt  }
0x79: {  	_ =	shalt  }
0x7a: {  	_ =	shalt  }
0x7b: {  	_ =	shalt  }
0x7c: {  	_ =	shalt  }
0x7d: {  	_ =	shalt  }
0x7e: {  	_ =	shalt  }
0x7f: {  	_ =	shalt  }
0x80: {  	_ =	shalt  }
0x81: {  	_ =	shalt  }
0x82: {  	_ =	shalt  }
0x83: {  	_ =	shalt  }
0x84: {  	_ =	shalt  }
0x85: {  	_ =	shalt  }
0x86: {  	_ =	shalt  }
0x87: {  	_ =	shalt  }
.Lfunc_end0:
.L_simem_size_0:
called_computation_lowered:
.L_overlay_start_0:
0x88: {  	s2 =	sld [smem:$0x3FD9]  }
0x89: {  	s3 =	sld [smem:$0x3FFE];
	_ =	sdelay $0x1  }
0x8a: {  	s1 =	srdreg.scid  }
0x8b: {  	s0 =	sand.u32 $0x1, s1  }
0x8c: {  	s17 =	sshll.u32 s0, $0xA;
	s2 =	sadd.s32 s3, s2  }
0x8d: {  	s2 =	sadd.s32 s2, s17  }
0x8e: {  	[smem:$0x3FC2] =	sst s2  }
0x8f: {  	_ = 	snop  }
0x90: {  	s2 =	sld [smem:$0x3FC9]  }
0x91: {  	s18 =	sld [smem:$0x3FD0];
	(tm) =	ssettm $0x1  }
0x92: {  	s4 =	sld [smem:$0x3FFB];
	_ =	sdelay $0x3  }
0x93: {  	_ =	strace s4  }
0x94: {  	s4 =	sld [smem:$0x3FFC];
	_ =	sdelay $0x3  }
0x95: {  	_ =	strace s4  }
0x96: {  	s4 =	sld [smem:$0x3FFD];
	_ =	sdelay $0x3  }
0x97: {  	_ =	strace s4  }
0x98: {  	_ =	strace $0x8FFFFFFF  }
0x99: {  	s19 =	sld [smem:$0x3FDB];
	_ =	sdelay $0x1  }
0x9a: {  	s5 =	simm.s32 $_scs_section_size  }
0x9b: {  	s6 =	simm.s32 $_size__tile_overlayer_lowered;
	s7 =	simm.s32 $_tile_overlayer_lowered  }
0x9c: {  	s22 =	simm.s32 $0x1BFF;
	s21 =	sshll.u32 s7, $0x1;
	s4 =	sadd.s32 s5, s19  }
0x9d: {  	s8 =	simm.s32 $0x0;
	s20 =	sshll.u32 s6, $0x1;
	s6 =	sadd.s32 s21, s4  }
0x9e: {  	[timem:s8], [sflag:s22] =	dma.local [hbm:s6], s20  }
0x9f: {  	_ =	swait.ge [sflag:s22], s20  }
0xa0: {  	s5 =	ssub.s32 $0x0, s20;
	[sflag:s22] =	ssyncset.done $0x0  }
0xa1: {  	[sflag:s22] =	ssyncadd.s32 s5;
	_ =	sdelay $0x1  }
0xa2: {  	s23 =	simm.s32 $0x1B8B  }
0xa3: {  	_ =	swait.ge [sflag:s23], $0x1  }
0xa4: {  	[sflag:s23] =	ssyncset.done $0x0  }
0xa5: {  	s25 =	simm.s32 $0x1B8E;
	s24 =	sld [smem:$0x3FFE];
	[sflag:s23] =	ssyncadd.s32 $0xFFFFFFFF  }
0xa6: {  	s26 =	simm.s32 $execute0_lowered;
	[smem:$0x3FD2] =	sst s25  }
0xa7: {  	s6 =	sshll.u32 s26, $0x1;
	_ =	strace $0x80000046;
	[dreg:$0x1] =	wrdreg $0xFFFFFFFF  }
0xa8: {  	s28 =	simm.s32 $_size_execute0_lowered;
	s4 =	sadd.s32 s4, s6;
	[dreg:$0x0] =	wrdreg $0x0  }
0xa9: {  	s6 =	sshll.u32 s28, $0x1;
	[dreg:$0x2] =	wrdreg s4  }
0xaa: {  	[dreg:$0x3] =	wrdreg s6  }
0xab: {  	[dreg:$0x4] =	wrdreg $0xC0  }
0xac: {  	_ =	task [dreg:s8], $0x5FFFF  }
0xad: {  	[dreg:$0x1] =	wrdreg $0xFFFFFFFF  }
0xae: {  	[dreg:$0x0] =	wrdreg $0x60  }
0xaf: {  	[dreg:$0x2] =	wrdreg s2  }
0xb0: {  	[dreg:$0x3] =	wrdreg s24  }
0xb1: {  	[dreg:$0x4] =	wrdreg s18  }
0xb2: {  	[dreg:$0x5] =	wrdreg $0x9  }
0xb3: {  	_ =	task.clear_ibuf [dreg:s8], $0x6FFFF;
	_ =	strace $0x90000046  }
0xb4: {  	s29 =	simm.s32 $0x9;
	_ =	strace $0x80000048  }
0xb5: {  	_ =	swait.ge [sflag:s29], $0x1  }
0xb6: {  	[sflag:s29] =	ssyncadd.s32 $0xFFFFFFFF  }
0xb7: {  	_ =	strace $0x90000048  }
0xb8: {  	_ =	sfence  }
0xb9: {  	s30 =	sld [smem:$0x0];
	_ =	sdelay $0x2  }
0xba: {  	s31 =	sshll.u32 s1, $0xD;
	s1 =	sshrl.u32 s1, $0x2  }
0xbb: {  	s3 =	sand.u32 $0x4000, s31;
	s1 =	sadd.s32 s1, s30  }
0xbc: {  	s0 =	sor.u32 s3, s0;
	s1 =	sshll.u32 s1, $0x11  }
0xbd: {  	s0 =	sor.u32 s1, s0  }
0xbe: {  	s0 =	sadd.s32 $0x8F2B, s0  }
0xbf: {  	[sflag:s0] =	ssyncadd.remote.s32 $0x1  }
0xc0: {  	_ =	sfence.sel $0xFFFF  }
0xc1: {  	[dreg:$0x0] =	wrdreg $0xFFFFFFFF;
	(pc) =	sbr.abs _section_cstart, $3  }
0xc2: {  	[dreg:$0x1] =	wrdreg $0xFFFFFFFF  }
0xc3: {  	_ =	task.clear_ibuf [dreg:s8], $0x2FFFF;
	_ =	strace $0x9FFFFFFF  }
0xc4: {  	(tm) =	ssettm $0x7FFFFFFF  }
0xc5: {  	_ =	shalt  }
tec
execute0_lowered:
.L_overlay_start_1:
0x0: {  	(tag) =	ssettag $0x1  }
0x1: {  	s0 =	rddreg [dreg:$0x0]  }
0x2: {  	s1 =	rddreg [dreg:$0x1]  }
0x3: {  	s2 =	rddreg [dreg:$0x2]  }
0x4: {  	s3 =	srdreg.scid;
	s4 =	stileid.u32  }
0x5: {  	s6 =	simm.s32 $0x0;
	s3 =	sand.u32 $0x1, s3;
	s4 =	sshll.u32 s4, $0x1  }
0x6: {  	[smem:$0x7FF] =	sst s6;
	s4 =	sor.u32 s3, s4  }
0x7: {  	s1 =	sadd.s32 $0x1800, s1;
	s26 =	sshll.u32 s4, $0xC;
	s4 =	sshll.u32 s4, $0x9  }
0x8: {  	_ =	strace $0x80000047;
	[dreg:$0x6] =	wrdreg s1;
	s0 =	sadd.s32 s0, s4  }
0x9: {  	s25 =	ssub.s32 $0x2, s3;
	s2 =	sadd.s32 s2, s26;
	[dreg:$0x8] =	wrdreg s0  }
0xa: {  	s5 =	sshrl.u32 s25, $0x1;
	s28 =	sadd.s32 $0x400, s2;
	[dreg:$0x7] =	wrdreg s2  }
0xb: {  	s1 =	ssub.s32 s25, s5;
	s29 =	sadd.s32 $0x800, s2;
	[dreg:$0x9] =	wrdreg s28  }
0xc: {  	s31 =	smax.u32 s1, $0x1;
	[dreg:$0xa] =	wrdreg s29  }
0xd: {  	v0 =	vlaneseq.u32;
	s30 =	sadd.s32 $0xC00, s2;
	[dreg:$0xc] =	wrdreg s31  }
0xe: {  	s7 =	simm.s32 $0x17800;
	v0 =	vmul.u32 $0x10, v0;
	s2 =	simm.s32 $0x0;
	[dreg:$0xb] =	wrdreg s30  }
.LBB2_1:
0xf: {  	[dreg:$0xd] =	wrdreg s2  }
0x10: {  	s0 =	rddreg [dreg:$0x6]  }
0x11: {  	s1 =	simm.s32 $0x4000;
	s24 =	rddreg [dreg:$0x8]  }
0x12: {  	[tilespmem:s1], [sflag:$0x3] =	stream.linear.gather [hbm4b:s0+s6], $0xF780, $0x38;
	[tilespmem:$0x19800] =	vst v63  }
0x13: {  	s25 =	simm.s32 $0x1000;
	s26 =	simm.s32 $0x20000;
	s28 =	simm.s32 $0x4  }
0x14: {  	[tilespmem:s6], [sflag:$0x4] =	stream.strided.gather [hbm4b:s24+s25], $0x4000, s26, s25, $0x38;
	[tilespmem:$0x19800] =	vst v63  }
0x15: {  	_ =	swait.ge [sflag:s28], $0x4000  }
0x16: {  	s29 =	sand.u32 $0x70, s6;
	s30 =	sand.u32 $0xC00, s6;
	[sflag:s28] =	ssyncset.done $0x0  }
0x17: {  	s31 =	sor.u32 s6, s6;
	s0 =	sor.u32 s29, s30;
	[sflag:s28] =	ssyncadd.s32 $0xFFFFC000  }
0x18: {  	s1 =	sor.u32 $0x380, s31;
	v1 =	vld [tilespmem:s0+$0x180]  }
0x19: {  	v2 =	vld [tilespmem:s1+$0x0]  }
0x1a: {  	v8 =	vld [tilespmem:s0+$0x100]  }
0x1b: {  	v11 =	vld [tilespmem:s0+$0x80]  }
0x1c: {  	v12 =	vld [tilespmem:s0+$0x280]  }
0x1d: {  	v13 =	vld [tilespmem:s0+$0x1080]  }
0x1e: {  	v14 =	vld [tilespmem:s0+$0x1280]  }
0x1f: {  	v18 =	vld [tilespmem:s0+$0x0]  }
0x20: {  	v20 =	vld [tilespmem:s0+$0x200]  }
0x21: {  	v22 =	vld [tilespmem:s0+$0x1000]  }
0x22: {  	v19 =	vld [tilespmem:s0+$0x1200]  }
0x23: {  	v3 =	vmov s6;
	v21 =	vld [tilespmem:s0+$0x2000]  }
0x24: {  	v3 =	vshll.u32 v3, $0x4;
	v23 =	vld [tilespmem:s0+$0x2200]  }
0x25: {  	v10 =	vor.u32 v0, v3;
	v16 =	vld [tilespmem:s0+$0x2080]  }
0x26: {  	v9 =	vor.u32 $0x1, v10;
	v7 =	vor.u32 $0x2, v10;
	v6 =	vor.u32 $0x3, v10;
	v17 =	vld [tilespmem:s0+$0x2280]  }
0x27: {  	s3 =	simm.s32 $0x0;
	v5 =	vor.u32 $0x4, v10;
	v4 =	vor.u32 $0x5, v10;
	v3 =	vor.u32 $0x6, v10;
	v15 =	vld [tilespmem:s0+$0x300];
	s1 =	simm.s32 $0x10  }
.LBB2_2:
0x28: {  	p0 =	sne.s32 s1, $0x1F0;
	v24 =	vld [tilespmem:s0+$0x1100];
	v18 =	vmul.u32 $0x3, v18;
	v20 =	vmul.u32 $0x3, v20;
	v22 =	vmul.u32 $0x3, v22  }
0x29: {  	v19 =	vmul.u32 $0x3, v19;
	v21 =	vmul.u32 $0x3, v21;
	v25 =	vld [tilespmem:s0+$0x1300];
	v23 =	vmul.u32 $0x3, v23  }
0x2a: {  	v26 =	vld [tilespmem:s0+$0x2100];
	v11 =	vadd.s32 v11, v18;
	v12 =	vadd.s32 v12, v20;
	v13 =	vadd.s32 v13, v22  }
0x2b: {  	v14 =	vadd.s32 v14, v19;
	v16 =	vadd.s32 v16, v21;
	v18 =	vld [tilespmem:s0+$0x2300];
	v17 =	vadd.s32 v17, v23  }
0x2c: {  	v11 =	vmul.u32 $0x3, v11;
	v12 =	vmul.u32 $0x3, v12;
	v13 =	vmul.u32 $0x3, v13;
	v19 =	vld [tilespmem:s0+$0x1180]  }
0x2d: {  	v14 =	vmul.u32 $0x3, v14;
	v16 =	vmul.u32 $0x3, v16;
	v17 =	vmul.u32 $0x3, v17;
	v20 =	vld [tilespmem:s0+$0x1380]  }
0x2e: {  	v8 =	vadd.s32 v8, v11;
	v11 =	vadd.s32 v15, v12;
	v12 =	vadd.s32 v24, v13;
	v21 =	vld [tilespmem:s0+$0x2180]  }
0x2f: {  	s3 =	sadd.s32 $0x80, s3;
	v8 =	vmul.u32 $0x3, v8;
	v11 =	vmul.u32 $0x3, v11;
	v14 =	vadd.s32 v25, v14;
	v13 =	vld [tilespmem:s0+$0x3000]  }
0x30: {  	s2 =	sand.u32 $0x70, s1;
	s4 =	sand.u32 $0xC00, s3;
	v12 =	vmul.u32 $0x3, v12;
	v16 =	vadd.s32 v26, v16;
	v15 =	vld [tilespmem:s0+$0x2380];
	v17 =	vadd.s32 v18, v17  }
0x31: {  	s5 =	sor.u32 s3, s1;
	v8 =	vadd.s32 v1, v8;
	v2 =	vadd.s32 v11, v2;
	v11 =	vmul.u32 $0x3, v14;
	v18 =	vld [tilespmem:s0+$0x3080];
	s0 =	sor.u32 s2, s4  }
0x32: {  	s2 =	sor.u32 $0x380, s5;
	v1 =	vld [tilespmem:s0+$0x180];
	[tilespmem:v10+s7+$0x0] =	vst.idx.msk $0xffff, v8;
	v8 =	vadd.s32 $0x51, v2;
	v10 =	vadd.s32 v12, v19;
	v12 =	vmul.u32 $0x3, v16  }
0x33: {  	v14 =	vmul.u32 $0x3, v17;
	v2 =	vld [tilespmem:s2+$0x0];
	[tilespmem:v9+s7+$0x0] =	vst.idx.msk $0xffff, v8;
	v9 =	vadd.s32 $0xA2, v10;
	v10 =	vadd.s32 v11, v20  }
0x34: {  	v8 =	vld [tilespmem:s0+$0x100];
	[tilespmem:v7+s7+$0x0] =	vst.idx.msk $0xffff, v9;
	v7 =	vadd.s32 $0xF3, v10;
	v9 =	vadd.s32 v12, v21;
	v10 =	vmul.u32 $0x3, v13  }
0x35: {  	v11 =	vld [tilespmem:s0+$0x80];
	[tilespmem:v6+s7+$0x0] =	vst.idx.msk $0xffff, v7;
	v6 =	vadd.s32 $0x144, v9;
	v7 =	vadd.s32 v14, v15  }
0x36: {  	v12 =	vld [tilespmem:s0+$0x280];
	[tilespmem:v5+s7+$0x0] =	vst.idx.msk $0xffff, v6;
	v5 =	vadd.s32 $0x195, v7;
	v6 =	vadd.s32 v10, v18  }
0x37: {  	v13 =	vld [tilespmem:s0+$0x1080];
	[tilespmem:v4+s7+$0x0] =	vst.idx.msk $0xffff, v5;
	v4 =	vadd.s32 $0x1E6, v6  }
0x38: {  	v14 =	vld [tilespmem:s0+$0x1280];
	[tilespmem:v3+s7+$0x0] =	vst.idx.msk $0xffff, v4  }
0x39: {  	v18 =	vld [tilespmem:s0+$0x0]  }
0x3a: {  	v20 =	vld [tilespmem:s0+$0x200]  }
0x3b: {  	v22 =	vld [tilespmem:s0+$0x1000]  }
0x3c: {  	v19 =	vld [tilespmem:s0+$0x1200]  }
.Ltmp0:
0x3d: {  	v3 =	vmov s1;
	v21 =	vld [tilespmem:s0+$0x2000];
	(pc) =	sbr.rel @p0 .LBB2_2-.Ltmp0, $4  }
0x3e: {  	v3 =	vshll.u32 v3, $0x4;
	v23 =	vld [tilespmem:s0+$0x2200]  }
0x3f: {  	v10 =	vor.u32 v0, v3;
	v16 =	vld [tilespmem:s0+$0x2080]  }
0x40: {  	v9 =	vor.u32 $0x1, v10;
	v7 =	vor.u32 $0x2, v10;
	v6 =	vor.u32 $0x3, v10;
	v17 =	vld [tilespmem:s0+$0x2280]  }
0x41: {  	s1 =	sadd.s32 $0x10, s1;
	v5 =	vor.u32 $0x4, v10;
	v4 =	vor.u32 $0x5, v10;
	v3 =	vor.u32 $0x6, v10;
	v15 =	vld [tilespmem:s0+$0x300]  }
0x42: {  	v24 =	vld [tilespmem:s0+$0x1100];
	v18 =	vmul.u32 $0x3, v18;
	v20 =	vmul.u32 $0x3, v20;
	v22 =	vmul.u32 $0x3, v22  }
0x43: {  	v25 =	vld [tilespmem:s0+$0x1300];
	v19 =	vmul.u32 $0x3, v19;
	v21 =	vmul.u32 $0x3, v21;
	v23 =	vmul.u32 $0x3, v23  }
0x44: {  	v26 =	vld [tilespmem:s0+$0x2100];
	v11 =	vadd.s32 v11, v18;
	v12 =	vadd.s32 v12, v20;
	v13 =	vadd.s32 v13, v22  }
0x45: {  	v27 =	vld [tilespmem:s0+$0x2300];
	v14 =	vadd.s32 v14, v19;
	v16 =	vadd.s32 v16, v21;
	v17 =	vadd.s32 v17, v23  }
0x46: {  	v28 =	vld [tilespmem:s0+$0x1180];
	v11 =	vmul.u32 $0x3, v11;
	v12 =	vmul.u32 $0x3, v12;
	v13 =	vmul.u32 $0x3, v13  }
0x47: {  	v29 =	vld [tilespmem:s0+$0x1380];
	v14 =	vmul.u32 $0x3, v14;
	v16 =	vmul.u32 $0x3, v16;
	v17 =	vmul.u32 $0x3, v17  }
0x48: {  	v30 =	vld [tilespmem:s0+$0x2180];
	v8 =	vadd.s32 v8, v11;
	v11 =	vadd.s32 v15, v12;
	v12 =	vadd.s32 v24, v13  }
0x49: {  	v13 =	vld [tilespmem:s0+$0x3000];
	v14 =	vadd.s32 v25, v14;
	v8 =	vmul.u32 $0x3, v8;
	v11 =	vmul.u32 $0x3, v11  }
0x4a: {  	v15 =	vld [tilespmem:s0+$0x2380];
	v16 =	vadd.s32 v26, v16;
	v12 =	vmul.u32 $0x3, v12;
	v17 =	vadd.s32 v27, v17  }
0x4b: {  	v31 =	vld [tilespmem:s0+$0x3080];
	v1 =	vadd.s32 v1, v8;
	v2 =	vadd.s32 v11, v2;
	v8 =	vmul.u32 $0x3, v14  }
0x4c: {  	[tilespmem:v10+s7+$0x0] =	vst.idx.msk $0xffff, v1;
	v1 =	vadd.s32 $0x51, v2;
	v2 =	vadd.s32 v12, v28;
	v10 =	vmul.u32 $0x3, v16  }
0x4d: {  	[tilespmem:v9+s7+$0x0] =	vst.idx.msk $0xffff, v1;
	v1 =	vadd.s32 $0xA2, v2;
	v2 =	vadd.s32 v8, v29;
	v8 =	vmul.u32 $0x3, v17  }
0x4e: {  	[tilespmem:v7+s7+$0x0] =	vst.idx.msk $0xffff, v1;
	v1 =	vadd.s32 $0xF3, v2;
	v2 =	vadd.s32 v10, v30;
	v7 =	vmul.u32 $0x3, v13  }
0x4f: {  	[tilespmem:v6+s7+$0x0] =	vst.idx.msk $0xffff, v1;
	v1 =	vadd.s32 $0x144, v2;
	v2 =	vadd.s32 v8, v15  }
0x50: {  	[tilespmem:v5+s7+$0x0] =	vst.idx.msk $0xffff, v1;
	v1 =	vadd.s32 $0x195, v2;
	v2 =	vadd.s32 v7, v31  }
0x51: {  	[tilespmem:v4+s7+$0x0] =	vst.idx.msk $0xffff, v1;
	v1 =	vadd.s32 $0x1E6, v2  }
0x52: {  	s23 =	simm.s32 $0x3;
	[tilespmem:v3+s7+$0x0] =	vst.idx.msk $0xffff, v1  }
0x53: {  	_ =	swait.ge [sflag:s23], $0xF780  }
0x54: {  	[sflag:s23] =	ssyncset.done $0x0  }
0x55: {  	s24 =	simm.s32 $0x17810;
	[sflag:s23] =	ssyncadd.s32 $0xFFFF0880  }
0x56: {  	v1 =	vld [tilespmem:s24+$0x0];
	_ =	sdelay $0x4  }
0x57: {  	v1 =	vshll.u32 v1, $0x9  }
0x58: {  	v1 =	vshra.s32 v1, $0x2  }
0x59: {  	(v2sf) =	vpush v1, $0x6  }
0x5a: {  	(v2sf) =	vpush v1, $0x0  }
0x5b: {  	(v2sf) =	vpush v1, $0x1  }
0x5c: {  	v2 =	vld [tilespmem:s24+$0xFFFFFFF0];
	(v2sf) =	vpush v1, $0x2  }
0x5d: {  	(v2sf) =	vpush v1, $0x3  }
0x5e: {  	(v2sf) =	vpush v1, $0x4  }
0x5f: {  	(v2sf) =	vpush v1, $0x5;
	_ =	sdelay $0x1  }
0x60: {  	v1 =	vshll.u32 v2, $0x9  }
0x61: {  	v1 =	vshra.s32 v1, $0x2  }
0x62: {  	(v2sf) =	vpush v1, $0x0  }
0x63: {  	(v2sf) =	vpush v1, $0x1  }
0x64: {  	(v2sf) =	vpush v1, $0x2  }
0x65: {  	(v2sf) =	vpush v1, $0x3;
	_ =	sdelay $0x1  }
0x66: {  	s5 =	spop (v2sf);
	(v2sf) =	vpush v1, $0x4  }
0x67: {  	s10 =	spop (v2sf);
	(v2sf) =	vpush v1, $0x5  }
0x68: {  	v2 =	vld [tilespmem:s10+$0x4000];
	s11 =	spop (v2sf)  }
0x69: {  	v3 =	vld [tilespmem:s11+$0x4000];
	s17 =	spop (v2sf);
	(v2sf) =	vpush v1, $0x6  }
0x6a: {  	v1 =	vld [tilespmem:s17+$0x4000];
	s22 =	spop (v2sf)  }
0x6b: {  	v4 =	vld [tilespmem:s22+$0x4000];
	s24 =	spop (v2sf)  }
0x6c: {  	v5 =	vld [tilespmem:s24+$0x4000];
	s23 =	spop (v2sf)  }
0x6d: {  	v6 =	vld [tilespmem:s23+$0x4000];
	_ =	sdelay $0x1  }
0x6e: {  	v7 =	vld [tilespmem:s5+$0x4000]  }
0x6f: {  	s4 =	spop (v2sf)  }
0x70: {  	v2 =	vadd.f32 v3, v2;
	s3 =	spop (v2sf)  }
0x71: {  	v1 =	vadd.f32 v4, v1;
	v4 =	vld [tilespmem:s4+$0x4000];
	s0 =	spop (v2sf);
	v3 =	vadd.f32 v6, v5  }
0x72: {  	s1 =	spop (v2sf);
	v5 =	vld [tilespmem:s3+$0x4000]  }
0x73: {  	v1 =	vadd.f32 v1, v2;
	v6 =	vld [tilespmem:s1+$0x4000];
	v2 =	vadd.f32 v7, v3  }
0x74: {  	v3 =	vld [tilespmem:s0+$0x4000];
	s12 =	spop (v2sf)  }
0x75: {  	v1 =	vadd.f32 v2, v1;
	s14 =	spop (v2sf);
	v2 =	vld [tilespmem:s12+$0x4000]  }
0x76: {  	v7 =	vld [tilespmem:s14+$0x4000]  }
0x77: {  	v8 =	vmul.f32 $9.999999770e-03, v1;
	s19 =	spop (v2sf)  }
0x78: {  	v9 =	vld [tilespmem:s19+$0x4000]  }
0x79: {  	s8 =	simm.s32 $0x13840;
	v1 =	vmax.f32 v1, v8  }
0x7a: {  	v3 =	vadd.f32 v6, v3;
	[tilespmem:s8+$0x0] =	vst v1  }
0x7b: {  	v1 =	vadd.f32 v5, v4;
	v4 =	vld [tilespmem:s10+$0x4010];
	v2 =	vadd.f32 v7, v2  }
0x7c: {  	v5 =	vld [tilespmem:s11+$0x4010]  }
0x7d: {  	v6 =	vld [tilespmem:s17+$0x4010];
	v1 =	vadd.f32 v3, v1;
	v2 =	vadd.f32 v9, v2  }
0x7e: {  	v7 =	vld [tilespmem:s24+$0x4010]  }
0x7f: {  	v3 =	vld [tilespmem:s22+$0x4010];
	v1 =	vadd.f32 v2, v1  }
0x80: {  	v2 =	vld [tilespmem:s23+$0x4010]  }
0x81: {  	v8 =	vmul.f32 $9.999999770e-03, v1  }
0x82: {  	v9 =	vld [tilespmem:s5+$0x4010]  }
0x83: {  	s2 =	simm.s32 $0x17830;
	v1 =	vmax.f32 v1, v8  }
0x84: {  	v4 =	vadd.f32 v5, v4;
	[tilespmem:s8+$0xFFFFFFC0] =	vst v1;
	v1 =	vld [tilespmem:s2+$0x0]  }
0x85: {  	v3 =	vadd.f32 v3, v6;
	v2 =	vadd.f32 v2, v7;
	v5 =	vld [tilespmem:s4+$0x4010]  }
0x86: {  	v6 =	vld [tilespmem:s3+$0x4010]  }
0x87: {  	v3 =	vadd.f32 v3, v4;
	v4 =	vld [tilespmem:s0+$0x4010];
	v2 =	vadd.f32 v9, v2  }
0x88: {  	v7 =	vld [tilespmem:s1+$0x4010]  }
0x89: {  	v8 =	vld [tilespmem:s14+$0x4010];
	v2 =	vadd.f32 v2, v3;
	v1 =	vshll.u32 v1, $0x9  }
0x8a: {  	v3 =	vld [tilespmem:s12+$0x4010];
	v1 =	vshra.s32 v1, $0x2  }
0x8b: {  	v9 =	vmul.f32 $9.999999770e-03, v2;
	(v2sf) =	vpush v1, $0x6  }
0x8c: {  	v10 =	vld [tilespmem:s19+$0x4010];
	(v2sf) =	vpush v1, $0x0  }
0x8d: {  	v5 =	vadd.f32 v6, v5;
	v2 =	vmax.f32 v2, v9;
	(v2sf) =	vpush v1, $0x1  }
0x8e: {  	[tilespmem:s8+$0x10] =	vst v2;
	v2 =	vadd.f32 v7, v4;
	(v2sf) =	vpush v1, $0x2  }
0x8f: {  	v9 =	vld [tilespmem:s2+$0xFFFFFFF0];
	v3 =	vadd.f32 v8, v3;
	(v2sf) =	vpush v1, $0x3  }
0x90: {  	v4 =	vld [tilespmem:s10+$0x4020];
	v2 =	vadd.f32 v2, v5;
	(v2sf) =	vpush v1, $0x4  }
0x91: {  	v6 =	vld [tilespmem:s11+$0x4020];
	(v2sf) =	vpush v1, $0x5;
	v1 =	vadd.f32 v10, v3  }
0x92: {  	v7 =	vld [tilespmem:s24+$0x4020]  }
0x93: {  	v5 =	vld [tilespmem:s17+$0x4020];
	v1 =	vadd.f32 v1, v2  }
0x94: {  	v2 =	vld [tilespmem:s23+$0x4020]  }
0x95: {  	v3 =	vld [tilespmem:s22+$0x4020];
	v8 =	vshll.u32 v9, $0x9;
	v9 =	vmul.f32 $9.999999770e-03, v1  }
0x96: {  	s25 =	simm.s32 $0x17850;
	v8 =	vshra.s32 v8, $0x2  }
0x97: {  	v44 =	vld [tilespmem:s25+$0xFFFFFFF0];
	(v2sf) =	vpush v8, $0x0;
	v1 =	vmax.f32 v1, v9  }
0x98: {  	v10 =	vld [tilespmem:s5+$0x4020];
	v4 =	vadd.f32 v6, v4;
	(v2sf) =	vpush v8, $0x1;
	[tilespmem:s8+$0xFFFFFFD0] =	vst v1  }
0x99: {  	(v2sf) =	vpush v8, $0x2;
	v2 =	vadd.f32 v2, v7;
	v7 =	vld [tilespmem:s4+$0x4020]  }
0x9a: {  	v1 =	vadd.f32 v3, v5;
	v9 =	vld [tilespmem:s3+$0x4020];
	s6 =	spop (v2sf);
	(v2sf) =	vpush v8, $0x3  }
0x9b: {  	v34 =	vld [tilespmem:s0+$0x4020];
	s7 =	spop (v2sf);
	(v2sf) =	vpush v8, $0x4  }
0x9c: {  	v1 =	vadd.f32 v1, v4;
	v4 =	vld [tilespmem:s7+$0x4000];
	s9 =	spop (v2sf);
	(v2sf) =	vpush v8, $0x5  }
0x9d: {  	v11 =	vld [tilespmem:s9+$0x4000];
	s13 =	spop (v2sf)  }
0x9e: {  	v2 =	vadd.f32 v10, v2;
	(v2sf) =	vpush v8, $0x6;
	v8 =	vld [tilespmem:s13+$0x4000];
	s15 =	spop (v2sf)  }
0x9f: {  	v12 =	vld [tilespmem:s15+$0x4000];
	s16 =	spop (v2sf)  }
0xa0: {  	v1 =	vadd.f32 v2, v1;
	v13 =	vld [tilespmem:s16+$0x4000];
	s18 =	spop (v2sf)  }
0xa1: {  	v14 =	vld [tilespmem:s18+$0x4000]  }
0xa2: {  	v35 =	vld [tilespmem:s1+$0x4020];
	v2 =	vmul.f32 $9.999999770e-03, v1  }
0xa3: {  	v10 =	vld [tilespmem:s6+$0x4000]  }
0xa4: {  	v36 =	vld [tilespmem:s12+$0x4020];
	v1 =	vmax.f32 v1, v2  }
0xa5: {  	v39 =	vld [tilespmem:s14+$0x4020];
	[tilespmem:s8+$0x20] =	vst v1;
	v11 =	vadd.f32 v11, v4  }
0xa6: {  	s21 =	spop (v2sf);
	v4 =	vld [tilespmem:s23+$0x4030];
	v8 =	vadd.f32 v12, v8;
	v12 =	vadd.f32 v14, v13  }
0xa7: {  	s28 =	spop (v2sf);
	v13 =	vld [tilespmem:s21+$0x4000]  }
0xa8: {  	s31 =	spop (v2sf);
	v14 =	vld [tilespmem:s28+$0x4000];
	v8 =	vadd.f32 v8, v11;
	v10 =	vadd.f32 v10, v12  }
0xa9: {  	v11 =	vld [tilespmem:s31+$0x4000];
	s29 =	spop (v2sf)  }
0xaa: {  	s23 =	spop (v2sf);
	v12 =	vld [tilespmem:s29+$0x4000];
	v8 =	vadd.f32 v10, v8  }
0xab: {  	s26 =	spop (v2sf);
	v10 =	vld [tilespmem:s23+$0x4000]  }
0xac: {  	v15 =	vld [tilespmem:s26+$0x4000];
	v32 =	vmul.f32 $9.999999770e-03, v8  }
0xad: {  	v40 =	vld [tilespmem:s19+$0x4020];
	s20 =	spop (v2sf)  }
0xae: {  	s30 =	simm.s32 $0x13940;
	v33 =	vld [tilespmem:s20+$0x4000];
	v8 =	vmax.f32 v8, v32  }
0xaf: {  	v5 =	vld [tilespmem:s10+$0x4030];
	[tilespmem:s30+$0x0] =	vst v8  }
0xb0: {  	v8 =	vadd.f32 v14, v13;
	v13 =	vld [tilespmem:s7+$0x4010]  }
0xb1: {  	v11 =	vadd.f32 v12, v11;
	v12 =	vld [tilespmem:s9+$0x4010];
	v10 =	vadd.f32 v15, v10  }
0xb2: {  	v14 =	vld [tilespmem:s13+$0x4010]  }
0xb3: {  	v8 =	vadd.f32 v11, v8;
	v11 =	vld [tilespmem:s15+$0x4010];
	v10 =	vadd.f32 v33, v10  }
0xb4: {  	v15 =	vld [tilespmem:s16+$0x4010]  }
0xb5: {  	v8 =	vadd.f32 v10, v8;
	v10 =	vld [tilespmem:s18+$0x4010]  }
0xb6: {  	v6 =	vld [tilespmem:s11+$0x4030]  }
0xb7: {  	v38 =	vld [tilespmem:s6+$0x4010];
	v37 =	vmul.f32 $9.999999770e-03, v8  }
0xb8: {  	v1 =	vld [tilespmem:s17+$0x4030]  }
0xb9: {  	v2 =	vld [tilespmem:s22+$0x4030];
	v12 =	vadd.f32 v12, v13;
	v8 =	vmax.f32 v8, v37  }
0xba: {  	v11 =	vadd.f32 v11, v14;
	[tilespmem:s30+$0xFFFFFFC0] =	vst v8;
	v8 =	vld [tilespmem:s25+$0x0];
	v10 =	vadd.f32 v10, v15  }
0xbb: {  	v13 =	vld [tilespmem:s21+$0x4010]  }
0xbc: {  	v11 =	vadd.f32 v11, v12;
	v14 =	vld [tilespmem:s28+$0x4010];
	v10 =	vadd.f32 v38, v10  }
0xbd: {  	v7 =	vadd.f32 v9, v7;
	v9 =	vadd.f32 v35, v34;
	v12 =	vld [tilespmem:s31+$0x4010]  }
0xbe: {  	v15 =	vadd.f32 v39, v36;
	v41 =	vld [tilespmem:s29+$0x4010];
	v10 =	vadd.f32 v10, v11  }
0xbf: {  	v7 =	vadd.f32 v9, v7;
	v9 =	vld [tilespmem:s23+$0x4010];
	v8 =	vshll.u32 v8, $0x9  }
0xc0: {  	v11 =	vadd.f32 v40, v15;
	v15 =	vld [tilespmem:s26+$0x4010];
	v8 =	vshra.s32 v8, $0x2;
	v42 =	vmul.f32 $9.999999770e-03, v10  }
0xc1: {  	v3 =	vld [tilespmem:s24+$0x4030];
	(v2sf) =	vpush v8, $0x6  }
0xc2: {  	v7 =	vadd.f32 v11, v7;
	v11 =	vld [tilespmem:s20+$0x4010];
	(v2sf) =	vpush v8, $0x0;
	v10 =	vmax.f32 v10, v42  }
0xc3: {  	v43 =	vld [tilespmem:s5+$0x4030];
	v13 =	vadd.f32 v14, v13;
	(v2sf) =	vpush v8, $0x1;
	[tilespmem:s30+$0x10] =	vst v10  }
0xc4: {  	v10 =	vadd.f32 v41, v12;
	(v2sf) =	vpush v8, $0x2;
	v12 =	vld [tilespmem:s7+$0x4020]  }
0xc5: {  	v9 =	vadd.f32 v15, v9;
	v14 =	vld [tilespmem:s9+$0x4020];
	(v2sf) =	vpush v8, $0x3  }
0xc6: {  	v15 =	vmul.f32 $9.999999770e-03, v7;
	v10 =	vadd.f32 v10, v13;
	v13 =	vld [tilespmem:s13+$0x4020];
	(v2sf) =	vpush v8, $0x4  }
0xc7: {  	(v2sf) =	vpush v8, $0x5;
	v8 =	vadd.f32 v11, v9;
	v9 =	vld [tilespmem:s15+$0x4020]  }
0xc8: {  	v7 =	vmax.f32 v7, v15;
	v11 =	vld [tilespmem:s16+$0x4020]  }
0xc9: {  	[tilespmem:s8+$0xFFFFFFE0] =	vst v7;
	v7 =	vadd.f32 v8, v10;
	v8 =	vld [tilespmem:s18+$0x4020]  }
0xca: {  	v46 =	vld [tilespmem:s6+$0x4020]  }
0xcb: {  	v47 =	vld [tilespmem:s3+$0x4030];
	v45 =	vmul.f32 $9.999999770e-03, v7  }
0xcc: {  	v10 =	vld [tilespmem:s4+$0x4030]  }
0xcd: {  	v15 =	vshll.u32 v44, $0x9;
	v12 =	vadd.f32 v14, v12;
	v14 =	vld [tilespmem:s0+$0x4030];
	v7 =	vmax.f32 v7, v45  }
0xce: {  	v15 =	vshra.s32 v15, $0x2;
	[tilespmem:s30+$0xFFFFFFD0] =	vst v7;
	v7 =	vadd.f32 v9, v13;
	v8 =	vadd.f32 v8, v11;
	v11 =	vld [tilespmem:s1+$0x4030]  }
0xcf: {  	(v2sf) =	vpush v15, $0x0;
	v13 =	vld [tilespmem:s21+$0x4020]  }
0xd0: {  	(v2sf) =	vpush v15, $0x1;
	v48 =	vld [tilespmem:s28+$0x4020];
	v7 =	vadd.f32 v7, v12  }
0xd1: {  	v59 =	vld [tilespmem:s23+$0x4020];
	s22 =	spop (v2sf);
	v8 =	vadd.f32 v46, v8;
	(v2sf) =	vpush v15, $0x2  }
0xd2: {  	v9 =	vld [tilespmem:s22+$0x4000];
	s0 =	spop (v2sf);
	(v2sf) =	vpush v15, $0x3  }
0xd3: {  	v12 =	vld [tilespmem:s0+$0x4000];
	s1 =	spop (v2sf);
	v7 =	vadd.f32 v8, v7;
	(v2sf) =	vpush v15, $0x4  }
0xd4: {  	v8 =	vld [tilespmem:s1+$0x4000];
	s10 =	spop (v2sf);
	(v2sf) =	vpush v15, $0x5  }
0xd5: {  	v49 =	vld [tilespmem:s10+$0x4000];
	s11 =	spop (v2sf);
	v50 =	vmul.f32 $9.999999770e-03, v7  }
0xd6: {  	(v2sf) =	vpush v15, $0x6;
	v15 =	vld [tilespmem:s11+$0x4000];
	s3 =	spop (v2sf)  }
0xd7: {  	v51 =	vld [tilespmem:s3+$0x4000];
	s5 =	spop (v2sf);
	v7 =	vmax.f32 v7, v50  }
0xd8: {  	v52 =	vld [tilespmem:s5+$0x4000];
	[tilespmem:s30+$0x20] =	vst v7  }
0xd9: {  	v7 =	vld [tilespmem:s7+$0x4030]  }
0xda: {  	v53 =	vld [tilespmem:s9+$0x4030]  }
0xdb: {  	v54 =	vld [tilespmem:s13+$0x4030]  }
0xdc: {  	v55 =	vld [tilespmem:s15+$0x4030]  }
0xdd: {  	v56 =	vld [tilespmem:s16+$0x4030]  }
0xde: {  	s17 =	spop (v2sf);
	v57 =	vld [tilespmem:s18+$0x4030]  }
0xdf: {  	v27 =	vld [tilespmem:s17+$0x4000];
	s16 =	spop (v2sf)  }
0xe0: {  	v5 =	vadd.f32 v6, v5;
	v6 =	vadd.f32 v8, v12;
	v8 =	vld [tilespmem:s16+$0x4000];
	s13 =	spop (v2sf)  }
0xe1: {  	v12 =	vadd.f32 v15, v49;
	v15 =	vadd.f32 v52, v51;
	s15 =	spop (v2sf);
	v58 =	vld [tilespmem:s13+$0x4000]  }
0xe2: {  	v1 =	vadd.f32 v2, v1;
	v2 =	vadd.f32 v4, v3;
	s9 =	spop (v2sf);
	v3 =	vld [tilespmem:s15+$0x4000]  }
0xe3: {  	v4 =	vadd.f32 v12, v6;
	v6 =	vadd.f32 v9, v15;
	s18 =	spop (v2sf);
	v9 =	vld [tilespmem:s9+$0x4000]  }
0xe4: {  	v1 =	vadd.f32 v1, v5;
	v5 =	vld [tilespmem:s18+$0x4000]  }
0xe5: {  	v2 =	vadd.f32 v43, v2;
	v28 =	vld [tilespmem:s6+$0x4030];
	v4 =	vadd.f32 v6, v4;
	s4 =	spop (v2sf)  }
0xe6: {  	v6 =	vld [tilespmem:s4+$0x4000]  }
0xe7: {  	v1 =	vadd.f32 v2, v1;
	v12 =	vld [tilespmem:s31+$0x4020];
	v2 =	vmul.f32 $9.999999770e-03, v4  }
0xe8: {  	v7 =	vadd.f32 v53, v7;
	v15 =	vld [tilespmem:s29+$0x4020];
	v8 =	vadd.f32 v8, v27  }
0xe9: {  	v4 =	vmax.f32 v4, v2;
	v2 =	vld [tilespmem:s12+$0x4030];
	s12 =	simm.s32 $0x13A40;
	v3 =	vadd.f32 v3, v58;
	v5 =	vadd.f32 v5, v9  }
0xea: {  	v60 =	vadd.f32 v57, v56;
	[tilespmem:s12+$0x0] =	vst v4;
	v4 =	vld [tilespmem:s26+$0x4020];
	v9 =	vadd.f32 v55, v54  }
0xeb: {  	v61 =	vld [tilespmem:s0+$0x4010];
	v3 =	vadd.f32 v3, v8;
	v5 =	vadd.f32 v6, v5  }
0xec: {  	v62 =	vld [tilespmem:s1+$0x4010];
	v8 =	vadd.f32 v28, v60;
	v7 =	vadd.f32 v9, v7  }
0xed: {  	v19 =	vadd.f32 v47, v10;
	v10 =	vld [tilespmem:s5+$0x4010];
	v3 =	vadd.f32 v5, v3  }
0xee: {  	v9 =	vmul.f32 $9.999999770e-03, v1;
	v6 =	vld [tilespmem:s10+$0x4010];
	v7 =	vadd.f32 v8, v7  }
0xef: {  	v8 =	vld [tilespmem:s11+$0x4010];
	v63 =	vmul.f32 $9.999999770e-03, v3  }
0xf0: {  	v11 =	vadd.f32 v11, v14;
	v1 =	vmax.f32 v1, v9;
	v9 =	vld [tilespmem:s3+$0x4010];
	v14 =	vmul.f32 $9.999999770e-03, v7  }
0xf1: {  	v13 =	vadd.f32 v48, v13;
	v12 =	vadd.f32 v15, v12;
	v5 =	vld [tilespmem:s20+$0x4020];
	[tilespmem:s8+$0x30] =	vst v1;
	v3 =	vmax.f32 v3, v63  }
0xf2: {  	v4 =	vadd.f32 v4, v59;
	v1 =	vadd.f32 v11, v19;
	v11 =	vld [tilespmem:s22+$0x4010];
	v7 =	vmax.f32 v7, v14;
	[tilespmem:s12+$0xFFFFFFC0] =	vst v3  }
0xf3: {  	s6 =	simm.s32 $0x4;
	s7 =	simm.s32 $0x17870;
	[tilespmem:s30+$0x30] =	vst v7;
	v3 =	vadd.f32 v12, v13;
	v12 =	vadd.f32 v62, v61;
	v7 =	vld [tilespmem:s17+$0x4010]  }
.LBB2_4:
0xf4: {  	_ = 	snop  }
0xf5: {  	v13 =	vld [tilespmem:s7+$0x0];
	v6 =	vadd.f32 v8, v6;
	v8 =	vadd.f32 v10, v9  }
0xf6: {  	v4 =	vadd.f32 v5, v4;
	v5 =	vld [tilespmem:s16+$0x4010]  }
0xf7: {  	v10 =	vld [tilespmem:s13+$0x4010];
	v6 =	vadd.f32 v6, v12;
	v8 =	vadd.f32 v11, v8  }
0xf8: {  	v3 =	vadd.f32 v4, v3;
	v4 =	vld [tilespmem:s15+$0x4010]  }
0xf9: {  	v11 =	vld [tilespmem:s9+$0x4010];
	v6 =	vadd.f32 v8, v6  }
0xfa: {  	v8 =	vshll.u32 v13, $0x9;
	v13 =	vld [tilespmem:s18+$0x4010]  }
0xfb: {  	v15 =	vld [tilespmem:s4+$0x4010];
	v8 =	vshra.s32 v8, $0x2;
	v14 =	vmul.f32 $9.999999770e-03, v6  }
0xfc: {  	v9 =	vld [tilespmem:s7+$0xFFFFFFF0];
	v12 =	vmul.f32 $9.999999770e-03, v3;
	(v2sf) =	vpush v8, $0x6  }
0xfd: {  	v5 =	vadd.f32 v5, v7;
	v7 =	vld [tilespmem:s14+$0x4030];
	(v2sf) =	vpush v8, $0x0;
	v6 =	vmax.f32 v6, v14  }
0xfe: {  	v3 =	vmax.f32 v3, v12;
	v4 =	vadd.f32 v4, v10;
	(v2sf) =	vpush v8, $0x1;
	[tilespmem:s12+$0x10] =	vst v6;
	v6 =	vld [tilespmem:s19+$0x4030]  }
0xff: {  	(v2sf) =	vpush v8, $0x2;
	[tilespmem:s30+$0xFFFFFFE0] =	vst v3;
	v3 =	vadd.f32 v13, v11;
	v10 =	vld [tilespmem:s0+$0x4020]  }
0x100: {  	v4 =	vadd.f32 v4, v5;
	(v2sf) =	vpush v8, $0x3;
	v11 =	vld [tilespmem:s1+$0x4020]  }
0x101: {  	v9 =	vshll.u32 v9, $0x9;
	v5 =	vld [tilespmem:s10+$0x4020];
	(v2sf) =	vpush v8, $0x4;
	v3 =	vadd.f32 v15, v3  }
0x102: {  	v9 =	vshra.s32 v9, $0x2;
	v2 =	vadd.f32 v7, v2;
	v12 =	vld [tilespmem:s3+$0x4020];
	(v2sf) =	vpush v8, $0x5  }
0x103: {  	v8 =	vld [tilespmem:s11+$0x4020];
	(v2sf) =	vpush v9, $0x0;
	v3 =	vadd.f32 v3, v4  }
0x104: {  	v4 =	vld [tilespmem:s5+$0x4020];
	(v2sf) =	vpush v9, $0x1  }
0x105: {  	v7 =	vld [tilespmem:s21+$0x4030];
	v2 =	vadd.f32 v6, v2;
	(v2sf) =	vpush v9, $0x2;
	v6 =	vmul.f32 $9.999999770e-03, v3  }
0x106: {  	v13 =	vld [tilespmem:s22+$0x4020];
	(v2sf) =	vpush v9, $0x3  }
0x107: {  	v14 =	vld [tilespmem:s28+$0x4030];
	v1 =	vadd.f32 v2, v1;
	(v2sf) =	vpush v9, $0x4;
	v2 =	vmax.f32 v3, v6  }
0x108: {  	v3 =	vadd.f32 v11, v10;
	v6 =	vld [tilespmem:s31+$0x4030];
	(v2sf) =	vpush v9, $0x5;
	[tilespmem:s12+$0xFFFFFFD0] =	vst v2  }
0x109: {  	s21 =	smov.u32 s17;
	v2 =	vadd.f32 v8, v5;
	v4 =	vadd.f32 v4, v12;
	v5 =	vld [tilespmem:s29+$0x4030]  }
0x10a: {  	s28 =	smov.u32 s16;
	(v2sf) =	vpush v9, $0x6;
	v9 =	vld [tilespmem:s21+$0x4020]  }
0x10b: {  	v8 =	vmul.f32 $9.999999770e-03, v1;
	v10 =	vld [tilespmem:s28+$0x4020];
	v2 =	vadd.f32 v2, v3;
	v3 =	vadd.f32 v13, v4;
	s2 =	spop (v2sf)  }
0x10c: {  	s31 =	smov.u32 s13;
	v4 =	vld [tilespmem:s2+$0x4000];
	s13 =	spop (v2sf)  }
0x10d: {  	s24 =	smov.u32 s26;
	s29 =	smov.u32 s15;
	v1 =	vmax.f32 v1, v8;
	v2 =	vadd.f32 v3, v2;
	v8 =	vld [tilespmem:s13+$0x4000];
	s15 =	spop (v2sf)  }
0x10e: {  	s26 =	smov.u32 s18;
	s14 =	smov.u32 s30;
	v3 =	vld [tilespmem:s15+$0x4000];
	s18 =	spop (v2sf)  }
0x10f: {  	[dreg:$0x5] =	wrdreg s14;
	v7 =	vadd.f32 v14, v7;
	[tilespmem:s8+$0xFFFFFFF0] =	vst v1;
	v1 =	vadd.f32 v5, v6;
	v6 =	vmul.f32 $9.999999770e-03, v2;
	v5 =	vld [tilespmem:s18+$0x4000];
	s14 =	spop (v2sf)  }
0x110: {  	v11 =	vld [tilespmem:s14+$0x4000];
	s19 =	spop (v2sf)  }
0x111: {  	[dreg:$0x4] =	wrdreg s23;
	s23 =	smov.u32 s20;
	v1 =	vadd.f32 v1, v7;
	v2 =	vmax.f32 v2, v6;
	v7 =	vld [tilespmem:s19+$0x4000];
	s20 =	spop (v2sf)  }
0x112: {  	v6 =	vld [tilespmem:s20+$0x4000];
	[tilespmem:s12+$0x20] =	vst v2  }
0x113: {  	v2 =	vld [tilespmem:s0+$0x4030]  }
0x114: {  	v10 =	vadd.f32 v10, v9;
	v9 =	vld [tilespmem:s1+$0x4030]  }
0x115: {  	v12 =	vld [tilespmem:s10+$0x4030]  }
0x116: {  	v13 =	vld [tilespmem:s11+$0x4030]  }
0x117: {  	v14 =	vld [tilespmem:s3+$0x4030]  }
0x118: {  	s17 =	spop (v2sf);
	v15 =	vld [tilespmem:s5+$0x4030]  }
0x119: {  	s16 =	spop (v2sf);
	v16 =	vld [tilespmem:s17+$0x4000]  }
0x11a: {  	s0 =	smov.u32 s13;
	v3 =	vadd.f32 v3, v8;
	s13 =	spop (v2sf);
	v8 =	vld [tilespmem:s16+$0x4000];
	v5 =	vadd.f32 v11, v5  }
0x11b: {  	s1 =	smov.u32 s15;
	s15 =	spop (v2sf);
	v6 =	vadd.f32 v6, v7;
	v7 =	vld [tilespmem:s22+$0x4030]  }
0x11c: {  	s8 =	spop (v2sf);
	v3 =	vadd.f32 v5, v3;
	v5 =	vld [tilespmem:s13+$0x4000];
	v2 =	vadd.f32 v9, v2  }
0x11d: {  	v9 =	vadd.f32 v13, v12;
	v12 =	vld [tilespmem:s8+$0x4000];
	v4 =	vadd.f32 v4, v6  }
0x11e: {  	s10 =	smov.u32 s18;
	s18 =	spop (v2sf);
	v11 =	vadd.f32 v15, v14;
	v6 =	vld [tilespmem:s15+$0x4000]  }
0x11f: {  	v3 =	vadd.f32 v4, v3;
	v4 =	vld [tilespmem:s18+$0x4000]  }
0x120: {  	s25 =	smov.u32 s4;
	s4 =	spop (v2sf);
	v2 =	vadd.f32 v9, v2;
	v7 =	vadd.f32 v7, v11  }
0x121: {  	v9 =	vld [tilespmem:s4+$0x4000]  }
0x122: {  	v13 =	vld [tilespmem:s31+$0x4020];
	v11 =	vmul.f32 $9.999999770e-03, v3;
	v2 =	vadd.f32 v7, v2  }
0x123: {  	v8 =	vadd.f32 v8, v16;
	v5 =	vadd.f32 v6, v5;
	v7 =	vld [tilespmem:s29+$0x4020]  }
0x124: {  	s30 =	smov.u32 s12;
	s12 =	sadd.s32 $0x100, s12;
	v3 =	vmax.f32 v3, v11;
	v11 =	vld [tilespmem:s9+$0x4020];
	v6 =	vmul.f32 $9.999999770e-03, v2;
	v4 =	vadd.f32 v4, v12  }
0x125: {  	[tilespmem:s12+$0x0] =	vst v3;
	v3 =	vld [tilespmem:s26+$0x4020]  }
0x126: {  	v5 =	vadd.f32 v5, v8;
	v12 =	vld [tilespmem:s0+$0x4010];
	v2 =	vmax.f32 v2, v6;
	v4 =	vadd.f32 v9, v4  }
0x127: {  	v14 =	vld [tilespmem:s1+$0x4010];
	[tilespmem:s30+$0x30] =	vst v2  }
0x128: {  	s11 =	smov.u32 s14;
	v2 =	vadd.f32 v7, v13;
	v6 =	vld [tilespmem:s10+$0x4010];
	v7 =	vadd.f32 v4, v5  }
0x129: {  	s6 =	sadd.s32 $0x2, s6;
	s3 =	smov.u32 s19;
	v8 =	vld [tilespmem:s11+$0x4010]  }
0x12a: {  	p0 =	slt.u32 s6, $0x7E;
	v9 =	vld [tilespmem:s3+$0x4010];
	v4 =	vadd.f32 v3, v11;
	v3 =	vadd.f32 v2, v10;
	v2 =	vmul.f32 $9.999999770e-03, v7  }
.Ltmp1:
0x12b: {  	s5 =	smov.u32 s20;
	v5 =	vld [tilespmem:s25+$0x4020];
	(pc) =	sbr.rel @p0 .LBB2_4-.Ltmp1, $4  }
0x12c: {  	s22 =	smov.u32 s2;
	v10 =	vld [tilespmem:s5+$0x4010];
	v2 =	vmax.f32 v7, v2  }
0x12d: {  	s20 =	smov.u32 s25;
	s25 =	rddreg [dreg:$0x4];
	v11 =	vld [tilespmem:s22+$0x4010];
	[tilespmem:s12+$0xFFFFFFC0] =	vst v2  }
0x12e: {  	s7 =	sadd.s32 $0x20, s7;
	s14 =	smov.u32 s24;
	s19 =	smov.u32 s23;
	v2 =	vld [tilespmem:s25+$0x4030]  }
0x12f: {  	s23 =	smov.u32 s9;
	s9 =	smov.u32 s8;
	s8 =	rddreg [dreg:$0x5];
	v12 =	vadd.f32 v14, v12;
	v7 =	vld [tilespmem:s17+$0x4010]  }
0x130: {  	_ = 	snop  }
0x131: {  	v6 =	vadd.f32 v8, v6;
	v63 =	vld [tilespmem:s16+$0x4010];
	v62 =	vadd.f32 v10, v9  }
0x132: {  	v16 =	vld [tilespmem:s13+$0x4010]  }
0x133: {  	v17 =	vld [tilespmem:s15+$0x4010];
	v6 =	vadd.f32 v6, v12;
	v8 =	vadd.f32 v11, v62  }
0x134: {  	v18 =	vld [tilespmem:s9+$0x4010]  }
0x135: {  	v19 =	vld [tilespmem:s18+$0x4010];
	v6 =	vadd.f32 v8, v6;
	_ =	sdelay $0x1  }
0x136: {  	v14 =	vld [tilespmem:s4+$0x4010];
	v13 =	vmul.f32 $9.999999770e-03, v6;
	_ =	sdelay $0x1  }
0x137: {  	v7 =	vadd.f32 v63, v7;
	v6 =	vmax.f32 v6, v13  }
0x138: {  	v29 =	vld [tilespmem:s14+$0x4030];
	v20 =	vadd.f32 v17, v16;
	v21 =	vadd.f32 v19, v18;
	[tilespmem:s12+$0x10] =	vst v6  }
0x139: {  	v4 =	vadd.f32 v5, v4;
	v22 =	vld [tilespmem:s0+$0x4020]  }
0x13a: {  	v7 =	vadd.f32 v20, v7;
	v6 =	vadd.f32 v14, v21;
	v23 =	vld [tilespmem:s1+$0x4020]  }
0x13b: {  	v3 =	vadd.f32 v4, v3;
	v24 =	vld [tilespmem:s10+$0x4020]  }
0x13c: {  	v25 =	vld [tilespmem:s11+$0x4020];
	v6 =	vadd.f32 v6, v7  }
0x13d: {  	v35 =	vmul.f32 $9.999999770e-03, v3;
	v26 =	vld [tilespmem:s3+$0x4020]  }
0x13e: {  	v27 =	vld [tilespmem:s5+$0x4020];
	v28 =	vmul.f32 $9.999999770e-03, v6  }
0x13f: {  	v31 =	vld [tilespmem:s19+$0x4030];
	v3 =	vmax.f32 v3, v35  }
0x140: {  	[tilespmem:s30+$0xFFFFFFE0] =	vst v3;
	v30 =	vld [tilespmem:s22+$0x4020];
	v6 =	vmax.f32 v6, v28  }
0x141: {  	v40 =	vld [tilespmem:s21+$0x4030];
	[tilespmem:s12+$0xFFFFFFD0] =	vst v6  }
0x142: {  	v32 =	vadd.f32 v23, v22;
	v6 =	vld [tilespmem:s17+$0x4020]  }
0x143: {  	v33 =	vadd.f32 v25, v24;
	v7 =	vadd.f32 v27, v26;
	v34 =	vld [tilespmem:s16+$0x4020]  }
0x144: {  	v36 =	vld [tilespmem:s13+$0x4020]  }
0x145: {  	v4 =	vadd.f32 v33, v32;
	v5 =	vadd.f32 v30, v7;
	v37 =	vld [tilespmem:s15+$0x4020]  }
0x146: {  	v38 =	vld [tilespmem:s9+$0x4020]  }
0x147: {  	v39 =	vld [tilespmem:s18+$0x4020];
	v3 =	vadd.f32 v5, v4  }
0x148: {  	v15 =	vld [tilespmem:s28+$0x4030]  }
0x149: {  	v42 =	vld [tilespmem:s4+$0x4020];
	v41 =	vmul.f32 $9.999999770e-03, v3  }
0x14a: {  	v16 =	vld [tilespmem:s31+$0x4030]  }
0x14b: {  	v43 =	vld [tilespmem:s29+$0x4030];
	v6 =	vadd.f32 v34, v6;
	v3 =	vmax.f32 v3, v41  }
0x14c: {  	v18 =	vld [tilespmem:s23+$0x4030];
	v4 =	vadd.f32 v39, v38;
	[tilespmem:s12+$0x20] =	vst v3;
	v3 =	vadd.f32 v37, v36  }
0x14d: {  	v51 =	vld [tilespmem:s26+$0x4030]  }
0x14e: {  	v55 =	vld [tilespmem:s20+$0x4030];
	v4 =	vadd.f32 v42, v4;
	v3 =	vadd.f32 v3, v6  }
0x14f: {  	v44 =	vld [tilespmem:s0+$0x4030]  }
0x150: {  	v45 =	vld [tilespmem:s1+$0x4030];
	v3 =	vadd.f32 v4, v3  }
0x151: {  	v46 =	vld [tilespmem:s10+$0x4030]  }
0x152: {  	v47 =	vld [tilespmem:s11+$0x4030];
	v50 =	vmul.f32 $9.999999770e-03, v3  }
0x153: {  	v48 =	vld [tilespmem:s3+$0x4030]  }
0x154: {  	v49 =	vld [tilespmem:s5+$0x4030];
	v3 =	vmax.f32 v3, v50  }
0x155: {  	v17 =	vld [tilespmem:s22+$0x4030];
	[tilespmem:s12+$0xFFFFFFE0] =	vst v3  }
0x156: {  	v2 =	vadd.f32 v29, v2;
	v3 =	vld [tilespmem:s17+$0x4030]  }
0x157: {  	v19 =	vld [tilespmem:s16+$0x4030]  }
0x158: {  	v2 =	vadd.f32 v31, v2;
	v52 =	vld [tilespmem:s13+$0x4030]  }
0x159: {  	v20 =	vld [tilespmem:s15+$0x4030]  }
0x15a: {  	v1 =	vadd.f32 v2, v1;
	v53 =	vld [tilespmem:s9+$0x4030]  }
0x15b: {  	v9 =	vadd.f32 v43, v16;
	v57 =	vadd.f32 v51, v18;
	v54 =	vld [tilespmem:s18+$0x4030]  }
0x15c: {  	v7 =	vadd.f32 v45, v44;
	v6 =	vadd.f32 v47, v46  }
0x15d: {  	v59 =	vadd.f32 v55, v57;
	v4 =	vadd.f32 v49, v48;
	v56 =	vld [tilespmem:s4+$0x4030]  }
0x15e: {  	v5 =	vadd.f32 v15, v40;
	v6 =	vadd.f32 v6, v7  }
0x15f: {  	v4 =	vadd.f32 v17, v4;
	v3 =	vadd.f32 v19, v3  }
0x160: {  	v58 =	vadd.f32 v20, v52;
	v8 =	vadd.f32 v54, v53  }
0x161: {  	v2 =	vadd.f32 v9, v5;
	v4 =	vadd.f32 v4, v6  }
0x162: {  	v3 =	vadd.f32 v58, v3;
	v5 =	vadd.f32 v56, v8  }
0x163: {  	v60 =	vmul.f32 $9.999999770e-03, v1;
	v2 =	vadd.f32 v59, v2  }
0x164: {  	v61 =	vmul.f32 $9.999999770e-03, v4;
	v3 =	vadd.f32 v5, v3  }
0x165: {  	v1 =	vmax.f32 v1, v60;
	v62 =	vmul.f32 $9.999999770e-03, v2  }
0x166: {  	[tilespmem:s8+$0xFFFFFFF0] =	vst v1;
	v1 =	vmax.f32 v4, v61;
	v63 =	vmul.f32 $9.999999770e-03, v3  }
0x167: {  	[tilespmem:s12+$0x30] =	vst v1;
	v1 =	vmax.f32 v2, v62  }
0x168: {  	[tilespmem:s30+$0xFFFFFFF0] =	vst v1;
	v1 =	vmax.f32 v3, v63  }
0x169: {  	s2 =	simm.s32 $0x0;
	[tilespmem:s12+$0xFFFFFFF0] =	vst v1  }
0x16a: {  	s0 =	simm.s32 $0x0;
	s1 =	simm.s32 $0x13800;
	s4 =	rddreg [dreg:$0x7]  }
.LBB2_6:
0x16b: {  	p0 =	sne.s32 s2, $0x3F0  }
.Ltmp2:
0x16c: {  	_ = 	snop;
	(pc) =	sbr.rel @p0 .LBB2_6-.Ltmp2, $4  }
0x16d: {  	_ = 	snop  }
0x16e: {  	s3 =	sadd.s32 s2, s4  }
0x16f: {  	[hbm4b:s3+s0] =	stream.linear.scatter [tilespmem:s1], [sflag:$0x1], $0x80, $0x38;
	[tilespmem:$0x19800] =	vst v63  }
0x170: {  	s2 =	sadd.s32 $0x10, s2;
	s1 =	sadd.s32 $0x100, s1  }
0x171: {  	s0 =	sand.u32 $0x7E0, s0  }
0x172: {  	v1 =	vld [tilespmem:s0+$0x18000];
	_ =	sdelay $0x4  }
0x173: {  	v1 =	vshll.u32 v1, $0x9  }
0x174: {  	v1 =	vshra.s32 v1, $0x2  }
0x175: {  	(v2sf) =	vpush v1, $0x5  }
0x176: {  	(v2sf) =	vpush v1, $0x3  }
0x177: {  	(v2sf) =	vpush v1, $0x1  }
0x178: {  	(v2sf) =	vpush v1, $0x0  }
0x179: {  	(v2sf) =	vpush v1, $0x2  }
0x17a: {  	(v2sf) =	vpush v1, $0x4;
	_ =	sdelay $0x1  }
0x17b: {  	s17 =	simm.s32 $0x18010;
	(v2sf) =	vpush v1, $0x6  }
0x17c: {  	v1 =	vld [tilespmem:s17+$0x0];
	_ =	sdelay $0x4  }
0x17d: {  	v1 =	vshll.u32 v1, $0x9  }
0x17e: {  	v1 =	vshra.s32 v1, $0x2  }
0x17f: {  	s4 =	spop (v2sf);
	(v2sf) =	vpush v1, $0x5  }
0x180: {  	s1 =	spop (v2sf);
	v4 =	vld [tilespmem:s4+$0x4000];
	(v2sf) =	vpush v1, $0x4  }
0x181: {  	s6 =	spop (v2sf);
	v2 =	vld [tilespmem:s1+$0x4000];
	(v2sf) =	vpush v1, $0x3  }
0x182: {  	s7 =	spop (v2sf);
	v7 =	vld [tilespmem:s6+$0x4000]  }
0x183: {  	(v2sf) =	vpush v1, $0x0;
	v3 =	vld [tilespmem:s7+$0x4000];
	s12 =	spop (v2sf)  }
0x184: {  	(v2sf) =	vpush v1, $0x2;
	s9 =	spop (v2sf);
	v5 =	vld [tilespmem:s12+$0x4000]  }
0x185: {  	v6 =	vld [tilespmem:s9+$0x4000]  }
0x186: {  	(v2sf) =	vpush v1, $0x1;
	s20 =	spop (v2sf)  }
0x187: {  	v8 =	vld [tilespmem:s20+$0x4000];
	_ =	sdelay $0x1  }
0x188: {  	(v2sf) =	vpush v1, $0x6;
	v3 =	vadd.f32 v7, v3  }
0x189: {  	v2 =	vadd.f32 v2, v5;
	v4 =	vadd.f32 v4, v6;
	_ =	sdelay $0x1  }
0x18a: {  	v2 =	vadd.f32 v2, v3;
	v1 =	vadd.f32 v8, v4;
	_ =	sdelay $0x1  }
0x18b: {  	v1 =	vadd.f32 v1, v2;
	s21 =	spop (v2sf)  }
0x18c: {  	s22 =	spop (v2sf)  }
0x18d: {  	v2 =	vmul.f32 $9.999999770e-03, v1;
	s23 =	spop (v2sf);
	v3 =	vld [tilespmem:s22+$0x4000]  }
0x18e: {  	v4 =	vld [tilespmem:s23+$0x4000]  }
0x18f: {  	s26 =	spop (v2sf);
	v1 =	vmax.f32 v1, v2;
	v2 =	vld [tilespmem:s21+$0x4000]  }
0x190: {  	s19 =	simm.s32 $0x138F0;
	s25 =	spop (v2sf);
	v5 =	vld [tilespmem:s26+$0x4000]  }
0x191: {  	[tilespmem:s19+$0xFFFFFF90] =	vst v1;
	v7 =	vld [tilespmem:s25+$0x4000]  }
0x192: {  	s28 =	spop (v2sf);
	v1 =	vld [tilespmem:s6+$0x4010]  }
0x193: {  	v6 =	vld [tilespmem:s28+$0x4000]  }
0x194: {  	v8 =	vld [tilespmem:s7+$0x4010]  }
0x195: {  	s24 =	spop (v2sf);
	v10 =	vld [tilespmem:s1+$0x4010]  }
0x196: {  	s18 =	simm.s32 $0x20;
	v9 =	vld [tilespmem:s24+$0x4000]  }
0x197: {  	s0 =	sand.u32 $0x7E0, s18;
	v11 =	vld [tilespmem:s9+$0x4010]  }
0x198: {  	v2 =	vadd.f32 v2, v3;
	v3 =	vld [tilespmem:s0+$0x18000]  }
0x199: {  	v4 =	vadd.f32 v4, v7;
	v7 =	vld [tilespmem:s12+$0x4010];
	v5 =	vadd.f32 v6, v5  }
0x19a: {  	v6 =	vld [tilespmem:s4+$0x4010]  }
0x19b: {  	v2 =	vadd.f32 v9, v2;
	v4 =	vadd.f32 v4, v5;
	_ =	sdelay $0x1  }
0x19c: {  	v5 =	vld [tilespmem:s20+$0x4010];
	v3 =	vshll.u32 v3, $0x9;
	v2 =	vadd.f32 v2, v4  }
0x19d: {  	v1 =	vadd.f32 v1, v8;
	v3 =	vshra.s32 v3, $0x2  }
0x19e: {  	v7 =	vadd.f32 v10, v7;
	v4 =	vadd.f32 v6, v11;
	v6 =	vmul.f32 $9.999999770e-03, v2  }
0x19f: {  	(v2sf) =	vpush v3, $0x5  }
0x1a0: {  	s3 =	simm.s32 $0x18030;
	(v2sf) =	vpush v3, $0x3;
	v1 =	vadd.f32 v7, v1;
	v2 =	vmax.f32 v2, v6  }
0x1a1: {  	v4 =	vadd.f32 v5, v4;
	(v2sf) =	vpush v3, $0x1;
	v5 =	vld [tilespmem:s3+$0x0];
	[tilespmem:s19+$0xFFFFFFD0] =	vst v2  }
0x1a2: {  	(v2sf) =	vpush v3, $0x0;
	v2 =	vld [tilespmem:s26+$0x4010]  }
0x1a3: {  	v1 =	vadd.f32 v4, v1;
	(v2sf) =	vpush v3, $0x2;
	v4 =	vld [tilespmem:s28+$0x4010]  }
0x1a4: {  	v6 =	vld [tilespmem:s25+$0x4010]  }
0x1a5: {  	(v2sf) =	vpush v3, $0x4;
	v8 =	vld [tilespmem:s23+$0x4010];
	v7 =	vmul.f32 $9.999999770e-03, v1  }
0x1a6: {  	(v2sf) =	vpush v3, $0x6;
	v3 =	vld [tilespmem:s22+$0x4010]  }
0x1a7: {  	v1 =	vmax.f32 v1, v7;
	v7 =	vld [tilespmem:s21+$0x4010]  }
0x1a8: {  	[tilespmem:s19+$0xFFFFFFA0] =	vst v1;
	v1 =	vld [tilespmem:s24+$0x4010]  }
0x1a9: {  	v9 =	vld [tilespmem:s7+$0x4020]  }
0x1aa: {  	v11 =	vld [tilespmem:s9+$0x4020]  }
0x1ab: {  	v2 =	vadd.f32 v4, v2;
	v4 =	vld [tilespmem:s4+$0x4020]  }
0x1ac: {  	v10 =	vld [tilespmem:s12+$0x4020]  }
0x1ad: {  	v6 =	vadd.f32 v8, v6;
	v8 =	vld [tilespmem:s6+$0x4020];
	v3 =	vadd.f32 v7, v3  }
0x1ae: {  	v7 =	vld [tilespmem:s1+$0x4020];
	s29 =	spop (v2sf)  }
0x1af: {  	v2 =	vadd.f32 v6, v2;
	v1 =	vadd.f32 v1, v3;
	v3 =	vld [tilespmem:s20+$0x4020];
	s30 =	spop (v2sf)  }
0x1b0: {  	v5 =	vshll.u32 v5, $0x9;
	v4 =	vadd.f32 v4, v11;
	v11 =	vld [tilespmem:s29+$0x4000];
	s0 =	spop (v2sf)  }
0x1b1: {  	v5 =	vshra.s32 v5, $0x2;
	v6 =	vld [tilespmem:s30+$0x4000];
	v1 =	vadd.f32 v1, v2;
	s10 =	spop (v2sf)  }
0x1b2: {  	(v2sf) =	vpush v5, $0x5;
	v2 =	vld [tilespmem:s10+$0x4000];
	s11 =	spop (v2sf)  }
0x1b3: {  	v8 =	vadd.f32 v8, v9;
	v7 =	vadd.f32 v7, v10;
	v12 =	vmul.f32 $9.999999770e-03, v1;
	v13 =	vld [tilespmem:s11+$0x4000]  }
0x1b4: {  	(v2sf) =	vpush v5, $0x4;
	s31 =	spop (v2sf);
	v3 =	vadd.f32 v3, v4;
	v4 =	vld [tilespmem:s0+$0x4000]  }
0x1b5: {  	(v2sf) =	vpush v5, $0x3;
	v7 =	vadd.f32 v7, v8;
	v9 =	vld [tilespmem:s31+$0x4000];
	s5 =	spop (v2sf);
	v1 =	vmax.f32 v1, v12  }
0x1b6: {  	(v2sf) =	vpush v5, $0x0;
	[tilespmem:s19+$0xFFFFFFE0] =	vst v1;
	v1 =	vld [tilespmem:s5+$0x4000]  }
0x1b7: {  	v3 =	vadd.f32 v3, v7;
	v7 =	vld [tilespmem:s26+$0x4020]  }
0x1b8: {  	(v2sf) =	vpush v5, $0x2;
	v8 =	vld [tilespmem:s25+$0x4020]  }
0x1b9: {  	(v2sf) =	vpush v5, $0x1;
	v12 =	vld [tilespmem:s23+$0x4020]  }
0x1ba: {  	(v2sf) =	vpush v5, $0x6;
	v5 =	vld [tilespmem:s21+$0x4020];
	v10 =	vmul.f32 $9.999999770e-03, v3  }
0x1bb: {  	v2 =	vadd.f32 v4, v2;
	v4 =	vld [tilespmem:s22+$0x4020]  }
0x1bc: {  	v9 =	vadd.f32 v11, v9;
	v3 =	vmax.f32 v3, v10;
	v11 =	vld [tilespmem:s28+$0x4020]  }
0x1bd: {  	[tilespmem:s19+$0xFFFFFFB0] =	vst v3;
	v3 =	vld [tilespmem:s24+$0x4020]  }
0x1be: {  	v6 =	vadd.f32 v6, v13;
	v1 =	vadd.f32 v1, v9;
	v9 =	vld [tilespmem:s7+$0x4030]  }
0x1bf: {  	v10 =	vld [tilespmem:s6+$0x4030]  }
0x1c0: {  	v2 =	vadd.f32 v6, v2;
	v13 =	vld [tilespmem:s12+$0x4030]  }
0x1c1: {  	v14 =	vld [tilespmem:s1+$0x4030]  }
0x1c2: {  	v2 =	vadd.f32 v1, v2;
	s7 =	spop (v2sf);
	v1 =	vld [tilespmem:s9+$0x4030]  }
0x1c3: {  	v15 =	vld [tilespmem:s7+$0x4000];
	s9 =	spop (v2sf)  }
0x1c4: {  	v6 =	vmul.f32 $9.999999770e-03, v2;
	v16 =	vld [tilespmem:s9+$0x4000];
	s12 =	spop (v2sf)  }
0x1c5: {  	v17 =	vadd.f32 v12, v8;
	s16 =	spop (v2sf);
	v8 =	vld [tilespmem:s12+$0x4000]  }
0x1c6: {  	s1 =	simm.s32 $0x139F0;
	v4 =	vadd.f32 v5, v4;
	v7 =	vadd.f32 v11, v7;
	v2 =	vmax.f32 v2, v6;
	v11 =	vld [tilespmem:s16+$0x4000]  }
0x1c7: {  	[tilespmem:s1+$0xFFFFFF90] =	vst v2;
	v2 =	vld [tilespmem:s4+$0x4030]  }
0x1c8: {  	v5 =	vadd.f32 v3, v4;
	s15 =	spop (v2sf);
	v6 =	vld [tilespmem:s0+$0x4010]  }
0x1c9: {  	v3 =	vadd.f32 v10, v9;
	v4 =	vadd.f32 v14, v13;
	s17 =	spop (v2sf);
	v10 =	vld [tilespmem:s10+$0x4010]  }
0x1ca: {  	s6 =	simm.s32 $0x40;
	v7 =	vadd.f32 v17, v7;
	s4 =	simm.s32 $0x2;
	s13 =	spop (v2sf);
	v12 =	vld [tilespmem:s17+$0x4000];
	v9 =	vadd.f32 v15, v16  }
.LBB2_8:
0x1cb: {  	s2 =	sand.u32 $0x7E0, s6;
	s4 =	sadd.s32 $0x2, s4;
	v13 =	vld [tilespmem:s30+$0x4010]  }
0x1cc: {  	p0 =	slt.u32 s4, $0x7E;
	v14 =	vld [tilespmem:s15+$0x4000];
	v5 =	vadd.f32 v5, v7  }
0x1cd: {  	v7 =	vld [tilespmem:s11+$0x4010]  }
0x1ce: {  	v15 =	vld [tilespmem:s31+$0x4010];
	v6 =	vadd.f32 v6, v10;
	v10 =	vmul.f32 $9.999999770e-03, v5  }
0x1cf: {  	v16 =	vld [tilespmem:s13+$0x4000];
	v11 =	vadd.f32 v12, v11  }
0x1d0: {  	v12 =	vld [tilespmem:s29+$0x4010];
	v5 =	vmax.f32 v5, v10  }
0x1d1: {  	v10 =	vld [tilespmem:s5+$0x4010];
	v8 =	vadd.f32 v8, v14;
	[tilespmem:s19+$0xFFFFFFF0] =	vst v5  }
0x1d2: {  	v5 =	vld [tilespmem:s2+$0x18000];
	v7 =	vadd.f32 v13, v7  }
0x1d3: {  	v8 =	vadd.f32 v8, v11;
	v11 =	vld [tilespmem:s26+$0x4030];
	s26 =	smov.u32 s16  }
0x1d4: {  	v13 =	vld [tilespmem:s28+$0x4030];
	s28 =	smov.u32 s17  }
0x1d5: {  	v9 =	vadd.f32 v16, v9;
	v12 =	vadd.f32 v12, v15;
	v14 =	vld [tilespmem:s25+$0x4030];
	s25 =	smov.u32 s15  }
0x1d6: {  	s3 =	sadd.s32 $0x20, s3;
	v15 =	vld [tilespmem:s23+$0x4030];
	s23 =	smov.u32 s12  }
0x1d7: {  	v8 =	vadd.f32 v9, v8;
	v5 =	vshll.u32 v5, $0x9;
	v10 =	vadd.f32 v10, v12;
	v9 =	vld [tilespmem:s22+$0x4030];
	s22 =	smov.u32 s9  }
0x1d8: {  	v3 =	vadd.f32 v4, v3;
	v6 =	vadd.f32 v7, v6;
	v5 =	vshra.s32 v5, $0x2;
	v4 =	vld [tilespmem:s21+$0x4030];
	s21 =	smov.u32 s7  }
0x1d9: {  	v7 =	vmul.f32 $9.999999770e-03, v8;
	(v2sf) =	vpush v5, $0x5;
	v12 =	vld [tilespmem:s24+$0x4030];
	v11 =	vadd.f32 v13, v11;
	s24 =	smov.u32 s13  }
0x1da: {  	v6 =	vadd.f32 v10, v6;
	(v2sf) =	vpush v5, $0x3;
	v10 =	vld [tilespmem:s20+$0x4030];
	s20 =	smov.u32 s5  }
0x1db: {  	v7 =	vmax.f32 v8, v7;
	v13 =	vld [tilespmem:s3+$0x0];
	(v2sf) =	vpush v5, $0x1;
	v8 =	vadd.f32 v15, v14  }
0x1dc: {  	v1 =	vadd.f32 v2, v1;
	v14 =	vmul.f32 $9.999999770e-03, v6;
	(v2sf) =	vpush v5, $0x0;
	[tilespmem:s1+$0xFFFFFFD0] =	vst v7  }
0x1dd: {  	(v2sf) =	vpush v5, $0x2;
	v2 =	vld [tilespmem:s26+$0x4010];
	v4 =	vadd.f32 v4, v9  }
0x1de: {  	v6 =	vmax.f32 v6, v14;
	v8 =	vadd.f32 v8, v11;
	(v2sf) =	vpush v5, $0x4;
	v7 =	vld [tilespmem:s28+$0x4010]  }
0x1df: {  	[tilespmem:s1+$0xFFFFFFA0] =	vst v6;
	v6 =	vld [tilespmem:s25+$0x4010];
	v1 =	vadd.f32 v10, v1;
	v4 =	vadd.f32 v12, v4  }
0x1e0: {  	(v2sf) =	vpush v5, $0x6;
	v5 =	vld [tilespmem:s23+$0x4010]  }
0x1e1: {  	v9 =	vld [tilespmem:s22+$0x4010];
	v1 =	vadd.f32 v1, v3;
	v3 =	vadd.f32 v4, v8  }
0x1e2: {  	v4 =	vld [tilespmem:s21+$0x4010]  }
0x1e3: {  	v8 =	vld [tilespmem:s24+$0x4010];
	v2 =	vadd.f32 v7, v2;
	v7 =	vmul.f32 $9.999999770e-03, v1;
	v10 =	vmul.f32 $9.999999770e-03, v3  }
0x1e4: {  	v11 =	vld [tilespmem:s10+$0x4020]  }
0x1e5: {  	v12 =	vld [tilespmem:s11+$0x4020];
	v5 =	vadd.f32 v5, v6;
	v1 =	vmax.f32 v1, v7;
	v3 =	vmax.f32 v3, v10  }
0x1e6: {  	v6 =	vld [tilespmem:s31+$0x4020];
	[tilespmem:s19+$0x0] =	vst v3  }
0x1e7: {  	v3 =	vshll.u32 v13, $0x9;
	v7 =	vld [tilespmem:s29+$0x4020];
	v4 =	vadd.f32 v4, v9;
	[tilespmem:s19+$0xFFFFFFC0] =	vst v1;
	s19 =	smov.u32 s1  }
0x1e8: {  	v1 =	vshra.s32 v3, $0x2;
	v2 =	vadd.f32 v5, v2;
	s18 =	spop (v2sf);
	v3 =	vld [tilespmem:s30+$0x4020]  }
0x1e9: {  	s8 =	spop (v2sf);
	(v2sf) =	vpush v1, $0x5;
	v5 =	vld [tilespmem:s0+$0x4020];
	v4 =	vadd.f32 v8, v4  }
0x1ea: {  	s2 =	spop (v2sf);
	(v2sf) =	vpush v1, $0x4;
	v8 =	vld [tilespmem:s20+$0x4020]  }
0x1eb: {  	v9 =	vld [tilespmem:s8+$0x4000];
	s9 =	spop (v2sf);
	(v2sf) =	vpush v1, $0x3;
	v2 =	vadd.f32 v4, v2  }
0x1ec: {  	v4 =	vld [tilespmem:s9+$0x4000];
	s14 =	spop (v2sf);
	(v2sf) =	vpush v1, $0x0;
	v6 =	vadd.f32 v7, v6  }
0x1ed: {  	v7 =	vld [tilespmem:s18+$0x4000];
	s13 =	spop (v2sf);
	(v2sf) =	vpush v1, $0x2;
	v10 =	vmul.f32 $9.999999770e-03, v2  }
0x1ee: {  	v3 =	vadd.f32 v3, v12;
	v13 =	vld [tilespmem:s14+$0x4000];
	v5 =	vadd.f32 v5, v11  }
0x1ef: {  	v11 =	vld [tilespmem:s13+$0x4000];
	s5 =	spop (v2sf);
	(v2sf) =	vpush v1, $0x1;
	v6 =	vadd.f32 v8, v6;
	v2 =	vmax.f32 v2, v10  }
0x1f0: {  	s1 =	sadd.s32 $0x100, s1;
	v8 =	vld [tilespmem:s2+$0x4000];
	(v2sf) =	vpush v1, $0x6;
	v1 =	vadd.f32 v3, v5;
	[tilespmem:s19+$0xFFFFFFE0] =	vst v2  }
0x1f1: {  	v2 =	vld [tilespmem:s5+$0x4000]  }
0x1f2: {  	v1 =	vadd.f32 v6, v1;
	v10 =	vld [tilespmem:s26+$0x4020]  }
0x1f3: {  	v3 =	vadd.f32 v9, v13;
	v5 =	vld [tilespmem:s25+$0x4020]  }
0x1f4: {  	v6 =	vadd.f32 v7, v11;
	v7 =	vmul.f32 $9.999999770e-03, v1;
	v9 =	vld [tilespmem:s23+$0x4020]  }
0x1f5: {  	v4 =	vadd.f32 v8, v4;
	v8 =	vld [tilespmem:s22+$0x4020]  }
0x1f6: {  	v2 =	vadd.f32 v2, v6;
	v1 =	vmax.f32 v1, v7;
	v6 =	vld [tilespmem:s21+$0x4020]  }
0x1f7: {  	v3 =	vadd.f32 v3, v4;
	[tilespmem:s19+$0xFFFFFFB0] =	vst v1;
	v4 =	vld [tilespmem:s24+$0x4020]  }
0x1f8: {  	s7 =	spop (v2sf);
	v7 =	vld [tilespmem:s10+$0x4030];
	s10 =	smov.u32 s9  }
0x1f9: {  	v2 =	vadd.f32 v2, v3;
	s9 =	spop (v2sf);
	v3 =	vld [tilespmem:s0+$0x4030];
	v13 =	vadd.f32 v9, v5;
	s0 =	smov.u32 s2  }
0x1fa: {  	s12 =	spop (v2sf);
	v9 =	vld [tilespmem:s11+$0x4030];
	s11 =	smov.u32 s14  }
0x1fb: {  	v5 =	vmul.f32 $9.999999770e-03, v2;
	s16 =	spop (v2sf);
	v11 =	vld [tilespmem:s30+$0x4030];
	v6 =	vadd.f32 v6, v8;
	s30 =	smov.u32 s8  }
0x1fc: {  	s15 =	spop (v2sf);
	v1 =	vld [tilespmem:s31+$0x4030];
	s31 =	smov.u32 s13  }
0x1fd: {  	v2 =	vmax.f32 v2, v5;
	v14 =	vld [tilespmem:s7+$0x4000];
	v5 =	vadd.f32 v4, v6  }
0x1fe: {  	[tilespmem:s1+$0xFFFFFF90] =	vst v2;
	s17 =	spop (v2sf);
	v3 =	vadd.f32 v3, v7;
	v7 =	vld [tilespmem:s28+$0x4020]  }
0x1ff: {  	v6 =	vld [tilespmem:s0+$0x4010];
	s13 =	spop (v2sf)  }
0x200: {  	v15 =	vld [tilespmem:s9+$0x4000];
	v4 =	vadd.f32 v11, v9  }
.Ltmp3:
0x201: {  	v2 =	vld [tilespmem:s29+$0x4030];
	s29 =	smov.u32 s18;
	(pc) =	sbr.rel @p0 .LBB2_8-.Ltmp3, $4  }
0x202: {  	v8 =	vld [tilespmem:s12+$0x4000]  }
0x203: {  	v11 =	vld [tilespmem:s16+$0x4000];
	v7 =	vadd.f32 v7, v10  }
0x204: {  	v10 =	vld [tilespmem:s10+$0x4010]  }
0x205: {  	s6 =	sadd.s32 $0x20, s6;
	v12 =	vld [tilespmem:s17+$0x4000];
	v9 =	vadd.f32 v14, v15;
	v7 =	vadd.f32 v13, v7  }
0x206: {  	v13 =	vld [tilespmem:s15+$0x4000];
	_ =	sdelay $0x1  }
0x207: {  	v14 =	vld [tilespmem:s13+$0x4000];
	_ =	sdelay $0x2  }
0x208: {  	v11 =	vadd.f32 v12, v11;
	v8 =	vadd.f32 v8, v13;
	_ =	sdelay $0x1  }
0x209: {  	v9 =	vadd.f32 v14, v9;
	v8 =	vadd.f32 v8, v11;
	_ =	sdelay $0x1  }
0x20a: {  	v8 =	vadd.f32 v9, v8  }
0x20b: {  	v54 =	vld [tilespmem:s30+$0x4010]  }
0x20c: {  	v55 =	vld [tilespmem:s11+$0x4010];
	v56 =	vmul.f32 $9.999999770e-03, v8  }
0x20d: {  	v57 =	vld [tilespmem:s31+$0x4010]  }
0x20e: {  	v58 =	vld [tilespmem:s29+$0x4010];
	v8 =	vmax.f32 v8, v56  }
0x20f: {  	v59 =	vld [tilespmem:s5+$0x4010];
	[tilespmem:s1+$0xFFFFFFD0] =	vst v8  }
0x210: {  	v8 =	vld [tilespmem:s16+$0x4010]  }
0x211: {  	v15 =	vld [tilespmem:s17+$0x4010]  }
0x212: {  	v6 =	vadd.f32 v6, v10;
	v60 =	vld [tilespmem:s15+$0x4010]  }
0x213: {  	v61 =	vadd.f32 v58, v57;
	v9 =	vadd.f32 v54, v55;
	v62 =	vld [tilespmem:s12+$0x4010]  }
0x214: {  	v63 =	vld [tilespmem:s9+$0x4010]  }
0x215: {  	v11 =	vadd.f32 v59, v61;
	v6 =	vadd.f32 v9, v6;
	v16 =	vld [tilespmem:s7+$0x4010];
	_ =	sdelay $0x1  }
0x216: {  	v6 =	vadd.f32 v11, v6;
	v17 =	vld [tilespmem:s13+$0x4010];
	_ =	sdelay $0x1  }
0x217: {  	v18 =	vmul.f32 $9.999999770e-03, v6;
	v8 =	vadd.f32 v15, v8  }
0x218: {  	v10 =	vadd.f32 v62, v60;
	v9 =	vadd.f32 v16, v63  }
0x219: {  	v6 =	vmax.f32 v6, v18  }
0x21a: {  	v44 =	vld [tilespmem:s20+$0x4030];
	[tilespmem:s1+$0xFFFFFFA0] =	vst v6;
	v19 =	vadd.f32 v10, v8;
	v20 =	vadd.f32 v17, v9  }
0x21b: {  	v21 =	vld [tilespmem:s10+$0x4020]  }
0x21c: {  	v22 =	vld [tilespmem:s11+$0x4020];
	v6 =	vadd.f32 v20, v19  }
0x21d: {  	v23 =	vld [tilespmem:s31+$0x4020]  }
0x21e: {  	v24 =	vld [tilespmem:s29+$0x4020];
	v25 =	vmul.f32 $9.999999770e-03, v6  }
0x21f: {  	v26 =	vld [tilespmem:s30+$0x4020]  }
0x220: {  	v27 =	vld [tilespmem:s0+$0x4020];
	v6 =	vmax.f32 v6, v25  }
0x221: {  	v28 =	vld [tilespmem:s5+$0x4020];
	[tilespmem:s1+$0xFFFFFFE0] =	vst v6  }
0x222: {  	v5 =	vadd.f32 v5, v7;
	v6 =	vld [tilespmem:s16+$0x4020]  }
0x223: {  	v29 =	vld [tilespmem:s15+$0x4020]  }
0x224: {  	v30 =	vmul.f32 $9.999999770e-03, v5;
	v16 =	vld [tilespmem:s12+$0x4020]  }
0x225: {  	v8 =	vadd.f32 v24, v23;
	v17 =	vld [tilespmem:s9+$0x4020]  }
0x226: {  	v5 =	vmax.f32 v5, v30;
	v32 =	vadd.f32 v27, v21;
	v33 =	vadd.f32 v26, v22;
	v31 =	vld [tilespmem:s7+$0x4020]  }
0x227: {  	[tilespmem:s19+$0xFFFFFFF0] =	vst v5;
	v34 =	vld [tilespmem:s17+$0x4020]  }
0x228: {  	v35 =	vld [tilespmem:s26+$0x4030];
	v8 =	vadd.f32 v28, v8;
	v5 =	vadd.f32 v33, v32  }
0x229: {  	v36 =	vld [tilespmem:s13+$0x4020]  }
0x22a: {  	v37 =	vld [tilespmem:s28+$0x4030];
	v5 =	vadd.f32 v8, v5  }
0x22b: {  	v38 =	vld [tilespmem:s25+$0x4030];
	v7 =	vadd.f32 v16, v29  }
0x22c: {  	v39 =	vld [tilespmem:s23+$0x4030];
	v41 =	vmul.f32 $9.999999770e-03, v5;
	v11 =	vadd.f32 v31, v17;
	v6 =	vadd.f32 v34, v6  }
0x22d: {  	v40 =	vld [tilespmem:s22+$0x4030]  }
0x22e: {  	v42 =	vld [tilespmem:s21+$0x4030];
	v5 =	vmax.f32 v5, v41;
	v9 =	vadd.f32 v36, v11;
	v6 =	vadd.f32 v7, v6  }
0x22f: {  	v43 =	vld [tilespmem:s24+$0x4030];
	[tilespmem:s1+$0xFFFFFFB0] =	vst v5  }
0x230: {  	v46 =	vld [tilespmem:s10+$0x4030];
	v45 =	vadd.f32 v9, v6  }
0x231: {  	v47 =	vld [tilespmem:s0+$0x4030]  }
0x232: {  	v49 =	vld [tilespmem:s11+$0x4030];
	v48 =	vmul.f32 $9.999999770e-03, v45  }
0x233: {  	v18 =	vld [tilespmem:s30+$0x4030]  }
0x234: {  	v50 =	vld [tilespmem:s31+$0x4030];
	v5 =	vmax.f32 v45, v48  }
0x235: {  	v55 =	vld [tilespmem:s29+$0x4030];
	[tilespmem:s1+$0xFFFFFFF0] =	vst v5  }
0x236: {  	v5 =	vld [tilespmem:s16+$0x4030]  }
0x237: {  	v19 =	vld [tilespmem:s17+$0x4030]  }
0x238: {  	v1 =	vadd.f32 v2, v1;
	v12 =	vadd.f32 v37, v35;
	v20 =	vld [tilespmem:s15+$0x4030]  }
0x239: {  	v2 =	vadd.f32 v42, v40;
	v8 =	vadd.f32 v39, v38;
	v51 =	vld [tilespmem:s12+$0x4030]  }
0x23a: {  	v3 =	vadd.f32 v4, v3;
	v1 =	vadd.f32 v44, v1;
	v52 =	vld [tilespmem:s9+$0x4030]  }
0x23b: {  	v2 =	vadd.f32 v43, v2;
	v53 =	vadd.f32 v8, v12;
	v54 =	vld [tilespmem:s7+$0x4030]  }
0x23c: {  	v1 =	vadd.f32 v1, v3;
	v3 =	vld [tilespmem:s5+$0x4030]  }
0x23d: {  	v2 =	vadd.f32 v2, v53;
	v56 =	vld [tilespmem:s13+$0x4030]  }
0x23e: {  	v57 =	vadd.f32 v47, v46;
	v59 =	vadd.f32 v18, v49  }
0x23f: {  	v7 =	vadd.f32 v55, v50;
	v5 =	vadd.f32 v19, v5  }
0x240: {  	v58 =	vadd.f32 v51, v20;
	v8 =	vadd.f32 v54, v52  }
0x241: {  	v4 =	vadd.f32 v59, v57;
	v3 =	vadd.f32 v3, v7  }
0x242: {  	v61 =	vmul.f32 $9.999999770e-03, v2;
	v5 =	vadd.f32 v58, v5;
	v60 =	vadd.f32 v56, v8  }
0x243: {  	v3 =	vadd.f32 v3, v4  }
0x244: {  	v62 =	vmul.f32 $9.999999770e-03, v1;
	v2 =	vmax.f32 v2, v61;
	v5 =	vadd.f32 v60, v5  }
0x245: {  	[tilespmem:s19+$0x0] =	vst v2;
	v2 =	vmul.f32 $9.999999770e-03, v3  }
0x246: {  	v1 =	vmax.f32 v1, v62;
	v63 =	vmul.f32 $9.999999770e-03, v5  }
0x247: {  	[tilespmem:s19+$0xFFFFFFC0] =	vst v1;
	v2 =	vmax.f32 v3, v2  }
0x248: {  	[tilespmem:s1+$0xFFFFFFC0] =	vst v2;
	v1 =	vmax.f32 v5, v63  }
0x249: {  	[tilespmem:s1+$0x0] =	vst v1  }
0x24a: {  	s2 =	simm.s32 $0x13980;
	s4 =	simm.s32 $0x0;
	s5 =	rddreg [dreg:$0x9]  }
0x24b: {  	s0 =	simm.s32 $0x13880;
	s1 =	simm.s32 $0x10;
	s3 =	sadd.s32 $0x0, s5  }
.LBB2_10:
0x24c: {  	[hbm4b:s3+s4] =	stream.linear.scatter [tilespmem:s0], [sflag:$0x2], $0x80, $0x38;
	[tilespmem:$0x19800] =	vst v63  }
0x24d: {  	s3 =	smov.u32 s1;
	s0 =	smov.u32 s2;
	p0 =	sne.s32 s1, $0x3F0  }
.Ltmp4:
0x24e: {  	s1 =	sadd.s32 $0x10, s1;
	(pc) =	sbr.rel @p0 .LBB2_10-.Ltmp4, $2  }
0x24f: {  	_ =	sdelay $0x2  }
0x250: {  	s2 =	sadd.s32 $0x100, s2;
	s3 =	sadd.s32 s3, s5  }
0x251: {  	[hbm4b:s3+s4] =	stream.linear.scatter [tilespmem:s0], [sflag:$0x2], $0x80, $0x38;
	[tilespmem:$0x19800] =	vst v63  }
0x252: {  	s1 =	simm.s32 $0x1  }
0x253: {  	_ =	swait.ge [sflag:s1], $0x2000  }
0x254: {  	s14 =	simm.s32 $0x0;
	[sflag:s1] =	ssyncset.done $0x0  }
0x255: {  	s0 =	sand.u32 $0x7E0, s14;
	[sflag:s1] =	ssyncadd.s32 $0xFFFFE000  }
0x256: {  	v1 =	vld [tilespmem:s0+$0x18800];
	_ =	sdelay $0x4  }
0x257: {  	v1 =	vshll.u32 v1, $0x9  }
0x258: {  	v1 =	vshra.s32 v1, $0x2  }
0x259: {  	(v2sf) =	vpush v1, $0x5  }
0x25a: {  	(v2sf) =	vpush v1, $0x3  }
0x25b: {  	(v2sf) =	vpush v1, $0x1  }
0x25c: {  	(v2sf) =	vpush v1, $0x0  }
0x25d: {  	(v2sf) =	vpush v1, $0x2  }
0x25e: {  	(v2sf) =	vpush v1, $0x4;
	_ =	sdelay $0x1  }
0x25f: {  	s15 =	simm.s32 $0x18810;
	(v2sf) =	vpush v1, $0x6  }
0x260: {  	v1 =	vld [tilespmem:s15+$0x0];
	_ =	sdelay $0x4  }
0x261: {  	v1 =	vshll.u32 v1, $0x9  }
0x262: {  	v1 =	vshra.s32 v1, $0x2  }
0x263: {  	s16 =	spop (v2sf);
	(v2sf) =	vpush v1, $0x5  }
0x264: {  	s17 =	spop (v2sf);
	v4 =	vld [tilespmem:s16+$0x4000];
	(v2sf) =	vpush v1, $0x4  }
0x265: {  	s6 =	spop (v2sf);
	v2 =	vld [tilespmem:s17+$0x4000];
	(v2sf) =	vpush v1, $0x3  }
0x266: {  	s7 =	spop (v2sf);
	v7 =	vld [tilespmem:s6+$0x4000]  }
0x267: {  	(v2sf) =	vpush v1, $0x0;
	v3 =	vld [tilespmem:s7+$0x4000];
	s12 =	spop (v2sf)  }
0x268: {  	(v2sf) =	vpush v1, $0x2;
	s9 =	spop (v2sf);
	v5 =	vld [tilespmem:s12+$0x4000]  }
0x269: {  	v6 =	vld [tilespmem:s9+$0x4000]  }
0x26a: {  	(v2sf) =	vpush v1, $0x1;
	s20 =	spop (v2sf)  }
0x26b: {  	v8 =	vld [tilespmem:s20+$0x4000];
	_ =	sdelay $0x1  }
0x26c: {  	(v2sf) =	vpush v1, $0x6;
	v3 =	vadd.f32 v7, v3  }
0x26d: {  	v2 =	vadd.f32 v2, v5;
	v4 =	vadd.f32 v4, v6;
	_ =	sdelay $0x1  }
0x26e: {  	v2 =	vadd.f32 v2, v3;
	v1 =	vadd.f32 v8, v4;
	_ =	sdelay $0x1  }
0x26f: {  	v1 =	vadd.f32 v1, v2;
	s21 =	spop (v2sf)  }
0x270: {  	s22 =	spop (v2sf)  }
0x271: {  	v2 =	vmul.f32 $9.999999770e-03, v1;
	s23 =	spop (v2sf);
	v3 =	vld [tilespmem:s22+$0x4000]  }
0x272: {  	v4 =	vld [tilespmem:s23+$0x4000]  }
0x273: {  	s26 =	spop (v2sf);
	v1 =	vmax.f32 v1, v2;
	v2 =	vld [tilespmem:s21+$0x4000]  }
0x274: {  	s19 =	simm.s32 $0x13840;
	s25 =	spop (v2sf);
	v5 =	vld [tilespmem:s26+$0x4000]  }
0x275: {  	[tilespmem:s19+$0xFFFFFFC0] =	vst v1;
	v7 =	vld [tilespmem:s25+$0x4000]  }
0x276: {  	s28 =	spop (v2sf);
	v1 =	vld [tilespmem:s6+$0x4010]  }
0x277: {  	v6 =	vld [tilespmem:s28+$0x4000]  }
0x278: {  	v8 =	vld [tilespmem:s7+$0x4010]  }
0x279: {  	s24 =	spop (v2sf);
	v10 =	vld [tilespmem:s17+$0x4010]  }
0x27a: {  	s18 =	simm.s32 $0x20;
	v9 =	vld [tilespmem:s24+$0x4000]  }
0x27b: {  	s0 =	sand.u32 $0x7E0, s18;
	v11 =	vld [tilespmem:s9+$0x4010]  }
0x27c: {  	v2 =	vadd.f32 v2, v3;
	v3 =	vld [tilespmem:s0+$0x18800]  }
0x27d: {  	v4 =	vadd.f32 v4, v7;
	v7 =	vld [tilespmem:s12+$0x4010];
	v5 =	vadd.f32 v6, v5  }
0x27e: {  	v6 =	vld [tilespmem:s16+$0x4010]  }
0x27f: {  	v2 =	vadd.f32 v9, v2;
	v4 =	vadd.f32 v4, v5;
	_ =	sdelay $0x1  }
0x280: {  	v5 =	vld [tilespmem:s20+$0x4010];
	v3 =	vshll.u32 v3, $0x9;
	v2 =	vadd.f32 v2, v4  }
0x281: {  	v1 =	vadd.f32 v1, v8;
	v3 =	vshra.s32 v3, $0x2  }
0x282: {  	v7 =	vadd.f32 v10, v7;
	v4 =	vadd.f32 v6, v11;
	v6 =	vmul.f32 $9.999999770e-03, v2  }
0x283: {  	(v2sf) =	vpush v3, $0x5  }
0x284: {  	s3 =	simm.s32 $0x18830;
	(v2sf) =	vpush v3, $0x3;
	v1 =	vadd.f32 v7, v1;
	v2 =	vmax.f32 v2, v6  }
0x285: {  	v4 =	vadd.f32 v5, v4;
	(v2sf) =	vpush v3, $0x1;
	v5 =	vld [tilespmem:s3+$0x0];
	[tilespmem:s19+$0x0] =	vst v2  }
0x286: {  	(v2sf) =	vpush v3, $0x0;
	v2 =	vld [tilespmem:s26+$0x4010]  }
0x287: {  	v1 =	vadd.f32 v4, v1;
	(v2sf) =	vpush v3, $0x2;
	v4 =	vld [tilespmem:s28+$0x4010]  }
0x288: {  	v6 =	vld [tilespmem:s25+$0x4010]  }
0x289: {  	(v2sf) =	vpush v3, $0x4;
	v8 =	vld [tilespmem:s23+$0x4010];
	v7 =	vmul.f32 $9.999999770e-03, v1  }
0x28a: {  	(v2sf) =	vpush v3, $0x6;
	v3 =	vld [tilespmem:s22+$0x4010]  }
0x28b: {  	v1 =	vmax.f32 v1, v7;
	v7 =	vld [tilespmem:s21+$0x4010]  }
0x28c: {  	[tilespmem:s19+$0xFFFFFFD0] =	vst v1;
	v1 =	vld [tilespmem:s24+$0x4010]  }
0x28d: {  	v9 =	vld [tilespmem:s7+$0x4020]  }
0x28e: {  	v11 =	vld [tilespmem:s9+$0x4020]  }
0x28f: {  	v2 =	vadd.f32 v4, v2;
	v4 =	vld [tilespmem:s16+$0x4020]  }
0x290: {  	v10 =	vld [tilespmem:s12+$0x4020]  }
0x291: {  	v6 =	vadd.f32 v8, v6;
	v8 =	vld [tilespmem:s6+$0x4020];
	v3 =	vadd.f32 v7, v3  }
0x292: {  	v7 =	vld [tilespmem:s17+$0x4020];
	s29 =	spop (v2sf)  }
0x293: {  	v2 =	vadd.f32 v6, v2;
	v1 =	vadd.f32 v1, v3;
	v3 =	vld [tilespmem:s20+$0x4020];
	s30 =	spop (v2sf)  }
0x294: {  	v5 =	vshll.u32 v5, $0x9;
	v4 =	vadd.f32 v4, v11;
	v11 =	vld [tilespmem:s29+$0x4000];
	s0 =	spop (v2sf)  }
0x295: {  	v5 =	vshra.s32 v5, $0x2;
	v6 =	vld [tilespmem:s30+$0x4000];
	v1 =	vadd.f32 v1, v2;
	s10 =	spop (v2sf)  }
0x296: {  	(v2sf) =	vpush v5, $0x5;
	v2 =	vld [tilespmem:s10+$0x4000];
	s11 =	spop (v2sf)  }
0x297: {  	v8 =	vadd.f32 v8, v9;
	v7 =	vadd.f32 v7, v10;
	v12 =	vmul.f32 $9.999999770e-03, v1;
	v13 =	vld [tilespmem:s11+$0x4000]  }
0x298: {  	(v2sf) =	vpush v5, $0x4;
	s31 =	spop (v2sf);
	v3 =	vadd.f32 v3, v4;
	v4 =	vld [tilespmem:s0+$0x4000]  }
0x299: {  	(v2sf) =	vpush v5, $0x3;
	v7 =	vadd.f32 v7, v8;
	v9 =	vld [tilespmem:s31+$0x4000];
	s5 =	spop (v2sf);
	v1 =	vmax.f32 v1, v12  }
0x29a: {  	[tilespmem:s19+$0x10] =	vst v1;
	v1 =	vld [tilespmem:s5+$0x4000]  }
0x29b: {  	(v2sf) =	vpush v5, $0x0;
	v3 =	vadd.f32 v3, v7;
	v7 =	vld [tilespmem:s26+$0x4020]  }
0x29c: {  	(v2sf) =	vpush v5, $0x2;
	v8 =	vld [tilespmem:s25+$0x4020]  }
0x29d: {  	(v2sf) =	vpush v5, $0x1;
	v12 =	vld [tilespmem:s23+$0x4020]  }
0x29e: {  	(v2sf) =	vpush v5, $0x6;
	v5 =	vld [tilespmem:s21+$0x4020];
	v10 =	vmul.f32 $9.999999770e-03, v3  }
0x29f: {  	v2 =	vadd.f32 v4, v2;
	v4 =	vld [tilespmem:s22+$0x4020]  }
0x2a0: {  	v9 =	vadd.f32 v11, v9;
	v3 =	vmax.f32 v3, v10;
	v11 =	vld [tilespmem:s28+$0x4020]  }
0x2a1: {  	v6 =	vadd.f32 v6, v13;
	[tilespmem:s19+$0xFFFFFFE0] =	vst v3;
	v3 =	vld [tilespmem:s24+$0x4020]  }
0x2a2: {  	v1 =	vadd.f32 v1, v9;
	v9 =	vld [tilespmem:s7+$0x4030]  }
0x2a3: {  	v2 =	vadd.f32 v6, v2;
	v10 =	vld [tilespmem:s6+$0x4030]  }
0x2a4: {  	v13 =	vld [tilespmem:s12+$0x4030]  }
0x2a5: {  	v14 =	vld [tilespmem:s17+$0x4030];
	v2 =	vadd.f32 v1, v2  }
0x2a6: {  	s7 =	spop (v2sf);
	v1 =	vld [tilespmem:s9+$0x4030]  }
0x2a7: {  	v15 =	vld [tilespmem:s7+$0x4000];
	s9 =	spop (v2sf);
	v6 =	vmul.f32 $9.999999770e-03, v2  }
0x2a8: {  	v16 =	vld [tilespmem:s9+$0x4000];
	s12 =	spop (v2sf)  }
0x2a9: {  	s1 =	simm.s32 $0x13940;
	v17 =	vadd.f32 v12, v8;
	v8 =	vld [tilespmem:s12+$0x4000];
	v2 =	vmax.f32 v2, v6  }
0x2aa: {  	v4 =	vadd.f32 v5, v4;
	[tilespmem:s1+$0xFFFFFFC0] =	vst v2;
	v2 =	vld [tilespmem:s16+$0x4030]  }
0x2ab: {  	s16 =	spop (v2sf);
	v6 =	vld [tilespmem:s0+$0x4010]  }
0x2ac: {  	v7 =	vadd.f32 v11, v7;
	v5 =	vadd.f32 v3, v4;
	s15 =	spop (v2sf);
	v11 =	vld [tilespmem:s16+$0x4000]  }
0x2ad: {  	v3 =	vadd.f32 v10, v9;
	v4 =	vadd.f32 v14, v13;
	v10 =	vld [tilespmem:s10+$0x4010];
	s17 =	spop (v2sf)  }
0x2ae: {  	s4 =	simm.s32 $0x2;
	s6 =	simm.s32 $0x40;
	v7 =	vadd.f32 v17, v7;
	v9 =	vadd.f32 v15, v16;
	s13 =	spop (v2sf);
	v12 =	vld [tilespmem:s17+$0x4000]  }
.LBB2_12:
0x2af: {  	s2 =	sand.u32 $0x7E0, s6;
	s4 =	sadd.s32 $0x2, s4;
	v13 =	vld [tilespmem:s30+$0x4010]  }
0x2b0: {  	p0 =	slt.u32 s4, $0x7E;
	v14 =	vld [tilespmem:s15+$0x4000];
	v5 =	vadd.f32 v5, v7  }
0x2b1: {  	v7 =	vld [tilespmem:s11+$0x4010]  }
0x2b2: {  	v15 =	vld [tilespmem:s31+$0x4010];
	v6 =	vadd.f32 v6, v10;
	v10 =	vmul.f32 $9.999999770e-03, v5  }
0x2b3: {  	v16 =	vld [tilespmem:s13+$0x4000];
	v11 =	vadd.f32 v12, v11  }
0x2b4: {  	v12 =	vld [tilespmem:s29+$0x4010];
	v5 =	vmax.f32 v5, v10  }
0x2b5: {  	v10 =	vld [tilespmem:s5+$0x4010];
	v8 =	vadd.f32 v8, v14;
	[tilespmem:s19+$0x20] =	vst v5  }
0x2b6: {  	v5 =	vld [tilespmem:s2+$0x18800];
	v7 =	vadd.f32 v13, v7  }
0x2b7: {  	v8 =	vadd.f32 v8, v11;
	v11 =	vld [tilespmem:s26+$0x4030];
	s26 =	smov.u32 s16  }
0x2b8: {  	v13 =	vld [tilespmem:s28+$0x4030];
	s28 =	smov.u32 s17  }
0x2b9: {  	v9 =	vadd.f32 v16, v9;
	v12 =	vadd.f32 v12, v15;
	v14 =	vld [tilespmem:s25+$0x4030];
	s25 =	smov.u32 s15  }
0x2ba: {  	s3 =	sadd.s32 $0x20, s3;
	v15 =	vld [tilespmem:s23+$0x4030];
	s23 =	smov.u32 s12  }
0x2bb: {  	v8 =	vadd.f32 v9, v8;
	v5 =	vshll.u32 v5, $0x9;
	v10 =	vadd.f32 v10, v12;
	v9 =	vld [tilespmem:s22+$0x4030];
	s22 =	smov.u32 s9  }
0x2bc: {  	v3 =	vadd.f32 v4, v3;
	v6 =	vadd.f32 v7, v6;
	v5 =	vshra.s32 v5, $0x2;
	v4 =	vld [tilespmem:s21+$0x4030];
	s21 =	smov.u32 s7  }
0x2bd: {  	v7 =	vmul.f32 $9.999999770e-03, v8;
	(v2sf) =	vpush v5, $0x5;
	v12 =	vld [tilespmem:s24+$0x4030];
	v11 =	vadd.f32 v13, v11;
	s24 =	smov.u32 s13  }
0x2be: {  	v6 =	vadd.f32 v10, v6;
	(v2sf) =	vpush v5, $0x3;
	v10 =	vld [tilespmem:s20+$0x4030];
	s20 =	smov.u32 s5  }
0x2bf: {  	v7 =	vmax.f32 v8, v7;
	v13 =	vld [tilespmem:s3+$0x0];
	(v2sf) =	vpush v5, $0x1;
	v8 =	vadd.f32 v15, v14  }
0x2c0: {  	v1 =	vadd.f32 v2, v1;
	v14 =	vmul.f32 $9.999999770e-03, v6;
	(v2sf) =	vpush v5, $0x0;
	[tilespmem:s1+$0x0] =	vst v7  }
0x2c1: {  	(v2sf) =	vpush v5, $0x2;
	v2 =	vld [tilespmem:s26+$0x4010];
	v4 =	vadd.f32 v4, v9  }
0x2c2: {  	v6 =	vmax.f32 v6, v14;
	v8 =	vadd.f32 v8, v11;
	(v2sf) =	vpush v5, $0x4;
	v7 =	vld [tilespmem:s28+$0x4010]  }
0x2c3: {  	[tilespmem:s1+$0xFFFFFFD0] =	vst v6;
	v6 =	vld [tilespmem:s25+$0x4010];
	v1 =	vadd.f32 v10, v1;
	v4 =	vadd.f32 v12, v4  }
0x2c4: {  	(v2sf) =	vpush v5, $0x6;
	v5 =	vld [tilespmem:s23+$0x4010]  }
0x2c5: {  	v9 =	vld [tilespmem:s22+$0x4010];
	v1 =	vadd.f32 v1, v3;
	v3 =	vadd.f32 v4, v8  }
0x2c6: {  	v4 =	vld [tilespmem:s21+$0x4010]  }
0x2c7: {  	v8 =	vld [tilespmem:s24+$0x4010];
	v2 =	vadd.f32 v7, v2;
	v7 =	vmul.f32 $9.999999770e-03, v1;
	v10 =	vmul.f32 $9.999999770e-03, v3  }
0x2c8: {  	v11 =	vld [tilespmem:s10+$0x4020]  }
0x2c9: {  	v12 =	vld [tilespmem:s11+$0x4020];
	v5 =	vadd.f32 v5, v6;
	v1 =	vmax.f32 v1, v7;
	v3 =	vmax.f32 v3, v10  }
0x2ca: {  	v6 =	vld [tilespmem:s31+$0x4020];
	[tilespmem:s19+$0x30] =	vst v3  }
0x2cb: {  	v3 =	vshll.u32 v13, $0x9;
	v7 =	vld [tilespmem:s29+$0x4020];
	v4 =	vadd.f32 v4, v9;
	[tilespmem:s19+$0xFFFFFFF0] =	vst v1;
	s19 =	smov.u32 s1  }
0x2cc: {  	v1 =	vshra.s32 v3, $0x2;
	v2 =	vadd.f32 v5, v2;
	s18 =	spop (v2sf);
	v3 =	vld [tilespmem:s30+$0x4020]  }
0x2cd: {  	s8 =	spop (v2sf);
	(v2sf) =	vpush v1, $0x5;
	v5 =	vld [tilespmem:s0+$0x4020];
	v4 =	vadd.f32 v8, v4  }
0x2ce: {  	s2 =	spop (v2sf);
	(v2sf) =	vpush v1, $0x4;
	v8 =	vld [tilespmem:s20+$0x4020]  }
0x2cf: {  	v9 =	vld [tilespmem:s8+$0x4000];
	s9 =	spop (v2sf);
	(v2sf) =	vpush v1, $0x3;
	v2 =	vadd.f32 v4, v2  }
0x2d0: {  	v4 =	vld [tilespmem:s9+$0x4000];
	s14 =	spop (v2sf);
	(v2sf) =	vpush v1, $0x0;
	v6 =	vadd.f32 v7, v6  }
0x2d1: {  	v7 =	vld [tilespmem:s18+$0x4000];
	s13 =	spop (v2sf);
	(v2sf) =	vpush v1, $0x2;
	v10 =	vmul.f32 $9.999999770e-03, v2  }
0x2d2: {  	v3 =	vadd.f32 v3, v12;
	v13 =	vld [tilespmem:s14+$0x4000];
	v5 =	vadd.f32 v5, v11  }
0x2d3: {  	v11 =	vld [tilespmem:s13+$0x4000];
	s5 =	spop (v2sf);
	(v2sf) =	vpush v1, $0x1;
	v6 =	vadd.f32 v8, v6;
	v2 =	vmax.f32 v2, v10  }
0x2d4: {  	s1 =	sadd.s32 $0x100, s1;
	v8 =	vld [tilespmem:s2+$0x4000];
	(v2sf) =	vpush v1, $0x6;
	v1 =	vadd.f32 v3, v5;
	[tilespmem:s19+$0x10] =	vst v2  }
0x2d5: {  	v2 =	vld [tilespmem:s5+$0x4000]  }
0x2d6: {  	v1 =	vadd.f32 v6, v1;
	v10 =	vld [tilespmem:s26+$0x4020]  }
0x2d7: {  	v3 =	vadd.f32 v9, v13;
	v5 =	vld [tilespmem:s25+$0x4020]  }
0x2d8: {  	v6 =	vadd.f32 v7, v11;
	v7 =	vmul.f32 $9.999999770e-03, v1;
	v9 =	vld [tilespmem:s23+$0x4020]  }
0x2d9: {  	v4 =	vadd.f32 v8, v4;
	v8 =	vld [tilespmem:s22+$0x4020]  }
0x2da: {  	v2 =	vadd.f32 v2, v6;
	v1 =	vmax.f32 v1, v7;
	v6 =	vld [tilespmem:s21+$0x4020]  }
0x2db: {  	v3 =	vadd.f32 v3, v4;
	[tilespmem:s19+$0xFFFFFFE0] =	vst v1;
	v4 =	vld [tilespmem:s24+$0x4020]  }
0x2dc: {  	s7 =	spop (v2sf);
	v7 =	vld [tilespmem:s10+$0x4030];
	s10 =	smov.u32 s9  }
0x2dd: {  	v2 =	vadd.f32 v2, v3;
	s9 =	spop (v2sf);
	v3 =	vld [tilespmem:s0+$0x4030];
	v13 =	vadd.f32 v9, v5;
	s0 =	smov.u32 s2  }
0x2de: {  	s12 =	spop (v2sf);
	v9 =	vld [tilespmem:s11+$0x4030];
	s11 =	smov.u32 s14  }
0x2df: {  	v5 =	vmul.f32 $9.999999770e-03, v2;
	s16 =	spop (v2sf);
	v11 =	vld [tilespmem:s30+$0x4030];
	v6 =	vadd.f32 v6, v8;
	s30 =	smov.u32 s8  }
0x2e0: {  	s15 =	spop (v2sf);
	v1 =	vld [tilespmem:s31+$0x4030];
	s31 =	smov.u32 s13  }
0x2e1: {  	v2 =	vmax.f32 v2, v5;
	v14 =	vld [tilespmem:s7+$0x4000];
	v5 =	vadd.f32 v4, v6  }
0x2e2: {  	[tilespmem:s1+$0xFFFFFFC0] =	vst v2;
	s17 =	spop (v2sf);
	v3 =	vadd.f32 v3, v7;
	v7 =	vld [tilespmem:s28+$0x4020]  }
0x2e3: {  	v6 =	vld [tilespmem:s0+$0x4010];
	s13 =	spop (v2sf)  }
0x2e4: {  	v15 =	vld [tilespmem:s9+$0x4000];
	v4 =	vadd.f32 v11, v9  }
.Ltmp5:
0x2e5: {  	v2 =	vld [tilespmem:s29+$0x4030];
	s29 =	smov.u32 s18;
	(pc) =	sbr.rel @p0 .LBB2_12-.Ltmp5, $4  }
0x2e6: {  	v8 =	vld [tilespmem:s12+$0x4000]  }
0x2e7: {  	v11 =	vld [tilespmem:s16+$0x4000];
	v7 =	vadd.f32 v7, v10  }
0x2e8: {  	v10 =	vld [tilespmem:s10+$0x4010]  }
0x2e9: {  	s6 =	sadd.s32 $0x20, s6;
	v12 =	vld [tilespmem:s17+$0x4000];
	v9 =	vadd.f32 v14, v15;
	v7 =	vadd.f32 v13, v7  }
0x2ea: {  	v13 =	vld [tilespmem:s15+$0x4000];
	_ =	sdelay $0x1  }
0x2eb: {  	v14 =	vld [tilespmem:s13+$0x4000];
	_ =	sdelay $0x2  }
0x2ec: {  	v11 =	vadd.f32 v12, v11;
	v8 =	vadd.f32 v8, v13;
	_ =	sdelay $0x1  }
0x2ed: {  	v9 =	vadd.f32 v14, v9;
	v8 =	vadd.f32 v8, v11;
	_ =	sdelay $0x1  }
0x2ee: {  	v8 =	vadd.f32 v9, v8  }
0x2ef: {  	v54 =	vld [tilespmem:s30+$0x4010]  }
0x2f0: {  	v55 =	vld [tilespmem:s11+$0x4010];
	v56 =	vmul.f32 $9.999999770e-03, v8  }
0x2f1: {  	v57 =	vld [tilespmem:s31+$0x4010]  }
0x2f2: {  	v58 =	vld [tilespmem:s29+$0x4010];
	v8 =	vmax.f32 v8, v56  }
0x2f3: {  	v59 =	vld [tilespmem:s5+$0x4010];
	[tilespmem:s1+$0x0] =	vst v8  }
0x2f4: {  	v8 =	vld [tilespmem:s16+$0x4010]  }
0x2f5: {  	v15 =	vld [tilespmem:s17+$0x4010]  }
0x2f6: {  	v6 =	vadd.f32 v6, v10;
	v60 =	vld [tilespmem:s15+$0x4010]  }
0x2f7: {  	v61 =	vadd.f32 v58, v57;
	v9 =	vadd.f32 v54, v55;
	v62 =	vld [tilespmem:s12+$0x4010]  }
0x2f8: {  	v63 =	vld [tilespmem:s9+$0x4010]  }
0x2f9: {  	v11 =	vadd.f32 v59, v61;
	v6 =	vadd.f32 v9, v6;
	v16 =	vld [tilespmem:s7+$0x4010];
	_ =	sdelay $0x1  }
0x2fa: {  	v6 =	vadd.f32 v11, v6;
	v17 =	vld [tilespmem:s13+$0x4010];
	_ =	sdelay $0x1  }
0x2fb: {  	v18 =	vmul.f32 $9.999999770e-03, v6;
	v8 =	vadd.f32 v15, v8  }
0x2fc: {  	v10 =	vadd.f32 v62, v60;
	v9 =	vadd.f32 v16, v63  }
0x2fd: {  	v6 =	vmax.f32 v6, v18  }
0x2fe: {  	v44 =	vld [tilespmem:s20+$0x4030];
	[tilespmem:s1+$0xFFFFFFD0] =	vst v6;
	v19 =	vadd.f32 v10, v8;
	v20 =	vadd.f32 v17, v9  }
0x2ff: {  	v21 =	vld [tilespmem:s10+$0x4020]  }
0x300: {  	v22 =	vld [tilespmem:s11+$0x4020];
	v6 =	vadd.f32 v20, v19  }
0x301: {  	v23 =	vld [tilespmem:s31+$0x4020]  }
0x302: {  	v24 =	vld [tilespmem:s29+$0x4020];
	v25 =	vmul.f32 $9.999999770e-03, v6  }
0x303: {  	v26 =	vld [tilespmem:s30+$0x4020]  }
0x304: {  	v27 =	vld [tilespmem:s0+$0x4020];
	v6 =	vmax.f32 v6, v25  }
0x305: {  	v28 =	vld [tilespmem:s5+$0x4020];
	[tilespmem:s1+$0x10] =	vst v6  }
0x306: {  	v5 =	vadd.f32 v5, v7;
	v6 =	vld [tilespmem:s16+$0x4020]  }
0x307: {  	v29 =	vld [tilespmem:s15+$0x4020]  }
0x308: {  	v30 =	vmul.f32 $9.999999770e-03, v5;
	v16 =	vld [tilespmem:s12+$0x4020]  }
0x309: {  	v8 =	vadd.f32 v24, v23;
	v17 =	vld [tilespmem:s9+$0x4020]  }
0x30a: {  	v5 =	vmax.f32 v5, v30;
	v32 =	vadd.f32 v27, v21;
	v33 =	vadd.f32 v26, v22;
	v31 =	vld [tilespmem:s7+$0x4020]  }
0x30b: {  	[tilespmem:s19+$0x20] =	vst v5;
	v34 =	vld [tilespmem:s17+$0x4020]  }
0x30c: {  	v35 =	vld [tilespmem:s26+$0x4030];
	v8 =	vadd.f32 v28, v8;
	v5 =	vadd.f32 v33, v32  }
0x30d: {  	v36 =	vld [tilespmem:s13+$0x4020]  }
0x30e: {  	v37 =	vld [tilespmem:s28+$0x4030];
	v5 =	vadd.f32 v8, v5  }
0x30f: {  	v38 =	vld [tilespmem:s25+$0x4030];
	v7 =	vadd.f32 v16, v29  }
0x310: {  	v39 =	vld [tilespmem:s23+$0x4030];
	v41 =	vmul.f32 $9.999999770e-03, v5;
	v11 =	vadd.f32 v31, v17;
	v6 =	vadd.f32 v34, v6  }
0x311: {  	v40 =	vld [tilespmem:s22+$0x4030]  }
0x312: {  	v42 =	vld [tilespmem:s21+$0x4030];
	v5 =	vmax.f32 v5, v41;
	v9 =	vadd.f32 v36, v11;
	v6 =	vadd.f32 v7, v6  }
0x313: {  	v43 =	vld [tilespmem:s24+$0x4030];
	[tilespmem:s1+$0xFFFFFFE0] =	vst v5  }
0x314: {  	v46 =	vld [tilespmem:s10+$0x4030];
	v45 =	vadd.f32 v9, v6  }
0x315: {  	v47 =	vld [tilespmem:s0+$0x4030]  }
0x316: {  	v49 =	vld [tilespmem:s11+$0x4030];
	v48 =	vmul.f32 $9.999999770e-03, v45  }
0x317: {  	v18 =	vld [tilespmem:s30+$0x4030]  }
0x318: {  	v50 =	vld [tilespmem:s31+$0x4030];
	v5 =	vmax.f32 v45, v48  }
0x319: {  	v55 =	vld [tilespmem:s29+$0x4030];
	[tilespmem:s1+$0x20] =	vst v5  }
0x31a: {  	v5 =	vld [tilespmem:s16+$0x4030]  }
0x31b: {  	v19 =	vld [tilespmem:s17+$0x4030]  }
0x31c: {  	v1 =	vadd.f32 v2, v1;
	v12 =	vadd.f32 v37, v35;
	v20 =	vld [tilespmem:s15+$0x4030]  }
0x31d: {  	v2 =	vadd.f32 v42, v40;
	v8 =	vadd.f32 v39, v38;
	v51 =	vld [tilespmem:s12+$0x4030]  }
0x31e: {  	v3 =	vadd.f32 v4, v3;
	v1 =	vadd.f32 v44, v1;
	v52 =	vld [tilespmem:s9+$0x4030]  }
0x31f: {  	v2 =	vadd.f32 v43, v2;
	v53 =	vadd.f32 v8, v12;
	v54 =	vld [tilespmem:s7+$0x4030]  }
0x320: {  	v1 =	vadd.f32 v1, v3;
	v3 =	vld [tilespmem:s5+$0x4030]  }
0x321: {  	v2 =	vadd.f32 v2, v53;
	v56 =	vld [tilespmem:s13+$0x4030]  }
0x322: {  	v57 =	vadd.f32 v47, v46;
	v59 =	vadd.f32 v18, v49  }
0x323: {  	v7 =	vadd.f32 v55, v50;
	v5 =	vadd.f32 v19, v5  }
0x324: {  	v58 =	vadd.f32 v51, v20;
	v8 =	vadd.f32 v54, v52  }
0x325: {  	v4 =	vadd.f32 v59, v57;
	v3 =	vadd.f32 v3, v7  }
0x326: {  	v61 =	vmul.f32 $9.999999770e-03, v2;
	v5 =	vadd.f32 v58, v5;
	v60 =	vadd.f32 v56, v8  }
0x327: {  	v3 =	vadd.f32 v3, v4  }
0x328: {  	v62 =	vmul.f32 $9.999999770e-03, v1;
	v2 =	vmax.f32 v2, v61;
	v5 =	vadd.f32 v60, v5  }
0x329: {  	[tilespmem:s19+$0x30] =	vst v2;
	v2 =	vmul.f32 $9.999999770e-03, v3  }
0x32a: {  	v1 =	vmax.f32 v1, v62;
	v63 =	vmul.f32 $9.999999770e-03, v5  }
0x32b: {  	[tilespmem:s19+$0xFFFFFFF0] =	vst v1;
	v2 =	vmax.f32 v3, v2  }
0x32c: {  	[tilespmem:s1+$0xFFFFFFF0] =	vst v2;
	v1 =	vmax.f32 v5, v63  }
0x32d: {  	[tilespmem:s1+$0x30] =	vst v1  }
0x32e: {  	s2 =	simm.s32 $0x13900;
	s4 =	simm.s32 $0x0;
	s5 =	rddreg [dreg:$0xa]  }
0x32f: {  	s0 =	simm.s32 $0x13800;
	s1 =	simm.s32 $0x10;
	s3 =	sadd.s32 $0x0, s5  }
.LBB2_14:
0x330: {  	[hbm4b:s3+s4] =	stream.linear.scatter [tilespmem:s0], [sflag:$0x1], $0x80, $0x38;
	[tilespmem:$0x19800] =	vst v63  }
0x331: {  	s3 =	smov.u32 s1;
	s0 =	smov.u32 s2;
	p0 =	sne.s32 s1, $0x3F0  }
.Ltmp6:
0x332: {  	s1 =	sadd.s32 $0x10, s1;
	(pc) =	sbr.rel @p0 .LBB2_14-.Ltmp6, $2  }
0x333: {  	_ =	sdelay $0x2  }
0x334: {  	s2 =	sadd.s32 $0x100, s2;
	s3 =	sadd.s32 s3, s5  }
0x335: {  	[hbm4b:s3+s4] =	stream.linear.scatter [tilespmem:s0], [sflag:$0x1], $0x80, $0x38;
	[tilespmem:$0x19800] =	vst v63  }
0x336: {  	s1 =	simm.s32 $0x2  }
0x337: {  	_ =	swait.ge [sflag:s1], $0x2000  }
0x338: {  	s14 =	simm.s32 $0x0;
	[sflag:s1] =	ssyncset.done $0x0  }
0x339: {  	s0 =	sand.u32 $0x7E0, s14;
	[sflag:s1] =	ssyncadd.s32 $0xFFFFE000  }
0x33a: {  	v1 =	vld [tilespmem:s0+$0x19000];
	_ =	sdelay $0x4  }
0x33b: {  	v1 =	vshll.u32 v1, $0x9  }
0x33c: {  	v1 =	vshra.s32 v1, $0x2  }
0x33d: {  	(v2sf) =	vpush v1, $0x5  }
0x33e: {  	(v2sf) =	vpush v1, $0x3  }
0x33f: {  	(v2sf) =	vpush v1, $0x1  }
0x340: {  	(v2sf) =	vpush v1, $0x0  }
0x341: {  	(v2sf) =	vpush v1, $0x2  }
0x342: {  	(v2sf) =	vpush v1, $0x4;
	_ =	sdelay $0x1  }
0x343: {  	s15 =	simm.s32 $0x19010;
	(v2sf) =	vpush v1, $0x6  }
0x344: {  	v1 =	vld [tilespmem:s15+$0x0];
	_ =	sdelay $0x4  }
0x345: {  	v1 =	vshll.u32 v1, $0x9  }
0x346: {  	v1 =	vshra.s32 v1, $0x2  }
0x347: {  	s16 =	spop (v2sf);
	(v2sf) =	vpush v1, $0x5  }
0x348: {  	s17 =	spop (v2sf);
	v4 =	vld [tilespmem:s16+$0x4000];
	(v2sf) =	vpush v1, $0x4  }
0x349: {  	s6 =	spop (v2sf);
	v2 =	vld [tilespmem:s17+$0x4000];
	(v2sf) =	vpush v1, $0x3  }
0x34a: {  	s7 =	spop (v2sf);
	v7 =	vld [tilespmem:s6+$0x4000]  }
0x34b: {  	(v2sf) =	vpush v1, $0x0;
	v3 =	vld [tilespmem:s7+$0x4000];
	s12 =	spop (v2sf)  }
0x34c: {  	(v2sf) =	vpush v1, $0x2;
	s9 =	spop (v2sf);
	v5 =	vld [tilespmem:s12+$0x4000]  }
0x34d: {  	v6 =	vld [tilespmem:s9+$0x4000]  }
0x34e: {  	(v2sf) =	vpush v1, $0x1;
	s20 =	spop (v2sf)  }
0x34f: {  	v8 =	vld [tilespmem:s20+$0x4000];
	_ =	sdelay $0x1  }
0x350: {  	(v2sf) =	vpush v1, $0x6;
	v3 =	vadd.f32 v7, v3  }
0x351: {  	v2 =	vadd.f32 v2, v5;
	v4 =	vadd.f32 v4, v6;
	_ =	sdelay $0x1  }
0x352: {  	v2 =	vadd.f32 v2, v3;
	v1 =	vadd.f32 v8, v4;
	_ =	sdelay $0x1  }
0x353: {  	v1 =	vadd.f32 v1, v2;
	s21 =	spop (v2sf)  }
0x354: {  	s22 =	spop (v2sf)  }
0x355: {  	v2 =	vmul.f32 $9.999999770e-03, v1;
	s23 =	spop (v2sf);
	v3 =	vld [tilespmem:s22+$0x4000]  }
0x356: {  	v4 =	vld [tilespmem:s23+$0x4000]  }
0x357: {  	s26 =	spop (v2sf);
	v1 =	vmax.f32 v1, v2;
	v2 =	vld [tilespmem:s21+$0x4000]  }
0x358: {  	s19 =	simm.s32 $0x138F0;
	s25 =	spop (v2sf);
	v5 =	vld [tilespmem:s26+$0x4000]  }
0x359: {  	[tilespmem:s19+$0xFFFFFF90] =	vst v1;
	v7 =	vld [tilespmem:s25+$0x4000]  }
0x35a: {  	s28 =	spop (v2sf);
	v1 =	vld [tilespmem:s6+$0x4010]  }
0x35b: {  	v6 =	vld [tilespmem:s28+$0x4000]  }
0x35c: {  	v8 =	vld [tilespmem:s7+$0x4010]  }
0x35d: {  	s24 =	spop (v2sf);
	v10 =	vld [tilespmem:s17+$0x4010]  }
0x35e: {  	s18 =	simm.s32 $0x20;
	v9 =	vld [tilespmem:s24+$0x4000]  }
0x35f: {  	s0 =	sand.u32 $0x7E0, s18;
	v11 =	vld [tilespmem:s9+$0x4010]  }
0x360: {  	v2 =	vadd.f32 v2, v3;
	v3 =	vld [tilespmem:s0+$0x19000]  }
0x361: {  	v4 =	vadd.f32 v4, v7;
	v7 =	vld [tilespmem:s12+$0x4010];
	v5 =	vadd.f32 v6, v5  }
0x362: {  	v6 =	vld [tilespmem:s16+$0x4010]  }
0x363: {  	v2 =	vadd.f32 v9, v2;
	v4 =	vadd.f32 v4, v5;
	_ =	sdelay $0x1  }
0x364: {  	v5 =	vld [tilespmem:s20+$0x4010];
	v3 =	vshll.u32 v3, $0x9;
	v2 =	vadd.f32 v2, v4  }
0x365: {  	v1 =	vadd.f32 v1, v8;
	v3 =	vshra.s32 v3, $0x2  }
0x366: {  	v7 =	vadd.f32 v10, v7;
	v4 =	vadd.f32 v6, v11;
	v6 =	vmul.f32 $9.999999770e-03, v2  }
0x367: {  	(v2sf) =	vpush v3, $0x5  }
0x368: {  	s3 =	simm.s32 $0x19030;
	(v2sf) =	vpush v3, $0x3;
	v1 =	vadd.f32 v7, v1;
	v2 =	vmax.f32 v2, v6  }
0x369: {  	v4 =	vadd.f32 v5, v4;
	(v2sf) =	vpush v3, $0x1;
	v5 =	vld [tilespmem:s3+$0x0];
	[tilespmem:s19+$0xFFFFFFD0] =	vst v2  }
0x36a: {  	(v2sf) =	vpush v3, $0x0;
	v2 =	vld [tilespmem:s26+$0x4010]  }
0x36b: {  	v1 =	vadd.f32 v4, v1;
	(v2sf) =	vpush v3, $0x2;
	v4 =	vld [tilespmem:s28+$0x4010]  }
0x36c: {  	v6 =	vld [tilespmem:s25+$0x4010]  }
0x36d: {  	(v2sf) =	vpush v3, $0x4;
	v8 =	vld [tilespmem:s23+$0x4010];
	v7 =	vmul.f32 $9.999999770e-03, v1  }
0x36e: {  	(v2sf) =	vpush v3, $0x6;
	v3 =	vld [tilespmem:s22+$0x4010]  }
0x36f: {  	v1 =	vmax.f32 v1, v7;
	v7 =	vld [tilespmem:s21+$0x4010]  }
0x370: {  	[tilespmem:s19+$0xFFFFFFA0] =	vst v1;
	v1 =	vld [tilespmem:s24+$0x4010]  }
0x371: {  	v9 =	vld [tilespmem:s7+$0x4020]  }
0x372: {  	v11 =	vld [tilespmem:s9+$0x4020]  }
0x373: {  	v2 =	vadd.f32 v4, v2;
	v4 =	vld [tilespmem:s16+$0x4020]  }
0x374: {  	v10 =	vld [tilespmem:s12+$0x4020]  }
0x375: {  	v6 =	vadd.f32 v8, v6;
	v8 =	vld [tilespmem:s6+$0x4020];
	v3 =	vadd.f32 v7, v3  }
0x376: {  	v7 =	vld [tilespmem:s17+$0x4020];
	s29 =	spop (v2sf)  }
0x377: {  	v2 =	vadd.f32 v6, v2;
	v1 =	vadd.f32 v1, v3;
	v3 =	vld [tilespmem:s20+$0x4020];
	s30 =	spop (v2sf)  }
0x378: {  	v5 =	vshll.u32 v5, $0x9;
	v4 =	vadd.f32 v4, v11;
	v11 =	vld [tilespmem:s29+$0x4000];
	s0 =	spop (v2sf)  }
0x379: {  	v5 =	vshra.s32 v5, $0x2;
	v6 =	vld [tilespmem:s30+$0x4000];
	v1 =	vadd.f32 v1, v2;
	s10 =	spop (v2sf)  }
0x37a: {  	(v2sf) =	vpush v5, $0x5;
	v2 =	vld [tilespmem:s10+$0x4000];
	s11 =	spop (v2sf)  }
0x37b: {  	v8 =	vadd.f32 v8, v9;
	v7 =	vadd.f32 v7, v10;
	v12 =	vmul.f32 $9.999999770e-03, v1;
	v13 =	vld [tilespmem:s11+$0x4000]  }
0x37c: {  	(v2sf) =	vpush v5, $0x4;
	s31 =	spop (v2sf);
	v3 =	vadd.f32 v3, v4;
	v4 =	vld [tilespmem:s0+$0x4000]  }
0x37d: {  	(v2sf) =	vpush v5, $0x3;
	v7 =	vadd.f32 v7, v8;
	v9 =	vld [tilespmem:s31+$0x4000];
	s5 =	spop (v2sf);
	v1 =	vmax.f32 v1, v12  }
0x37e: {  	[tilespmem:s19+$0xFFFFFFE0] =	vst v1;
	v1 =	vld [tilespmem:s5+$0x4000]  }
0x37f: {  	(v2sf) =	vpush v5, $0x0;
	v3 =	vadd.f32 v3, v7;
	v7 =	vld [tilespmem:s26+$0x4020]  }
0x380: {  	(v2sf) =	vpush v5, $0x2;
	v8 =	vld [tilespmem:s25+$0x4020]  }
0x381: {  	(v2sf) =	vpush v5, $0x1;
	v12 =	vld [tilespmem:s23+$0x4020]  }
0x382: {  	(v2sf) =	vpush v5, $0x6;
	v5 =	vld [tilespmem:s21+$0x4020];
	v10 =	vmul.f32 $9.999999770e-03, v3  }
0x383: {  	v2 =	vadd.f32 v4, v2;
	v4 =	vld [tilespmem:s22+$0x4020]  }
0x384: {  	v9 =	vadd.f32 v11, v9;
	v3 =	vmax.f32 v3, v10;
	v11 =	vld [tilespmem:s28+$0x4020]  }
0x385: {  	v6 =	vadd.f32 v6, v13;
	[tilespmem:s19+$0xFFFFFFB0] =	vst v3;
	v3 =	vld [tilespmem:s24+$0x4020]  }
0x386: {  	v1 =	vadd.f32 v1, v9;
	v9 =	vld [tilespmem:s7+$0x4030]  }
0x387: {  	v2 =	vadd.f32 v6, v2;
	v10 =	vld [tilespmem:s6+$0x4030]  }
0x388: {  	v13 =	vld [tilespmem:s12+$0x4030]  }
0x389: {  	v14 =	vld [tilespmem:s17+$0x4030];
	v2 =	vadd.f32 v1, v2  }
0x38a: {  	s7 =	spop (v2sf);
	v1 =	vld [tilespmem:s9+$0x4030]  }
0x38b: {  	v15 =	vld [tilespmem:s7+$0x4000];
	s9 =	spop (v2sf);
	v6 =	vmul.f32 $9.999999770e-03, v2  }
0x38c: {  	v16 =	vld [tilespmem:s9+$0x4000];
	s12 =	spop (v2sf)  }
0x38d: {  	s1 =	simm.s32 $0x139F0;
	v17 =	vadd.f32 v12, v8;
	v8 =	vld [tilespmem:s12+$0x4000];
	v2 =	vmax.f32 v2, v6  }
0x38e: {  	v4 =	vadd.f32 v5, v4;
	[tilespmem:s1+$0xFFFFFF90] =	vst v2;
	v2 =	vld [tilespmem:s16+$0x4030]  }
0x38f: {  	s16 =	spop (v2sf);
	v6 =	vld [tilespmem:s0+$0x4010]  }
0x390: {  	v7 =	vadd.f32 v11, v7;
	v5 =	vadd.f32 v3, v4;
	s15 =	spop (v2sf);
	v11 =	vld [tilespmem:s16+$0x4000]  }
0x391: {  	v3 =	vadd.f32 v10, v9;
	v4 =	vadd.f32 v14, v13;
	v10 =	vld [tilespmem:s10+$0x4010];
	s17 =	spop (v2sf)  }
0x392: {  	s4 =	simm.s32 $0x2;
	s6 =	simm.s32 $0x40;
	v7 =	vadd.f32 v17, v7;
	v9 =	vadd.f32 v15, v16;
	s13 =	spop (v2sf);
	v12 =	vld [tilespmem:s17+$0x4000]  }
.LBB2_16:
0x393: {  	s2 =	sand.u32 $0x7E0, s6;
	s4 =	sadd.s32 $0x2, s4;
	v13 =	vld [tilespmem:s30+$0x4010]  }
0x394: {  	p0 =	slt.u32 s4, $0x7E;
	v14 =	vld [tilespmem:s15+$0x4000];
	v5 =	vadd.f32 v5, v7  }
0x395: {  	v7 =	vld [tilespmem:s11+$0x4010]  }
0x396: {  	v15 =	vld [tilespmem:s31+$0x4010];
	v6 =	vadd.f32 v6, v10;
	v10 =	vmul.f32 $9.999999770e-03, v5  }
0x397: {  	v16 =	vld [tilespmem:s13+$0x4000];
	v11 =	vadd.f32 v12, v11  }
0x398: {  	v12 =	vld [tilespmem:s29+$0x4010];
	v5 =	vmax.f32 v5, v10  }
0x399: {  	v10 =	vld [tilespmem:s5+$0x4010];
	v8 =	vadd.f32 v8, v14;
	[tilespmem:s19+$0xFFFFFFF0] =	vst v5  }
0x39a: {  	v5 =	vld [tilespmem:s2+$0x19000];
	v7 =	vadd.f32 v13, v7  }
0x39b: {  	v8 =	vadd.f32 v8, v11;
	v11 =	vld [tilespmem:s26+$0x4030];
	s26 =	smov.u32 s16  }
0x39c: {  	v13 =	vld [tilespmem:s28+$0x4030];
	s28 =	smov.u32 s17  }
0x39d: {  	v9 =	vadd.f32 v16, v9;
	v12 =	vadd.f32 v12, v15;
	v14 =	vld [tilespmem:s25+$0x4030];
	s25 =	smov.u32 s15  }
0x39e: {  	s3 =	sadd.s32 $0x20, s3;
	v15 =	vld [tilespmem:s23+$0x4030];
	s23 =	smov.u32 s12  }
0x39f: {  	v8 =	vadd.f32 v9, v8;
	v5 =	vshll.u32 v5, $0x9;
	v10 =	vadd.f32 v10, v12;
	v9 =	vld [tilespmem:s22+$0x4030];
	s22 =	smov.u32 s9  }
0x3a0: {  	v3 =	vadd.f32 v4, v3;
	v6 =	vadd.f32 v7, v6;
	v5 =	vshra.s32 v5, $0x2;
	v4 =	vld [tilespmem:s21+$0x4030];
	s21 =	smov.u32 s7  }
0x3a1: {  	v7 =	vmul.f32 $9.999999770e-03, v8;
	(v2sf) =	vpush v5, $0x5;
	v12 =	vld [tilespmem:s24+$0x4030];
	v11 =	vadd.f32 v13, v11;
	s24 =	smov.u32 s13  }
0x3a2: {  	v6 =	vadd.f32 v10, v6;
	(v2sf) =	vpush v5, $0x3;
	v10 =	vld [tilespmem:s20+$0x4030];
	s20 =	smov.u32 s5  }
0x3a3: {  	v7 =	vmax.f32 v8, v7;
	v13 =	vld [tilespmem:s3+$0x0];
	(v2sf) =	vpush v5, $0x1;
	v8 =	vadd.f32 v15, v14  }
0x3a4: {  	v1 =	vadd.f32 v2, v1;
	v14 =	vmul.f32 $9.999999770e-03, v6;
	(v2sf) =	vpush v5, $0x0;
	[tilespmem:s1+$0xFFFFFFD0] =	vst v7  }
0x3a5: {  	(v2sf) =	vpush v5, $0x2;
	v2 =	vld [tilespmem:s26+$0x4010];
	v4 =	vadd.f32 v4, v9  }
0x3a6: {  	v6 =	vmax.f32 v6, v14;
	v8 =	vadd.f32 v8, v11;
	(v2sf) =	vpush v5, $0x4;
	v7 =	vld [tilespmem:s28+$0x4010]  }
0x3a7: {  	[tilespmem:s1+$0xFFFFFFA0] =	vst v6;
	v6 =	vld [tilespmem:s25+$0x4010];
	v1 =	vadd.f32 v10, v1;
	v4 =	vadd.f32 v12, v4  }
0x3a8: {  	(v2sf) =	vpush v5, $0x6;
	v5 =	vld [tilespmem:s23+$0x4010]  }
0x3a9: {  	v9 =	vld [tilespmem:s22+$0x4010];
	v1 =	vadd.f32 v1, v3;
	v3 =	vadd.f32 v4, v8  }
0x3aa: {  	v4 =	vld [tilespmem:s21+$0x4010]  }
0x3ab: {  	v8 =	vld [tilespmem:s24+$0x4010];
	v2 =	vadd.f32 v7, v2;
	v7 =	vmul.f32 $9.999999770e-03, v1;
	v10 =	vmul.f32 $9.999999770e-03, v3  }
0x3ac: {  	v11 =	vld [tilespmem:s10+$0x4020]  }
0x3ad: {  	v12 =	vld [tilespmem:s11+$0x4020];
	v5 =	vadd.f32 v5, v6;
	v1 =	vmax.f32 v1, v7;
	v3 =	vmax.f32 v3, v10  }
0x3ae: {  	v6 =	vld [tilespmem:s31+$0x4020];
	[tilespmem:s19+$0x0] =	vst v3  }
0x3af: {  	v3 =	vshll.u32 v13, $0x9;
	v7 =	vld [tilespmem:s29+$0x4020];
	v4 =	vadd.f32 v4, v9;
	[tilespmem:s19+$0xFFFFFFC0] =	vst v1;
	s19 =	smov.u32 s1  }
0x3b0: {  	v1 =	vshra.s32 v3, $0x2;
	v2 =	vadd.f32 v5, v2;
	s18 =	spop (v2sf);
	v3 =	vld [tilespmem:s30+$0x4020]  }
0x3b1: {  	s8 =	spop (v2sf);
	(v2sf) =	vpush v1, $0x5;
	v5 =	vld [tilespmem:s0+$0x4020];
	v4 =	vadd.f32 v8, v4  }
0x3b2: {  	s2 =	spop (v2sf);
	(v2sf) =	vpush v1, $0x4;
	v8 =	vld [tilespmem:s20+$0x4020]  }
0x3b3: {  	v9 =	vld [tilespmem:s8+$0x4000];
	s9 =	spop (v2sf);
	(v2sf) =	vpush v1, $0x3;
	v2 =	vadd.f32 v4, v2  }
0x3b4: {  	v4 =	vld [tilespmem:s9+$0x4000];
	s14 =	spop (v2sf);
	(v2sf) =	vpush v1, $0x0;
	v6 =	vadd.f32 v7, v6  }
0x3b5: {  	v7 =	vld [tilespmem:s18+$0x4000];
	s13 =	spop (v2sf);
	(v2sf) =	vpush v1, $0x2;
	v10 =	vmul.f32 $9.999999770e-03, v2  }
0x3b6: {  	v3 =	vadd.f32 v3, v12;
	v13 =	vld [tilespmem:s14+$0x4000];
	v5 =	vadd.f32 v5, v11  }
0x3b7: {  	v11 =	vld [tilespmem:s13+$0x4000];
	s5 =	spop (v2sf);
	(v2sf) =	vpush v1, $0x1;
	v6 =	vadd.f32 v8, v6;
	v2 =	vmax.f32 v2, v10  }
0x3b8: {  	s1 =	sadd.s32 $0x100, s1;
	v8 =	vld [tilespmem:s2+$0x4000];
	(v2sf) =	vpush v1, $0x6;
	v1 =	vadd.f32 v3, v5;
	[tilespmem:s19+$0xFFFFFFE0] =	vst v2  }
0x3b9: {  	v2 =	vld [tilespmem:s5+$0x4000]  }
0x3ba: {  	v1 =	vadd.f32 v6, v1;
	v10 =	vld [tilespmem:s26+$0x4020]  }
0x3bb: {  	v3 =	vadd.f32 v9, v13;
	v5 =	vld [tilespmem:s25+$0x4020]  }
0x3bc: {  	v6 =	vadd.f32 v7, v11;
	v7 =	vmul.f32 $9.999999770e-03, v1;
	v9 =	vld [tilespmem:s23+$0x4020]  }
0x3bd: {  	v4 =	vadd.f32 v8, v4;
	v8 =	vld [tilespmem:s22+$0x4020]  }
0x3be: {  	v2 =	vadd.f32 v2, v6;
	v1 =	vmax.f32 v1, v7;
	v6 =	vld [tilespmem:s21+$0x4020]  }
0x3bf: {  	v3 =	vadd.f32 v3, v4;
	[tilespmem:s19+$0xFFFFFFB0] =	vst v1;
	v4 =	vld [tilespmem:s24+$0x4020]  }
0x3c0: {  	s7 =	spop (v2sf);
	v7 =	vld [tilespmem:s10+$0x4030];
	s10 =	smov.u32 s9  }
0x3c1: {  	v2 =	vadd.f32 v2, v3;
	s9 =	spop (v2sf);
	v3 =	vld [tilespmem:s0+$0x4030];
	v13 =	vadd.f32 v9, v5;
	s0 =	smov.u32 s2  }
0x3c2: {  	s12 =	spop (v2sf);
	v9 =	vld [tilespmem:s11+$0x4030];
	s11 =	smov.u32 s14  }
0x3c3: {  	v5 =	vmul.f32 $9.999999770e-03, v2;
	s16 =	spop (v2sf);
	v11 =	vld [tilespmem:s30+$0x4030];
	v6 =	vadd.f32 v6, v8;
	s30 =	smov.u32 s8  }
0x3c4: {  	s15 =	spop (v2sf);
	v1 =	vld [tilespmem:s31+$0x4030];
	s31 =	smov.u32 s13  }
0x3c5: {  	v2 =	vmax.f32 v2, v5;
	v14 =	vld [tilespmem:s7+$0x4000];
	v5 =	vadd.f32 v4, v6  }
0x3c6: {  	[tilespmem:s1+$0xFFFFFF90] =	vst v2;
	s17 =	spop (v2sf);
	v3 =	vadd.f32 v3, v7;
	v7 =	vld [tilespmem:s28+$0x4020]  }
0x3c7: {  	v6 =	vld [tilespmem:s0+$0x4010];
	s13 =	spop (v2sf)  }
0x3c8: {  	v15 =	vld [tilespmem:s9+$0x4000];
	v4 =	vadd.f32 v11, v9  }
.Ltmp7:
0x3c9: {  	v2 =	vld [tilespmem:s29+$0x4030];
	s29 =	smov.u32 s18;
	(pc) =	sbr.rel @p0 .LBB2_16-.Ltmp7, $4  }
0x3ca: {  	v8 =	vld [tilespmem:s12+$0x4000]  }
0x3cb: {  	v11 =	vld [tilespmem:s16+$0x4000];
	v7 =	vadd.f32 v7, v10  }
0x3cc: {  	v10 =	vld [tilespmem:s10+$0x4010]  }
0x3cd: {  	s6 =	sadd.s32 $0x20, s6;
	v12 =	vld [tilespmem:s17+$0x4000];
	v9 =	vadd.f32 v14, v15;
	v7 =	vadd.f32 v13, v7  }
0x3ce: {  	v13 =	vld [tilespmem:s15+$0x4000];
	_ =	sdelay $0x1  }
0x3cf: {  	v14 =	vld [tilespmem:s13+$0x4000];
	_ =	sdelay $0x2  }
0x3d0: {  	v11 =	vadd.f32 v12, v11;
	v8 =	vadd.f32 v8, v13;
	_ =	sdelay $0x1  }
0x3d1: {  	v9 =	vadd.f32 v14, v9;
	v8 =	vadd.f32 v8, v11;
	_ =	sdelay $0x1  }
0x3d2: {  	v8 =	vadd.f32 v9, v8  }
0x3d3: {  	v54 =	vld [tilespmem:s30+$0x4010]  }
0x3d4: {  	v55 =	vld [tilespmem:s11+$0x4010];
	v56 =	vmul.f32 $9.999999770e-03, v8  }
0x3d5: {  	v57 =	vld [tilespmem:s31+$0x4010]  }
0x3d6: {  	v58 =	vld [tilespmem:s29+$0x4010];
	v8 =	vmax.f32 v8, v56  }
0x3d7: {  	v59 =	vld [tilespmem:s5+$0x4010];
	[tilespmem:s1+$0xFFFFFFD0] =	vst v8  }
0x3d8: {  	v8 =	vld [tilespmem:s16+$0x4010]  }
0x3d9: {  	v15 =	vld [tilespmem:s17+$0x4010]  }
0x3da: {  	v6 =	vadd.f32 v6, v10;
	v60 =	vld [tilespmem:s15+$0x4010]  }
0x3db: {  	v61 =	vadd.f32 v58, v57;
	v9 =	vadd.f32 v54, v55;
	v62 =	vld [tilespmem:s12+$0x4010]  }
0x3dc: {  	v63 =	vld [tilespmem:s9+$0x4010]  }
0x3dd: {  	v11 =	vadd.f32 v59, v61;
	v6 =	vadd.f32 v9, v6;
	v16 =	vld [tilespmem:s7+$0x4010];
	_ =	sdelay $0x1  }
0x3de: {  	v6 =	vadd.f32 v11, v6;
	v17 =	vld [tilespmem:s13+$0x4010];
	_ =	sdelay $0x1  }
0x3df: {  	v18 =	vmul.f32 $9.999999770e-03, v6;
	v8 =	vadd.f32 v15, v8  }
0x3e0: {  	v10 =	vadd.f32 v62, v60;
	v9 =	vadd.f32 v16, v63  }
0x3e1: {  	v6 =	vmax.f32 v6, v18  }
0x3e2: {  	v44 =	vld [tilespmem:s20+$0x4030];
	[tilespmem:s1+$0xFFFFFFA0] =	vst v6;
	v19 =	vadd.f32 v10, v8;
	v20 =	vadd.f32 v17, v9  }
0x3e3: {  	v21 =	vld [tilespmem:s10+$0x4020]  }
0x3e4: {  	v22 =	vld [tilespmem:s11+$0x4020];
	v6 =	vadd.f32 v20, v19  }
0x3e5: {  	v23 =	vld [tilespmem:s31+$0x4020]  }
0x3e6: {  	v24 =	vld [tilespmem:s29+$0x4020];
	v25 =	vmul.f32 $9.999999770e-03, v6  }
0x3e7: {  	v26 =	vld [tilespmem:s30+$0x4020]  }
0x3e8: {  	v27 =	vld [tilespmem:s0+$0x4020];
	v6 =	vmax.f32 v6, v25  }
0x3e9: {  	v28 =	vld [tilespmem:s5+$0x4020];
	[tilespmem:s1+$0xFFFFFFE0] =	vst v6  }
0x3ea: {  	v5 =	vadd.f32 v5, v7;
	v6 =	vld [tilespmem:s16+$0x4020]  }
0x3eb: {  	v29 =	vld [tilespmem:s15+$0x4020]  }
0x3ec: {  	v30 =	vmul.f32 $9.999999770e-03, v5;
	v16 =	vld [tilespmem:s12+$0x4020]  }
0x3ed: {  	v8 =	vadd.f32 v24, v23;
	v17 =	vld [tilespmem:s9+$0x4020]  }
0x3ee: {  	v5 =	vmax.f32 v5, v30;
	v32 =	vadd.f32 v27, v21;
	v33 =	vadd.f32 v26, v22;
	v31 =	vld [tilespmem:s7+$0x4020]  }
0x3ef: {  	[tilespmem:s19+$0xFFFFFFF0] =	vst v5;
	v34 =	vld [tilespmem:s17+$0x4020]  }
0x3f0: {  	v35 =	vld [tilespmem:s26+$0x4030];
	v8 =	vadd.f32 v28, v8;
	v5 =	vadd.f32 v33, v32  }
0x3f1: {  	v36 =	vld [tilespmem:s13+$0x4020]  }
0x3f2: {  	v37 =	vld [tilespmem:s28+$0x4030];
	v5 =	vadd.f32 v8, v5  }
0x3f3: {  	v38 =	vld [tilespmem:s25+$0x4030];
	v7 =	vadd.f32 v16, v29  }
0x3f4: {  	v39 =	vld [tilespmem:s23+$0x4030];
	v41 =	vmul.f32 $9.999999770e-03, v5;
	v11 =	vadd.f32 v31, v17;
	v6 =	vadd.f32 v34, v6  }
0x3f5: {  	v40 =	vld [tilespmem:s22+$0x4030]  }
0x3f6: {  	v42 =	vld [tilespmem:s21+$0x4030];
	v5 =	vmax.f32 v5, v41;
	v9 =	vadd.f32 v36, v11;
	v6 =	vadd.f32 v7, v6  }
0x3f7: {  	v43 =	vld [tilespmem:s24+$0x4030];
	[tilespmem:s1+$0xFFFFFFB0] =	vst v5  }
0x3f8: {  	v46 =	vld [tilespmem:s10+$0x4030];
	v45 =	vadd.f32 v9, v6  }
0x3f9: {  	v47 =	vld [tilespmem:s0+$0x4030]  }
0x3fa: {  	v49 =	vld [tilespmem:s11+$0x4030];
	v48 =	vmul.f32 $9.999999770e-03, v45  }
0x3fb: {  	v18 =	vld [tilespmem:s30+$0x4030]  }
0x3fc: {  	v50 =	vld [tilespmem:s31+$0x4030];
	v5 =	vmax.f32 v45, v48  }
0x3fd: {  	v55 =	vld [tilespmem:s29+$0x4030];
	[tilespmem:s1+$0xFFFFFFF0] =	vst v5  }
0x3fe: {  	v5 =	vld [tilespmem:s16+$0x4030]  }
0x3ff: {  	v19 =	vld [tilespmem:s17+$0x4030]  }
0x400: {  	v1 =	vadd.f32 v2, v1;
	v12 =	vadd.f32 v37, v35;
	v20 =	vld [tilespmem:s15+$0x4030]  }
0x401: {  	v2 =	vadd.f32 v42, v40;
	v8 =	vadd.f32 v39, v38;
	v51 =	vld [tilespmem:s12+$0x4030]  }
0x402: {  	v3 =	vadd.f32 v4, v3;
	v1 =	vadd.f32 v44, v1;
	v52 =	vld [tilespmem:s9+$0x4030]  }
0x403: {  	v2 =	vadd.f32 v43, v2;
	v53 =	vadd.f32 v8, v12;
	v54 =	vld [tilespmem:s7+$0x4030]  }
0x404: {  	v1 =	vadd.f32 v1, v3;
	v3 =	vld [tilespmem:s5+$0x4030]  }
0x405: {  	v2 =	vadd.f32 v2, v53;
	v56 =	vld [tilespmem:s13+$0x4030]  }
0x406: {  	v57 =	vadd.f32 v47, v46;
	v59 =	vadd.f32 v18, v49  }
0x407: {  	v7 =	vadd.f32 v55, v50;
	v5 =	vadd.f32 v19, v5  }
0x408: {  	v58 =	vadd.f32 v51, v20;
	v8 =	vadd.f32 v54, v52  }
0x409: {  	v4 =	vadd.f32 v59, v57;
	v3 =	vadd.f32 v3, v7  }
0x40a: {  	v61 =	vmul.f32 $9.999999770e-03, v2;
	v5 =	vadd.f32 v58, v5;
	v60 =	vadd.f32 v56, v8  }
0x40b: {  	v3 =	vadd.f32 v3, v4  }
0x40c: {  	v62 =	vmul.f32 $9.999999770e-03, v1;
	v2 =	vmax.f32 v2, v61;
	v5 =	vadd.f32 v60, v5  }
0x40d: {  	[tilespmem:s19+$0x0] =	vst v2;
	v2 =	vmul.f32 $9.999999770e-03, v3  }
0x40e: {  	v1 =	vmax.f32 v1, v62;
	v63 =	vmul.f32 $9.999999770e-03, v5  }
0x40f: {  	[tilespmem:s19+$0xFFFFFFC0] =	vst v1;
	v2 =	vmax.f32 v3, v2  }
0x410: {  	[tilespmem:s1+$0xFFFFFFC0] =	vst v2;
	v1 =	vmax.f32 v5, v63  }
0x411: {  	[tilespmem:s1+$0x0] =	vst v1  }
0x412: {  	s2 =	simm.s32 $0x13980;
	s6 =	simm.s32 $0x0;
	s4 =	rddreg [dreg:$0xb]  }
0x413: {  	s0 =	simm.s32 $0x13880;
	s1 =	simm.s32 $0x10;
	s3 =	sadd.s32 $0x0, s4  }
.LBB2_18:
0x414: {  	[hbm4b:s3+s6] =	stream.linear.scatter [tilespmem:s0], [sflag:$0x2], $0x80, $0x38;
	[tilespmem:$0x19800] =	vst v63  }
0x415: {  	s3 =	smov.u32 s1;
	s0 =	smov.u32 s2;
	p0 =	sne.s32 s1, $0x3F0  }
.Ltmp8:
0x416: {  	s1 =	sadd.s32 $0x10, s1;
	(pc) =	sbr.rel @p0 .LBB2_18-.Ltmp8, $2  }
0x417: {  	_ =	sdelay $0x2  }
0x418: {  	s2 =	sadd.s32 $0x100, s2;
	s3 =	sadd.s32 s3, s4  }
0x419: {  	[hbm4b:s3+s6] =	stream.linear.scatter [tilespmem:s0], [sflag:$0x2], $0x80, $0x38;
	[tilespmem:$0x19800] =	vst v63  }
0x41a: {  	s30 =	simm.s32 $0x1  }
0x41b: {  	_ =	swait.ge [sflag:s30], $0x2000  }
0x41c: {  	[sflag:s30] =	ssyncset.done $0x0  }
0x41d: {  	s1 =	simm.s32 $0x2;
	[sflag:s30] =	ssyncadd.s32 $0xFFFFE000  }
0x41e: {  	_ =	swait.ge [sflag:s1], $0x2000  }
0x41f: {  	s2 =	rddreg [dreg:$0xd]  }
0x420: {  	s31 =	rddreg [dreg:$0xc];
	s2 =	sadd.s32 $0x1, s2  }
0x421: {  	p0 =	sne.s32 s2, s31  }
.Ltmp9:
0x422: {  	_ = 	snop;
	(pc) =	sbr.rel @p0 .LBB2_1-.Ltmp9, $3  }
0x423: {  	_ =	sdelay $0x1  }
0x424: {  	[sflag:s1] =	ssyncset.done $0x0  }
0x425: {  	s7 =	simm.s32 $0x17800;
	[sflag:s1] =	ssyncadd.s32 $0xFFFFE000  }
0x426: {  	_ =	sfence.sel $0x180000  }
0x427: {  	[bflag:$0x0] =	sbarrier.arrive $0xFFFF  }
0x428: {  	_ =	strace $0x90000047  }
0x429: {  	s0 =	stileid.u32;
	[bflag:$0x2] =	sbarrier.arrive $0xFFFF  }
0x42a: {  	p0 =	sne.s32 s0, $0x0;
	s0 =	rddreg [dreg:$0x3]  }
0x42b: {  	s0 =	sadd.s32 @!p0 $0x100000, s0  }
0x42c: {  	[sflag:s0] =	ssyncadd.tile.s32 @!p0 $0x1;
	_ =	shalt  }
.Lfunc_end2:
_tile_overlayer_lowered:
.L_overlay_start_2:
0x42d: {  	(tag) =	ssettag $0x2  }
0x42e: {  	s0 =	rddreg [dreg:$0x0];
	s2 =	stileid.u32  }
0x42f: {  	s1 =	rddreg [dreg:$0x1];
	p0 =	sne.s32 s2, $0x0  }
0x430: {  	s3 =	rddreg [dreg:$0x2];
	[bflag:$0x3] =	sbarrier.arrive $0xFFFF;
	s2 =	simm.s32 @!p0 $0x1C04  }
0x431: {  	[timem:s3], [sflag:s2] =	dma.local @!p0 [hbm:s0], s1  }
0x432: {  	s0 =	simm.s32 @!p0 $0x4  }
0x433: {  	_ =	swait.ge @!p0 [sflag:s0], s1  }
0x434: {  	s1 =	ssub.s32 @!p0 $0x0, s1;
	[sflag:s0] =	ssyncset.done @!p0 $0x0  }
0x435: {  	[sflag:s0] =	ssyncadd.s32 @!p0 s1  }
0x436: {  	[bflag:$0x3] =	sbarrier.arrive $0xFFFF  }
0x437: {  	_ =	shalt  }

</sc_bundles>
